<compile_context>
chip_gen: v7x
topology: tpu7x:2x2x1
jax: 0.10.2.dev20260603
libtpu: 0.0.44.dev20260713+nightly
codegen_flags: <defaults>
</compile_context>

<pallas_src>
import functools

import jax
import jax.numpy as jnp
from jax import lax
from jax.experimental import pallas as pl
from jax.experimental.pallas import tpu as pltpu
from jax.experimental.pallas import tpu_sc as plsc

N = 100000
E = 6400000

NC = 2
NS = 16
NW = NC * NS
L = 16

CHUNK_E = 2560
CHUNKS = E // CHUNK_E

NSLICE = 6400
N_PAD = NS * NSLICE
SUB = N_PAD // 128

_mesh = plsc.VectorSubcoreMesh(
    core_axis_name="c", subcore_axis_name="s", num_cores=NC, num_subcores=NS)
_sc_params = pltpu.CompilerParams(needs_layout_passes=False)


def _fill(ref, n, value):
  v = jnp.full((L,), value, jnp.float32)

  @pl.loop(0, n // L, unroll=8)
  def _(i):
    ref[pl.ds(i * L, L)] = v


def _edge_pass_body(with_gather, *refs):
  if with_gather:
    (src_hbm, dst_hbm, table_hbm, out_hbm,
     table_v, idx_s, idx_d, val_v, zbuf, acc_sh, dma_sem, sc_sem) = refs
  else:
    (dst_hbm, out_hbm, idx_d, val_v, zbuf, acc_sh, dma_sem, sc_sem) = refs

  c = lax.axis_index("c")
  s = lax.axis_index("s")
  w = c * NS + s

  base = CHUNKS // NW
  rem = CHUNKS % NW
  nch = base + jnp.where(w < rem, 1, 0)
  ch0 = w * base + jnp.minimum(w, rem)

  def bslice(ref, b):
    return ref.at[pl.ds(pl.multiple_of(b * CHUNK_E, CHUNK_E), CHUNK_E)]

  def start_chunk(ci, b):
    off = pl.multiple_of((ch0 + ci) * CHUNK_E, CHUNK_E)
    if with_gather:
      pltpu.async_copy(src_hbm.at[pl.ds(off, CHUNK_E)], bslice(idx_s, b),
                       dma_sem.at[b])
    pltpu.async_copy(dst_hbm.at[pl.ds(off, CHUNK_E)], bslice(idx_d, b),
                     dma_sem.at[b])

  def wait_chunk(ci, b):
    off = pl.multiple_of((ch0 + ci) * CHUNK_E, CHUNK_E)
    if with_gather:
      pltpu.make_async_copy(src_hbm.at[pl.ds(off, CHUNK_E)], bslice(idx_s, b),
                            dma_sem.at[b]).wait()
    pltpu.make_async_copy(dst_hbm.at[pl.ds(off, CHUNK_E)], bslice(idx_d, b),
                          dma_sem.at[b]).wait()

  def fire_scatters(b):
    vb = b if with_gather else 0
    pltpu.async_copy(bslice(val_v, vb), acc_sh.at[bslice(idx_d, b)],
                     sc_sem.at[b], add=True)

  def drain_scatters(b):
    vb = b if with_gather else 0
    pltpu.make_async_copy(bslice(val_v, vb), acc_sh.at[bslice(idx_d, b)],
                          sc_sem.at[b]).wait()

  _fill(zbuf, NSLICE // 2, 0.0)
  pltpu.sync_copy(zbuf, acc_sh.at[pl.ds(s * NSLICE, NSLICE // 2)])
  pltpu.sync_copy(zbuf, acc_sh.at[pl.ds(s * NSLICE + NSLICE // 2, NSLICE // 2)])

  start_chunk(0, 0)

  if with_gather:
    pltpu.sync_copy(table_hbm, table_v)
  else:
    _fill(val_v, CHUNK_E, 1.0)

  plsc.subcore_barrier()

  @pl.loop(0, nch)
  def _(ci):
    b = ci % 2
    nb = 1 - b

    @pl.when(ci > 0)
    def _():
      drain_scatters(nb)

    @pl.when(ci + 1 < nch)
    def _():
      start_chunk(ci + 1, nb)

    wait_chunk(ci, b)

    if with_gather:
      boff = b * CHUNK_E

      @plsc.parallel_loop(0, CHUNK_E // L, unroll=8)
      def _(g):
        sidx = idx_s[pl.ds(boff + g * L, L)]
        val_v[pl.ds(boff + g * L, L)] = plsc.load_gather(table_v, [sidx])

    fire_scatters(b)

  drain_scatters((nch - 1) % 2)

  plsc.subcore_barrier()
  pltpu.sync_copy(acc_sh.at[pl.ds(s * NSLICE, NSLICE)],
                  out_hbm.at[pl.ds(c * N_PAD + s * NSLICE, NSLICE)])


_scatter_scratch = [
    pltpu.VMEM((2 * CHUNK_E,), jnp.int32),
    pltpu.VMEM((2 * CHUNK_E,), jnp.float32),
    pltpu.VMEM((NSLICE // 2,), jnp.float32),
    pltpu.VMEM_SHARED((N_PAD,), jnp.float32),
    pltpu.SemaphoreType.DMA((2,)),
    pltpu.SemaphoreType.DMA((2,)),
]

_deg_pass = pl.kernel(
    functools.partial(_edge_pass_body, False),
    out_type=jax.ShapeDtypeStruct((NC * N_PAD,), jnp.float32),
    mesh=_mesh,
    scratch_types=_scatter_scratch,
    compiler_params=_sc_params,
    name="sc_degree_pass",
)

_agg_pass = pl.kernel(
    functools.partial(_edge_pass_body, True),
    out_type=jax.ShapeDtypeStruct((NC * N_PAD,), jnp.float32),
    mesh=_mesh,
    scratch_types=[pltpu.VMEM((N_PAD,), jnp.float32),
                   pltpu.VMEM((2 * CHUNK_E,), jnp.int32)] + _scatter_scratch,
    compiler_params=_sc_params,
    name="sc_aggregate_pass",
)


def _tc_norm_body(pdeg_ref, xp_ref, dis_ref, u1_ref):
  deg = pdeg_ref[0] + pdeg_ref[1] + 1.0
  dis = lax.rsqrt(deg)
  dis_ref[...] = dis
  u1_ref[...] = xp_ref[...] * dis


def _tc_mid_body(p1_ref, dis_ref, u1_ref, w1_ref, b1_ref, w2_ref, u2_ref):
  dis = dis_ref[...]
  a1 = dis * (p1_ref[0] + p1_ref[1] + u1_ref[...])
  z = jnp.zeros_like(a1)
  for k in range(16):
    z = z + jnp.maximum(a1 * w1_ref[0, k] + b1_ref[0, k], 0.0) * w2_ref[0, k]
  u2_ref[...] = z * dis


def _tc_out_body(p2_ref, dis_ref, u2_ref, b2_ref, out_ref):
  out_ref[...] = dis_ref[...] * (p2_ref[0] + p2_ref[1] + u2_ref[...]) + b2_ref[0, 0]


_vmem_spec = pl.BlockSpec(memory_space=pltpu.VMEM)
_smem_spec = pl.BlockSpec(memory_space=pltpu.SMEM)
_nd = jax.ShapeDtypeStruct((SUB, 128), jnp.float32)

_tc_norm = pl.pallas_call(
    _tc_norm_body,
    in_specs=[_vmem_spec, _vmem_spec],
    out_specs=[_vmem_spec, _vmem_spec],
    out_shape=[_nd, _nd],
)

_tc_mid = pl.pallas_call(
    _tc_mid_body,
    in_specs=[_vmem_spec, _vmem_spec, _vmem_spec,
              _smem_spec, _smem_spec, _smem_spec],
    out_specs=_vmem_spec,
    out_shape=_nd,
)

_tc_out = pl.pallas_call(
    _tc_out_body,
    in_specs=[_vmem_spec, _vmem_spec, _vmem_spec, _smem_spec],
    out_specs=_vmem_spec,
    out_shape=_nd,
)


@jax.jit
def kernel(x, edge_index, W1, b1, W2, b2):
  src1d = edge_index[0]
  dst1d = edge_index[1]

  xp = jnp.pad(x[:, 0], (0, N_PAD - N)).reshape(SUB, 128)

  pdeg = _deg_pass(dst1d).reshape(NC, SUB, 128)
  dis, u1 = _tc_norm(pdeg, xp)

  p1 = _agg_pass(src1d, dst1d, u1.reshape(N_PAD)).reshape(NC, SUB, 128)
  u2 = _tc_mid(p1, dis, u1,
               W1.reshape(1, 16), b1.reshape(1, 16), W2.reshape(1, 16))

  p2 = _agg_pass(src1d, dst1d, u2.reshape(N_PAD)).reshape(NC, SUB, 128)
  out = _tc_out(p2, dis, u2, b2.reshape(1, 1))

  return out.reshape(N_PAD)[:N].reshape(N, 1)

# --- scband reference (transcript-rebuilt; emitter-appended) ---
"""Pipeline reference for scband-traffic-gnn-17188459118980 (READ-ONLY COPY).

The authoritative reference and input builder live on the scoring server;
editing this copy changes nothing except your own understanding.
"""

import jax, jax.numpy as jnp
import numpy as np

N = 100000
E = 6400000

def gcn_conv(x, edge_index, W, b):
    # Faithful PyG-style GCNConv: add self-loops, symmetric deg^{-1/2} normalization,
    # linear transform, scatter-add aggregation, bias.
    n = x.shape[0]
    loop = jnp.arange(n, dtype=edge_index.dtype)
    src = jnp.concatenate([edge_index[0], loop])
    dst = jnp.concatenate([edge_index[1], loop])
    deg = jnp.zeros((n,), dtype=x.dtype).at[dst].add(1.0)
    dis = jnp.where(deg > 0, jax.lax.rsqrt(jnp.where(deg > 0, deg, 1.0)), 0.0)
    norm = dis[src] * dis[dst]
    h = x @ W
    msg = h[src] * norm[:, None]
    out = jnp.zeros((n, W.shape[1]), dtype=x.dtype).at[dst].add(msg)
    return out + b

def setup_inputs(seed: int = 0):
    key = jax.random.key(seed)
    k1, k2, k3, k4 = jax.random.split(key, 4)
    x = jax.random.normal(k1, (N, 1), dtype=jnp.float32)
    edge_index = jax.random.randint(k2, (2, E), 0, N, dtype=jnp.int32)
    W1 = jax.random.normal(k3, (1, 16), dtype=jnp.float32) * 0.5
    b1 = jnp.zeros((16,), dtype=jnp.float32)
    W2 = jax.random.normal(k4, (16, 1), dtype=jnp.float32) * 0.25
    b2 = jnp.zeros((1,), dtype=jnp.float32)
    return {"x": x, "edge_index": edge_index, "W1": W1, "b1": b1, "W2": W2, "b2": b2}

def reference(x, edge_index, W1, b1, W2, b2):
    h = gcn_conv(x, edge_index, W1, b1)
    h = jax.nn.relu(h)
    out = gcn_conv(h, edge_index, W2, b2)
    return out

if __name__ == "__main__":
    import jax
    _d = setup_inputs()
    print(jax.jit(kernel)(*tuple(_d.values())))

</pallas_src>

<mosaic_0001>
#map = affine_map<(d0, d1) -> (0)>
module attributes {stable_mosaic.version = 14 : i64} {
  func.func @sc_aggregate_pass(%arg0: i32, %arg1: i32, %arg2: memref<6400000xi32, #tpu.memory_space<hbm>>, %arg3: memref<6400000xi32, #tpu.memory_space<hbm>>, %arg4: memref<102400xf32, #tpu.memory_space<hbm>>, %arg5: memref<204800xf32, #tpu.memory_space<hbm>>, %arg6: memref<102400xf32, #tpu.memory_space<vmem>>, %arg7: memref<5120xi32, #tpu.memory_space<vmem>>, %arg8: memref<5120xi32, #tpu.memory_space<vmem>>, %arg9: memref<5120xf32, #tpu.memory_space<vmem>>, %arg10: memref<3200xf32, #tpu.memory_space<vmem>>, %arg11: memref<102400xf32, #tpu.memory_space<vmem_shared>>, %arg12: memref<2x!tpu.dma_semaphore, #tpu.memory_space<semaphore_mem>>, %arg13: memref<2x!tpu.dma_semaphore, #tpu.memory_space<semaphore_mem>>) attributes {dimension_semantics = [#tpu.dimension_semantics<core_parallel>, #tpu.dimension_semantics<subcore_parallel>], iteration_bounds = array<i64: 2, 16>, scalar_prefetch = 0 : i64, scratch_operands = 8 : i64, tpu.core_type = #tpu.core_type<sc_vector_subcore>, window_params = [{transform_indices = #map}, {transform_indices = #map}, {transform_indices = #map}, {transform_indices = #map}]} {
    %mul3A = arith.constant 16 : i32
    %mul3A_0 = arith.muli %arg0, %mul3A : i32
    %add3A = arith.addi %mul3A_0, %arg1 : i32
    %lt3A = arith.constant 4 : i32
    %lt3A_1 = arith.cmpi slt, %add3A, %lt3A : i32
    %jit3A = arith.constant 1 : i32
    %jit3A_2 = arith.constant 0 : i32
    %select_n3A = arith.select %lt3A_1, %jit3A, %jit3A_2 : i32
    %add3A_3 = arith.constant 78 : i32
    %add3A_4 = arith.addi %add3A_3, %select_n3A : i32
    %mul3A_5 = arith.constant 78 : i32
    %mul3A_6 = arith.muli %add3A, %mul3A_5 : i32
    %min3A = arith.constant 4 : i32
    %min3A_7 = arith.minsi %add3A, %min3A : i32
    %add3A_8 = arith.addi %mul3A_6, %min3A_7 : i32
    %broadcast_in_dim3A = arith.constant 0.000000e+00 : f32
    %broadcast_in_dim3A_9 = vector.broadcast %broadcast_in_dim3A : f32 to vector<16xf32>
    %scan3A = arith.constant 0 : i32
    %scan3A_10 = arith.constant 200 : i32
    %scan3A_11 = arith.addi %scan3A, %scan3A_10 : i32
    %scan3A_12 = arith.constant 8 : i32
    scf.for %scan3A_90 = %scan3A to %scan3A_11 step %scan3A_12  : i32 {
      %mul3A_91 = arith.constant 1 : i32
      %mul3A_92 = arith.muli %scan3A_90, %mul3A_91 : i32
      %add3A_93 = arith.constant 0 : i32
      %add3A_94 = arith.addi %add3A_93, %mul3A_92 : i32
      %mul3A_95 = arith.constant 16 : i32
      %mul3A_96 = arith.muli %add3A_94, %mul3A_95 : i32
      %swap3A = arith.index_cast %mul3A_96 : i32 to index
      %swap3A_97 = tpu.vector_load %arg10[%swap3A] {strides = array<i32>} : memref<3200xf32, #tpu.memory_space<vmem>>, vector<16xf32>,
      tpu.vector_store %arg10[%swap3A], %broadcast_in_dim3A_9 {strides = array<i32>} : memref<3200xf32, #tpu.memory_space<vmem>>, vector<16xf32>,
      %scan3A_98 = arith.constant 1 : i32
      %scan3A_99 = arith.addi %scan3A_90, %scan3A_98 : i32
      %mul3A_100 = arith.constant 1 : i32
      %mul3A_101 = arith.muli %scan3A_99, %mul3A_100 : i32
      %add3A_102 = arith.constant 0 : i32
      %add3A_103 = arith.addi %add3A_102, %mul3A_101 : i32
      %mul3A_104 = arith.constant 16 : i32
      %mul3A_105 = arith.muli %add3A_103, %mul3A_104 : i32
      %swap3A_106 = arith.index_cast %mul3A_105 : i32 to index
      %swap3A_107 = tpu.vector_load %arg10[%swap3A_106] {strides = array<i32>} : memref<3200xf32, #tpu.memory_space<vmem>>, vector<16xf32>,
      tpu.vector_store %arg10[%swap3A_106], %broadcast_in_dim3A_9 {strides = array<i32>} : memref<3200xf32, #tpu.memory_space<vmem>>, vector<16xf32>,
      %scan3A_108 = arith.constant 2 : i32
      %scan3A_109 = arith.addi %scan3A_90, %scan3A_108 : i32
      %mul3A_110 = arith.constant 1 : i32
      %mul3A_111 = arith.muli %scan3A_109, %mul3A_110 : i32
      %add3A_112 = arith.constant 0 : i32
      %add3A_113 = arith.addi %add3A_112, %mul3A_111 : i32
      %mul3A_114 = arith.constant 16 : i32
      %mul3A_115 = arith.muli %add3A_113, %mul3A_114 : i32
      %swap3A_116 = arith.index_cast %mul3A_115 : i32 to index
      %swap3A_117 = tpu.vector_load %arg10[%swap3A_116] {strides = array<i32>} : memref<3200xf32, #tpu.memory_space<vmem>>, vector<16xf32>,
      tpu.vector_store %arg10[%swap3A_116], %broadcast_in_dim3A_9 {strides = array<i32>} : memref<3200xf32, #tpu.memory_space<vmem>>, vector<16xf32>,
      %scan3A_118 = arith.constant 3 : i32
      %scan3A_119 = arith.addi %scan3A_90, %scan3A_118 : i32
      %mul3A_120 = arith.constant 1 : i32
      %mul3A_121 = arith.muli %scan3A_119, %mul3A_120 : i32
      %add3A_122 = arith.constant 0 : i32
      %add3A_123 = arith.addi %add3A_122, %mul3A_121 : i32
      %mul3A_124 = arith.constant 16 : i32
      %mul3A_125 = arith.muli %add3A_123, %mul3A_124 : i32
      %swap3A_126 = arith.index_cast %mul3A_125 : i32 to index
      %swap3A_127 = tpu.vector_load %arg10[%swap3A_126] {strides = array<i32>} : memref<3200xf32, #tpu.memory_space<vmem>>, vector<16xf32>,
      tpu.vector_store %arg10[%swap3A_126], %broadcast_in_dim3A_9 {strides = array<i32>} : memref<3200xf32, #tpu.memory_space<vmem>>, vector<16xf32>,
      %scan3A_128 = arith.constant 4 : i32
      %scan3A_129 = arith.addi %scan3A_90, %scan3A_128 : i32
      %mul3A_130 = arith.constant 1 : i32
      %mul3A_131 = arith.muli %scan3A_129, %mul3A_130 : i32
      %add3A_132 = arith.constant 0 : i32
      %add3A_133 = arith.addi %add3A_132, %mul3A_131 : i32
      %mul3A_134 = arith.constant 16 : i32
      %mul3A_135 = arith.muli %add3A_133, %mul3A_134 : i32
      %swap3A_136 = arith.index_cast %mul3A_135 : i32 to index
      %swap3A_137 = tpu.vector_load %arg10[%swap3A_136] {strides = array<i32>} : memref<3200xf32, #tpu.memory_space<vmem>>, vector<16xf32>,
      tpu.vector_store %arg10[%swap3A_136], %broadcast_in_dim3A_9 {strides = array<i32>} : memref<3200xf32, #tpu.memory_space<vmem>>, vector<16xf32>,
      %scan3A_138 = arith.constant 5 : i32
      %scan3A_139 = arith.addi %scan3A_90, %scan3A_138 : i32
      %mul3A_140 = arith.constant 1 : i32
      %mul3A_141 = arith.muli %scan3A_139, %mul3A_140 : i32
      %add3A_142 = arith.constant 0 : i32
      %add3A_143 = arith.addi %add3A_142, %mul3A_141 : i32
      %mul3A_144 = arith.constant 16 : i32
      %mul3A_145 = arith.muli %add3A_143, %mul3A_144 : i32
      %swap3A_146 = arith.index_cast %mul3A_145 : i32 to index
      %swap3A_147 = tpu.vector_load %arg10[%swap3A_146] {strides = array<i32>} : memref<3200xf32, #tpu.memory_space<vmem>>, vector<16xf32>,
      tpu.vector_store %arg10[%swap3A_146], %broadcast_in_dim3A_9 {strides = array<i32>} : memref<3200xf32, #tpu.memory_space<vmem>>, vector<16xf32>,
      %scan3A_148 = arith.constant 6 : i32
      %scan3A_149 = arith.addi %scan3A_90, %scan3A_148 : i32
      %mul3A_150 = arith.constant 1 : i32
      %mul3A_151 = arith.muli %scan3A_149, %mul3A_150 : i32
      %add3A_152 = arith.constant 0 : i32
      %add3A_153 = arith.addi %add3A_152, %mul3A_151 : i32
      %mul3A_154 = arith.constant 16 : i32
      %mul3A_155 = arith.muli %add3A_153, %mul3A_154 : i32
      %swap3A_156 = arith.index_cast %mul3A_155 : i32 to index
      %swap3A_157 = tpu.vector_load %arg10[%swap3A_156] {strides = array<i32>} : memref<3200xf32, #tpu.memory_space<vmem>>, vector<16xf32>,
      tpu.vector_store %arg10[%swap3A_156], %broadcast_in_dim3A_9 {strides = array<i32>} : memref<3200xf32, #tpu.memory_space<vmem>>, vector<16xf32>,
      %scan3A_158 = arith.constant 7 : i32
      %scan3A_159 = arith.addi %scan3A_90, %scan3A_158 : i32
      %mul3A_160 = arith.constant 1 : i32
      %mul3A_161 = arith.muli %scan3A_159, %mul3A_160 : i32
      %add3A_162 = arith.constant 0 : i32
      %add3A_163 = arith.addi %add3A_162, %mul3A_161 : i32
      %mul3A_164 = arith.constant 16 : i32
      %mul3A_165 = arith.muli %add3A_163, %mul3A_164 : i32
      %swap3A_166 = arith.index_cast %mul3A_165 : i32 to index
      %swap3A_167 = tpu.vector_load %arg10[%swap3A_166] {strides = array<i32>} : memref<3200xf32, #tpu.memory_space<vmem>>, vector<16xf32>,
      tpu.vector_store %arg10[%swap3A_166], %broadcast_in_dim3A_9 {strides = array<i32>} : memref<3200xf32, #tpu.memory_space<vmem>>, vector<16xf32>,
    }
    %scan3A_13 = arith.constant 200 : i32
    %mul3A_14 = arith.constant 6400 : i32
    %mul3A_15 = arith.muli %arg1, %mul3A_14 : i32
    "tpu.region"() ({
      %run_scoped3A = tpu.sem_alloc : memref<!tpu.dma_semaphore, #tpu.memory_space<semaphore_mem>>
      %dma_start3A_90 = tpu.memref_slice %arg11[%mul3A_15] : memref<102400xf32, #tpu.memory_space<vmem_shared>> -> memref<3200xf32, #tpu.memory_space<vmem_shared>>
      %dma_start3A_91 = tpu.memref_slice %arg11[%mul3A_15] : memref<102400xf32, #tpu.memory_space<vmem_shared>> -> memref<3200xf32, #tpu.memory_space<vmem_shared>>
      tpu.enqueue_dma source(%arg10 : memref<3200xf32, #tpu.memory_space<vmem>>) target(%dma_start3A_91 : memref<3200xf32, #tpu.memory_space<vmem_shared>>) target_semaphore(%run_scoped3A : memref<!tpu.dma_semaphore, #tpu.memory_space<semaphore_mem>>)
      %dma_wait3A_92 = tpu.memref_slice %arg11[%mul3A_15] : memref<102400xf32, #tpu.memory_space<vmem_shared>> -> memref<3200xf32, #tpu.memory_space<vmem_shared>>
      %dma_wait3A_93 = tpu.memref_slice %arg11[%mul3A_15] : memref<102400xf32, #tpu.memory_space<vmem_shared>> -> memref<3200xf32, #tpu.memory_space<vmem_shared>>
      tpu.wait_dma2 semaphore(%run_scoped3A : memref<!tpu.dma_semaphore, #tpu.memory_space<semaphore_mem>>) src(%arg10 : memref<3200xf32, #tpu.memory_space<vmem>>) dst(%dma_wait3A_93 : memref<3200xf32, #tpu.memory_space<vmem_shared>>)
      tpu.yield
    }) : () -> ()
    %mul3A_16 = arith.constant 6400 : i32
    %mul3A_17 = arith.muli %arg1, %mul3A_16 : i32
    %add3A_18 = arith.constant 3200 : i32
    %add3A_19 = arith.addi %mul3A_17, %add3A_18 : i32
    "tpu.region"() ({
      %run_scoped3A = tpu.sem_alloc : memref<!tpu.dma_semaphore, #tpu.memory_space<semaphore_mem>>
      %dma_start3A_90 = tpu.memref_slice %arg11[%add3A_19] : memref<102400xf32, #tpu.memory_space<vmem_shared>> -> memref<3200xf32, #tpu.memory_space<vmem_shared>>
      %dma_start3A_91 = tpu.memref_slice %arg11[%add3A_19] : memref<102400xf32, #tpu.memory_space<vmem_shared>> -> memref<3200xf32, #tpu.memory_space<vmem_shared>>
      tpu.enqueue_dma source(%arg10 : memref<3200xf32, #tpu.memory_space<vmem>>) target(%dma_start3A_91 : memref<3200xf32, #tpu.memory_space<vmem_shared>>) target_semaphore(%run_scoped3A : memref<!tpu.dma_semaphore, #tpu.memory_space<semaphore_mem>>)
      %dma_wait3A_92 = tpu.memref_slice %arg11[%add3A_19] : memref<102400xf32, #tpu.memory_space<vmem_shared>> -> memref<3200xf32, #tpu.memory_space<vmem_shared>>
      %dma_wait3A_93 = tpu.memref_slice %arg11[%add3A_19] : memref<102400xf32, #tpu.memory_space<vmem_shared>> -> memref<3200xf32, #tpu.memory_space<vmem_shared>>
      tpu.wait_dma2 semaphore(%run_scoped3A : memref<!tpu.dma_semaphore, #tpu.memory_space<semaphore_mem>>) src(%arg10 : memref<3200xf32, #tpu.memory_space<vmem>>) dst(%dma_wait3A_93 : memref<3200xf32, #tpu.memory_space<vmem_shared>>)
      tpu.yield
    }) : () -> ()
    %add3A_20 = arith.constant 0 : i32
    %add3A_21 = arith.addi %add3A_8, %add3A_20 : i32
    %mul3A_22 = arith.constant 2560 : i32
    %mul3A_23 = arith.muli %add3A_21, %mul3A_22 : i32
    %multiple_of3A = tpu.assume_multiple %mul3A_23, 2560 : i32
    %multiple_of3A_24 = arith.constant 0 : i32
    %multiple_of3A_25 = tpu.assume_multiple %multiple_of3A_24, 2560 : i32
    %dma_start3A = arith.constant 0 : i32
    %dma_start3A_26 = tpu.memref_slice %arg7[%multiple_of3A_25] : memref<5120xi32, #tpu.memory_space<vmem>> -> memref<2560xi32, #tpu.memory_space<vmem>>
    %dma_start3A_27 = tpu.memref_slice %arg2[%multiple_of3A] : memref<6400000xi32, #tpu.memory_space<hbm>> -> memref<2560xi32, #tpu.memory_space<hbm>>
    %dma_start3A_28 = tpu.memref_slice %arg12[%dma_start3A] : memref<2x!tpu.dma_semaphore, #tpu.memory_space<semaphore_mem>> -> memref<1x!tpu.dma_semaphore, #tpu.memory_space<semaphore_mem>>
    %dma_start3A_29 = tpu.memref_squeeze %dma_start3A_28 : memref<1x!tpu.dma_semaphore, #tpu.memory_space<semaphore_mem>> -> memref<!tpu.dma_semaphore, #tpu.memory_space<semaphore_mem>>
    %dma_start3A_30 = tpu.memref_slice %arg7[%multiple_of3A_25] : memref<5120xi32, #tpu.memory_space<vmem>> -> memref<2560xi32, #tpu.memory_space<vmem>>
    %dma_start3A_31 = tpu.memref_slice %arg2[%multiple_of3A] : memref<6400000xi32, #tpu.memory_space<hbm>> -> memref<2560xi32, #tpu.memory_space<hbm>>
    tpu.enqueue_dma source(%dma_start3A_31 : memref<2560xi32, #tpu.memory_space<hbm>>) target(%dma_start3A_30 : memref<2560xi32, #tpu.memory_space<vmem>>) target_semaphore(%dma_start3A_29 : memref<!tpu.dma_semaphore, #tpu.memory_space<semaphore_mem>>)
    %multiple_of3A_32 = arith.constant 0 : i32
    %multiple_of3A_33 = tpu.assume_multiple %multiple_of3A_32, 2560 : i32
    %dma_start3A_34 = arith.constant 0 : i32
    %dma_start3A_35 = tpu.memref_slice %arg8[%multiple_of3A_33] : memref<5120xi32, #tpu.memory_space<vmem>> -> memref<2560xi32, #tpu.memory_space<vmem>>
    %dma_start3A_36 = tpu.memref_slice %arg3[%multiple_of3A] : memref<6400000xi32, #tpu.memory_space<hbm>> -> memref<2560xi32, #tpu.memory_space<hbm>>
    %dma_start3A_37 = tpu.memref_slice %arg12[%dma_start3A_34] : memref<2x!tpu.dma_semaphore, #tpu.memory_space<semaphore_mem>> -> memref<1x!tpu.dma_semaphore, #tpu.memory_space<semaphore_mem>>
    %dma_start3A_38 = tpu.memref_squeeze %dma_start3A_37 : memref<1x!tpu.dma_semaphore, #tpu.memory_space<semaphore_mem>> -> memref<!tpu.dma_semaphore, #tpu.memory_space<semaphore_mem>>
    %dma_start3A_39 = tpu.memref_slice %arg8[%multiple_of3A_33] : memref<5120xi32, #tpu.memory_space<vmem>> -> memref<2560xi32, #tpu.memory_space<vmem>>
    %dma_start3A_40 = tpu.memref_slice %arg3[%multiple_of3A] : memref<6400000xi32, #tpu.memory_space<hbm>> -> memref<2560xi32, #tpu.memory_space<hbm>>
    tpu.enqueue_dma source(%dma_start3A_40 : memref<2560xi32, #tpu.memory_space<hbm>>) target(%dma_start3A_39 : memref<2560xi32, #tpu.memory_space<vmem>>) target_semaphore(%dma_start3A_38 : memref<!tpu.dma_semaphore, #tpu.memory_space<semaphore_mem>>)
    "tpu.region"() ({
      %run_scoped3A = tpu.sem_alloc : memref<!tpu.dma_semaphore, #tpu.memory_space<semaphore_mem>>
      tpu.enqueue_dma source(%arg4 : memref<102400xf32, #tpu.memory_space<hbm>>) target(%arg6 : memref<102400xf32, #tpu.memory_space<vmem>>) target_semaphore(%run_scoped3A : memref<!tpu.dma_semaphore, #tpu.memory_space<semaphore_mem>>)
      tpu.wait_dma2 semaphore(%run_scoped3A : memref<!tpu.dma_semaphore, #tpu.memory_space<semaphore_mem>>) src(%arg4 : memref<102400xf32, #tpu.memory_space<hbm>>) dst(%arg6 : memref<102400xf32, #tpu.memory_space<vmem>>)
      tpu.yield
    }) : () -> ()
    %barrier3A = arith.constant 0 : index
    tpu.barrier barrier_id(%barrier3A)
    %sub3A = arith.constant 0 : i32
    %sub3A_41 = arith.subi %add3A_4, %sub3A : i32
    %sub3A_42 = arith.constant 1 : i32
    %sub3A_43 = arith.constant 1 : i32
    %sub3A_44 = arith.subi %sub3A_42, %sub3A_43 : i32
    %add3A_45 = arith.addi %sub3A_41, %sub3A_44 : i32
    %div3A = arith.constant 1 : i32
    %div3A_46 = arith.divsi %add3A_45, %div3A : i32
    %while3A = arith.constant 1 : i32
    %while3A_47 = arith.constant 0 : i32
    %while3A_48 = arith.constant 0 : i32
    %while3A_49 = arith.subi %div3A_46, %while3A_48 : i32
    %while3A_50 = arith.addi %while3A_48, %while3A_49 : i32
    %while3A_51 = arith.constant 1 : i32
    %while3A_52 = arith.divsi %while3A_49, %while3A_51 : i32
    %while3A_53 = arith.muli %while3A_52, %while3A_51 : i32
    %while3A_54 = arith.addi %while3A_48, %while3A_53 : i32
    %while3A_55 = arith.constant 1 : i32
    scf.for %while3A_90 = %while3A_48 to %while3A_54 step %while3A_55  : i32 {
      %mul3A_91 = arith.muli %while3A_90, %while3A : i32
      %add3A_92 = arith.addi %while3A_47, %mul3A_91 : i32
      %jit3A_93 = arith.constant 2 : i32
      %eq3A_94 = arith.constant 0 : i32
      %eq3A_95 = arith.cmpi eq, %jit3A_93, %eq3A_94 : i32
      %jit3A_96 = arith.constant 1 : i32
      %select_n3A_97 = arith.select %eq3A_95, %jit3A_96, %jit3A_93 : i32
      %rem3A_98 = arith.remsi %add3A_92, %select_n3A_97 : i32
      %ne3A_99 = arith.constant 0 : i32
      %ne3A_100 = arith.cmpi ne, %rem3A_98, %ne3A_99 : i32
      %lt3A_101 = arith.constant 0 : i32
      %lt3A_102 = arith.cmpi slt, %rem3A_98, %lt3A_101 : i32
      %lt3A_103 = arith.constant 0 : i32
      %lt3A_104 = arith.cmpi slt, %select_n3A_97, %lt3A_103 : i32
      %ne3A_105 = arith.xori %lt3A_102, %lt3A_104 : i1
      %and3A_106 = arith.andi %ne3A_105, %ne3A_100 : i1
      %add3A_107 = arith.addi %rem3A_98, %select_n3A_97 : i32
      %select_n3A_108 = arith.select %and3A_106, %add3A_107, %rem3A_98 : i32
      %sub3A_109 = arith.constant 1 : i32
      %sub3A_110 = arith.subi %sub3A_109, %select_n3A_108 : i32
      %gt3A = arith.constant 0 : i32
      %gt3A_111 = arith.cmpi sgt, %add3A_92, %gt3A : i32
      %convert_element_type3A = arith.extui %gt3A_111 : i1 to i32
      %cond3A = arith.constant 0 : i32
      %cond3A_112 = arith.cmpi ne, %convert_element_type3A, %cond3A : i32
      scf.if %cond3A_112 {
        %mul3A_157 = arith.constant 2560 : i32
        %mul3A_158 = arith.muli %sub3A_110, %mul3A_157 : i32
        %multiple_of3A_159 = tpu.assume_multiple %mul3A_158, 2560 : i32
        %mul3A_160 = arith.constant 2560 : i32
        %mul3A_161 = arith.muli %sub3A_110, %mul3A_160 : i32
        %multiple_of3A_162 = tpu.assume_multiple %mul3A_161, 2560 : i32
        %dma_wait3A_163 = tpu.memref_slice %arg9[%multiple_of3A_159] : memref<5120xf32, #tpu.memory_space<vmem>> -> memref<2560xf32, #tpu.memory_space<vmem>>
        %dma_wait3A_164 = tpu.memref_slice %arg8[%multiple_of3A_162] : memref<5120xi32, #tpu.memory_space<vmem>> -> memref<2560xi32, #tpu.memory_space<vmem>>
        %dma_wait3A_165 = arith.constant 0 : i32
        %dma_wait3A_166 = tpu.memref_slice %arg11[%dma_wait3A_165] : memref<102400xf32, #tpu.memory_space<vmem_shared>> -> memref<102400xf32, #tpu.memory_space<vmem_shared>>
        %dma_wait3A_167 = tpu.memref_slice %arg13[%sub3A_110] : memref<2x!tpu.dma_semaphore, #tpu.memory_space<semaphore_mem>> -> memref<1x!tpu.dma_semaphore, #tpu.memory_space<semaphore_mem>>
        %dma_wait3A_168 = tpu.memref_squeeze %dma_wait3A_167 : memref<1x!tpu.dma_semaphore, #tpu.memory_space<semaphore_mem>> -> memref<!tpu.dma_semaphore, #tpu.memory_space<semaphore_mem>>
        tpu.wait_indirect_dma semaphore(%dma_wait3A_168 : memref<!tpu.dma_semaphore, #tpu.memory_space<semaphore_mem>>) src(%dma_wait3A_163 : memref<2560xf32, #tpu.memory_space<vmem>>) dst(%dma_wait3A_166 : memref<102400xf32, #tpu.memory_space<vmem_shared>>)
      } else {
      }
      %add3A_113 = arith.constant 1 : i32
      %add3A_114 = arith.addi %add3A_92, %add3A_113 : i32
      %lt3A_115 = arith.cmpi slt, %add3A_114, %add3A_4 : i32
      %convert_element_type3A_116 = arith.extui %lt3A_115 : i1 to i32
      %cond3A_117 = arith.constant 0 : i32
      %cond3A_118 = arith.cmpi ne, %convert_element_type3A_116, %cond3A_117 : i32
      scf.if %cond3A_118 {
        %add3A_157 = arith.constant 1 : i32
        %add3A_158 = arith.addi %add3A_92, %add3A_157 : i32
        %add3A_159 = arith.addi %add3A_8, %add3A_158 : i32
        %mul3A_160 = arith.constant 2560 : i32
        %mul3A_161 = arith.muli %add3A_159, %mul3A_160 : i32
        %multiple_of3A_162 = tpu.assume_multiple %mul3A_161, 2560 : i32
        %mul3A_163 = arith.constant 2560 : i32
        %mul3A_164 = arith.muli %sub3A_110, %mul3A_163 : i32
        %multiple_of3A_165 = tpu.assume_multiple %mul3A_164, 2560 : i32
        %dma_start3A_166 = tpu.memref_slice %arg7[%multiple_of3A_165] : memref<5120xi32, #tpu.memory_space<vmem>> -> memref<2560xi32, #tpu.memory_space<vmem>>
        %dma_start3A_167 = tpu.memref_slice %arg2[%multiple_of3A_162] : memref<6400000xi32, #tpu.memory_space<hbm>> -> memref<2560xi32, #tpu.memory_space<hbm>>
        %dma_start3A_168 = tpu.memref_slice %arg12[%sub3A_110] : memref<2x!tpu.dma_semaphore, #tpu.memory_space<semaphore_mem>> -> memref<1x!tpu.dma_semaphore, #tpu.memory_space<semaphore_mem>>
        %dma_start3A_169 = tpu.memref_squeeze %dma_start3A_168 : memref<1x!tpu.dma_semaphore, #tpu.memory_space<semaphore_mem>> -> memref<!tpu.dma_semaphore, #tpu.memory_space<semaphore_mem>>
        %dma_start3A_170 = tpu.memref_slice %arg7[%multiple_of3A_165] : memref<5120xi32, #tpu.memory_space<vmem>> -> memref<2560xi32, #tpu.memory_space<vmem>>
        %dma_start3A_171 = tpu.memref_slice %arg2[%multiple_of3A_162] : memref<6400000xi32, #tpu.memory_space<hbm>> -> memref<2560xi32, #tpu.memory_space<hbm>>
        tpu.enqueue_dma source(%dma_start3A_171 : memref<2560xi32, #tpu.memory_space<hbm>>) target(%dma_start3A_170 : memref<2560xi32, #tpu.memory_space<vmem>>) target_semaphore(%dma_start3A_169 : memref<!tpu.dma_semaphore, #tpu.memory_space<semaphore_mem>>)
        %mul3A_172 = arith.constant 2560 : i32
        %mul3A_173 = arith.muli %sub3A_110, %mul3A_172 : i32
        %multiple_of3A_174 = tpu.assume_multiple %mul3A_173, 2560 : i32
        %dma_start3A_175 = tpu.memref_slice %arg8[%multiple_of3A_174] : memref<5120xi32, #tpu.memory_space<vmem>> -> memref<2560xi32, #tpu.memory_space<vmem>>
        %dma_start3A_176 = tpu.memref_slice %arg3[%multiple_of3A_162] : memref<6400000xi32, #tpu.memory_space<hbm>> -> memref<2560xi32, #tpu.memory_space<hbm>>
        %dma_start3A_177 = tpu.memref_slice %arg12[%sub3A_110] : memref<2x!tpu.dma_semaphore, #tpu.memory_space<semaphore_mem>> -> memref<1x!tpu.dma_semaphore, #tpu.memory_space<semaphore_mem>>
        %dma_start3A_178 = tpu.memref_squeeze %dma_start3A_177 : memref<1x!tpu.dma_semaphore, #tpu.memory_space<semaphore_mem>> -> memref<!tpu.dma_semaphore, #tpu.memory_space<semaphore_mem>>
        %dma_start3A_179 = tpu.memref_slice %arg8[%multiple_of3A_174] : memref<5120xi32, #tpu.memory_space<vmem>> -> memref<2560xi32, #tpu.memory_space<vmem>>
        %dma_start3A_180 = tpu.memref_slice %arg3[%multiple_of3A_162] : memref<6400000xi32, #tpu.memory_space<hbm>> -> memref<2560xi32, #tpu.memory_space<hbm>>
        tpu.enqueue_dma source(%dma_start3A_180 : memref<2560xi32, #tpu.memory_space<hbm>>) target(%dma_start3A_179 : memref<2560xi32, #tpu.memory_space<vmem>>) target_semaphore(%dma_start3A_178 : memref<!tpu.dma_semaphore, #tpu.memory_space<semaphore_mem>>)
      } else {
      }
      %add3A_119 = arith.addi %add3A_8, %add3A_92 : i32
      %mul3A_120 = arith.constant 2560 : i32
      %mul3A_121 = arith.muli %add3A_119, %mul3A_120 : i32
      %multiple_of3A_122 = tpu.assume_multiple %mul3A_121, 2560 : i32
      %mul3A_123 = arith.constant 2560 : i32
      %mul3A_124 = arith.muli %select_n3A_108, %mul3A_123 : i32
      %multiple_of3A_125 = tpu.assume_multiple %mul3A_124, 2560 : i32
      %dma_wait3A_126 = tpu.memref_slice %arg7[%multiple_of3A_125] : memref<5120xi32, #tpu.memory_space<vmem>> -> memref<2560xi32, #tpu.memory_space<vmem>>
      %dma_wait3A_127 = tpu.memref_slice %arg2[%multiple_of3A_122] : memref<6400000xi32, #tpu.memory_space<hbm>> -> memref<2560xi32, #tpu.memory_space<hbm>>
      %dma_wait3A_128 = tpu.memref_slice %arg12[%select_n3A_108] : memref<2x!tpu.dma_semaphore, #tpu.memory_space<semaphore_mem>> -> memref<1x!tpu.dma_semaphore, #tpu.memory_space<semaphore_mem>>
      %dma_wait3A_129 = tpu.memref_squeeze %dma_wait3A_128 : memref<1x!tpu.dma_semaphore, #tpu.memory_space<semaphore_mem>> -> memref<!tpu.dma_semaphore, #tpu.memory_space<semaphore_mem>>
      %dma_wait3A_130 = tpu.memref_slice %arg7[%multiple_of3A_125] : memref<5120xi32, #tpu.memory_space<vmem>> -> memref<2560xi32, #tpu.memory_space<vmem>>
      %dma_wait3A_131 = tpu.memref_slice %arg2[%multiple_of3A_122] : memref<6400000xi32, #tpu.memory_space<hbm>> -> memref<2560xi32, #tpu.memory_space<hbm>>
      tpu.wait_dma2 semaphore(%dma_wait3A_129 : memref<!tpu.dma_semaphore, #tpu.memory_space<semaphore_mem>>) src(%dma_wait3A_131 : memref<2560xi32, #tpu.memory_space<hbm>>) dst(%dma_wait3A_130 : memref<2560xi32, #tpu.memory_space<vmem>>)
      %mul3A_132 = arith.constant 2560 : i32
      %mul3A_133 = arith.muli %select_n3A_108, %mul3A_132 : i32
      %multiple_of3A_134 = tpu.assume_multiple %mul3A_133, 2560 : i32
      %dma_wait3A_135 = tpu.memref_slice %arg8[%multiple_of3A_134] : memref<5120xi32, #tpu.memory_space<vmem>> -> memref<2560xi32, #tpu.memory_space<vmem>>
      %dma_wait3A_136 = tpu.memref_slice %arg3[%multiple_of3A_122] : memref<6400000xi32, #tpu.memory_space<hbm>> -> memref<2560xi32, #tpu.memory_space<hbm>>
      %dma_wait3A_137 = tpu.memref_slice %arg12[%select_n3A_108] : memref<2x!tpu.dma_semaphore, #tpu.memory_space<semaphore_mem>> -> memref<1x!tpu.dma_semaphore, #tpu.memory_space<semaphore_mem>>
      %dma_wait3A_138 = tpu.memref_squeeze %dma_wait3A_137 : memref<1x!tpu.dma_semaphore, #tpu.memory_space<semaphore_mem>> -> memref<!tpu.dma_semaphore, #tpu.memory_space<semaphore_mem>>
      %dma_wait3A_139 = tpu.memref_slice %arg8[%multiple_of3A_134] : memref<5120xi32, #tpu.memory_space<vmem>> -> memref<2560xi32, #tpu.memory_space<vmem>>
      %dma_wait3A_140 = tpu.memref_slice %arg3[%multiple_of3A_122] : memref<6400000xi32, #tpu.memory_space<hbm>> -> memref<2560xi32, #tpu.memory_space<hbm>>
      tpu.wait_dma2 semaphore(%dma_wait3A_138 : memref<!tpu.dma_semaphore, #tpu.memory_space<semaphore_mem>>) src(%dma_wait3A_140 : memref<2560xi32, #tpu.memory_space<hbm>>) dst(%dma_wait3A_139 : memref<2560xi32, #tpu.memory_space<vmem>>)
      %mul3A_141 = arith.constant 2560 : i32
      %mul3A_142 = arith.muli %select_n3A_108, %mul3A_141 : i32
      %parallel_loop3A = arith.constant 0 : i32
      %parallel_loop3A_143 = arith.constant 160 : i32
      %parallel_loop3A_144 = arith.constant 1 : i32
      scf.for %parallel_loop3A_157 = %parallel_loop3A to %parallel_loop3A_143 step %parallel_loop3A_144  : i32 {
        %parallel_loop3A_158 = arith.constant 16 : i32
        %parallel_loop3A_159 = arith.muli %parallel_loop3A_157, %parallel_loop3A_158 : i32
        %parallel_loop3A_160 = arith.addi %mul3A_142, %parallel_loop3A_159 : i32
        %parallel_loop3A_161 = arith.index_cast %parallel_loop3A_160 : i32 to index
        %parallel_loop3A_162 = tpu.vector_load %arg7[%parallel_loop3A_161] {strides = array<i32>} : memref<5120xi32, #tpu.memory_space<vmem>>, vector<16xi32>,
        %parallel_loop3A_163 = tpu.vector_load_idx %arg6[%parallel_loop3A_162] : memref<102400xf32, #tpu.memory_space<vmem>>[vector<16xi32>], vector<16xf32>,
        %parallel_loop3A_164 = arith.constant 16 : i32
        %parallel_loop3A_165 = arith.muli %parallel_loop3A_157, %parallel_loop3A_164 : i32
        %parallel_loop3A_166 = arith.addi %mul3A_142, %parallel_loop3A_165 : i32
        %parallel_loop3A_167 = arith.index_cast %parallel_loop3A_166 : i32 to index
        %parallel_loop3A_168 = tpu.vector_load %arg9[%parallel_loop3A_167] {strides = array<i32>} : memref<5120xf32, #tpu.memory_space<vmem>>, vector<16xf32>,
        tpu.vector_store %arg9[%parallel_loop3A_167], %parallel_loop3A_163 {strides = array<i32>} : memref<5120xf32, #tpu.memory_space<vmem>>, vector<16xf32>,
      } {sc.loop_unroll_factor = 8 : i64, sc.parallel_access}
      %mul3A_145 = arith.constant 2560 : i32
      %mul3A_146 = arith.muli %select_n3A_108, %mul3A_145 : i32
      %multiple_of3A_147 = tpu.assume_multiple %mul3A_146, 2560 : i32
      %mul3A_148 = arith.constant 2560 : i32
      %mul3A_149 = arith.muli %select_n3A_108, %mul3A_148 : i32
      %multiple_of3A_150 = tpu.assume_multiple %mul3A_149, 2560 : i32
      %dma_start3A_151 = tpu.memref_slice %arg9[%multiple_of3A_147] : memref<5120xf32, #tpu.memory_space<vmem>> -> memref<2560xf32, #tpu.memory_space<vmem>>
      %dma_start3A_152 = tpu.memref_slice %arg8[%multiple_of3A_150] : memref<5120xi32, #tpu.memory_space<vmem>> -> memref<2560xi32, #tpu.memory_space<vmem>>
      %dma_start3A_153 = arith.constant 0 : i32
      %dma_start3A_154 = tpu.memref_slice %arg11[%dma_start3A_153] : memref<102400xf32, #tpu.memory_space<vmem_shared>> -> memref<102400xf32, #tpu.memory_space<vmem_shared>>
      %dma_start3A_155 = tpu.memref_slice %arg13[%select_n3A_108] : memref<2x!tpu.dma_semaphore, #tpu.memory_space<semaphore_mem>> -> memref<1x!tpu.dma_semaphore, #tpu.memory_space<semaphore_mem>>
      %dma_start3A_156 = tpu.memref_squeeze %dma_start3A_155 : memref<1x!tpu.dma_semaphore, #tpu.memory_space<semaphore_mem>> -> memref<!tpu.dma_semaphore, #tpu.memory_space<semaphore_mem>>
      tpu.enqueue_indirect_dma source(%dma_start3A_151 : memref<2560xf32, #tpu.memory_space<vmem>>) target(%dma_start3A_154 : memref<102400xf32, #tpu.memory_space<vmem_shared>>) offsets(%dma_start3A_152 : memref<2560xi32, #tpu.memory_space<vmem>>) semaphore(%dma_start3A_156 : memref<!tpu.dma_semaphore, #tpu.memory_space<semaphore_mem>>) {add = true}
    }
    %while3A_56 = arith.constant 1 : i32
    scf.for %while3A_90 = %while3A_54 to %while3A_50 step %while3A_56  : i32 {
      %mul3A_91 = arith.muli %while3A_90, %while3A : i32
      %add3A_92 = arith.addi %while3A_47, %mul3A_91 : i32
      %jit3A_93 = arith.constant 2 : i32
      %eq3A_94 = arith.constant 0 : i32
      %eq3A_95 = arith.cmpi eq, %jit3A_93, %eq3A_94 : i32
      %jit3A_96 = arith.constant 1 : i32
      %select_n3A_97 = arith.select %eq3A_95, %jit3A_96, %jit3A_93 : i32
      %rem3A_98 = arith.remsi %add3A_92, %select_n3A_97 : i32
      %ne3A_99 = arith.constant 0 : i32
      %ne3A_100 = arith.cmpi ne, %rem3A_98, %ne3A_99 : i32
      %lt3A_101 = arith.constant 0 : i32
      %lt3A_102 = arith.cmpi slt, %rem3A_98, %lt3A_101 : i32
      %lt3A_103 = arith.constant 0 : i32
      %lt3A_104 = arith.cmpi slt, %select_n3A_97, %lt3A_103 : i32
      %ne3A_105 = arith.xori %lt3A_102, %lt3A_104 : i1
      %and3A_106 = arith.andi %ne3A_105, %ne3A_100 : i1
      %add3A_107 = arith.addi %rem3A_98, %select_n3A_97 : i32
      %select_n3A_108 = arith.select %and3A_106, %add3A_107, %rem3A_98 : i32
      %sub3A_109 = arith.constant 1 : i32
      %sub3A_110 = arith.subi %sub3A_109, %select_n3A_108 : i32
      %gt3A = arith.constant 0 : i32
      %gt3A_111 = arith.cmpi sgt, %add3A_92, %gt3A : i32
      %convert_element_type3A = arith.extui %gt3A_111 : i1 to i32
      %cond3A = arith.constant 0 : i32
      %cond3A_112 = arith.cmpi ne, %convert_element_type3A, %cond3A : i32
      scf.if %cond3A_112 {
        %mul3A_157 = arith.constant 2560 : i32
        %mul3A_158 = arith.muli %sub3A_110, %mul3A_157 : i32
        %multiple_of3A_159 = tpu.assume_multiple %mul3A_158, 2560 : i32
        %mul3A_160 = arith.constant 2560 : i32
        %mul3A_161 = arith.muli %sub3A_110, %mul3A_160 : i32
        %multiple_of3A_162 = tpu.assume_multiple %mul3A_161, 2560 : i32
        %dma_wait3A_163 = tpu.memref_slice %arg9[%multiple_of3A_159] : memref<5120xf32, #tpu.memory_space<vmem>> -> memref<2560xf32, #tpu.memory_space<vmem>>
        %dma_wait3A_164 = tpu.memref_slice %arg8[%multiple_of3A_162] : memref<5120xi32, #tpu.memory_space<vmem>> -> memref<2560xi32, #tpu.memory_space<vmem>>
        %dma_wait3A_165 = arith.constant 0 : i32
        %dma_wait3A_166 = tpu.memref_slice %arg11[%dma_wait3A_165] : memref<102400xf32, #tpu.memory_space<vmem_shared>> -> memref<102400xf32, #tpu.memory_space<vmem_shared>>
        %dma_wait3A_167 = tpu.memref_slice %arg13[%sub3A_110] : memref<2x!tpu.dma_semaphore, #tpu.memory_space<semaphore_mem>> -> memref<1x!tpu.dma_semaphore, #tpu.memory_space<semaphore_mem>>
        %dma_wait3A_168 = tpu.memref_squeeze %dma_wait3A_167 : memref<1x!tpu.dma_semaphore, #tpu.memory_space<semaphore_mem>> -> memref<!tpu.dma_semaphore, #tpu.memory_space<semaphore_mem>>
        tpu.wait_indirect_dma semaphore(%dma_wait3A_168 : memref<!tpu.dma_semaphore, #tpu.memory_space<semaphore_mem>>) src(%dma_wait3A_163 : memref<2560xf32, #tpu.memory_space<vmem>>) dst(%dma_wait3A_166 : memref<102400xf32, #tpu.memory_space<vmem_shared>>)
      } else {
      }
      %add3A_113 = arith.constant 1 : i32
      %add3A_114 = arith.addi %add3A_92, %add3A_113 : i32
      %lt3A_115 = arith.cmpi slt, %add3A_114, %add3A_4 : i32
      %convert_element_type3A_116 = arith.extui %lt3A_115 : i1 to i32
      %cond3A_117 = arith.constant 0 : i32
      %cond3A_118 = arith.cmpi ne, %convert_element_type3A_116, %cond3A_117 : i32
      scf.if %cond3A_118 {
        %add3A_157 = arith.constant 1 : i32
        %add3A_158 = arith.addi %add3A_92, %add3A_157 : i32
        %add3A_159 = arith.addi %add3A_8, %add3A_158 : i32
        %mul3A_160 = arith.constant 2560 : i32
        %mul3A_161 = arith.muli %add3A_159, %mul3A_160 : i32
        %multiple_of3A_162 = tpu.assume_multiple %mul3A_161, 2560 : i32
        %mul3A_163 = arith.constant 2560 : i32
        %mul3A_164 = arith.muli %sub3A_110, %mul3A_163 : i32
        %multiple_of3A_165 = tpu.assume_multiple %mul3A_164, 2560 : i32
        %dma_start3A_166 = tpu.memref_slice %arg7[%multiple_of3A_165] : memref<5120xi32, #tpu.memory_space<vmem>> -> memref<2560xi32, #tpu.memory_space<vmem>>
        %dma_start3A_167 = tpu.memref_slice %arg2[%multiple_of3A_162] : memref<6400000xi32, #tpu.memory_space<hbm>> -> memref<2560xi32, #tpu.memory_space<hbm>>
        %dma_start3A_168 = tpu.memref_slice %arg12[%sub3A_110] : memref<2x!tpu.dma_semaphore, #tpu.memory_space<semaphore_mem>> -> memref<1x!tpu.dma_semaphore, #tpu.memory_space<semaphore_mem>>
        %dma_start3A_169 = tpu.memref_squeeze %dma_start3A_168 : memref<1x!tpu.dma_semaphore, #tpu.memory_space<semaphore_mem>> -> memref<!tpu.dma_semaphore, #tpu.memory_space<semaphore_mem>>
        %dma_start3A_170 = tpu.memref_slice %arg7[%multiple_of3A_165] : memref<5120xi32, #tpu.memory_space<vmem>> -> memref<2560xi32, #tpu.memory_space<vmem>>
        %dma_start3A_171 = tpu.memref_slice %arg2[%multiple_of3A_162] : memref<6400000xi32, #tpu.memory_space<hbm>> -> memref<2560xi32, #tpu.memory_space<hbm>>
        tpu.enqueue_dma source(%dma_start3A_171 : memref<2560xi32, #tpu.memory_space<hbm>>) target(%dma_start3A_170 : memref<2560xi32, #tpu.memory_space<vmem>>) target_semaphore(%dma_start3A_169 : memref<!tpu.dma_semaphore, #tpu.memory_space<semaphore_mem>>)
        %mul3A_172 = arith.constant 2560 : i32
        %mul3A_173 = arith.muli %sub3A_110, %mul3A_172 : i32
        %multiple_of3A_174 = tpu.assume_multiple %mul3A_173, 2560 : i32
        %dma_start3A_175 = tpu.memref_slice %arg8[%multiple_of3A_174] : memref<5120xi32, #tpu.memory_space<vmem>> -> memref<2560xi32, #tpu.memory_space<vmem>>
        %dma_start3A_176 = tpu.memref_slice %arg3[%multiple_of3A_162] : memref<6400000xi32, #tpu.memory_space<hbm>> -> memref<2560xi32, #tpu.memory_space<hbm>>
        %dma_start3A_177 = tpu.memref_slice %arg12[%sub3A_110] : memref<2x!tpu.dma_semaphore, #tpu.memory_space<semaphore_mem>> -> memref<1x!tpu.dma_semaphore, #tpu.memory_space<semaphore_mem>>
        %dma_start3A_178 = tpu.memref_squeeze %dma_start3A_177 : memref<1x!tpu.dma_semaphore, #tpu.memory_space<semaphore_mem>> -> memref<!tpu.dma_semaphore, #tpu.memory_space<semaphore_mem>>
        %dma_start3A_179 = tpu.memref_slice %arg8[%multiple_of3A_174] : memref<5120xi32, #tpu.memory_space<vmem>> -> memref<2560xi32, #tpu.memory_space<vmem>>
        %dma_start3A_180 = tpu.memref_slice %arg3[%multiple_of3A_162] : memref<6400000xi32, #tpu.memory_space<hbm>> -> memref<2560xi32, #tpu.memory_space<hbm>>
        tpu.enqueue_dma source(%dma_start3A_180 : memref<2560xi32, #tpu.memory_space<hbm>>) target(%dma_start3A_179 : memref<2560xi32, #tpu.memory_space<vmem>>) target_semaphore(%dma_start3A_178 : memref<!tpu.dma_semaphore, #tpu.memory_space<semaphore_mem>>)
      } else {
      }
      %add3A_119 = arith.addi %add3A_8, %add3A_92 : i32
      %mul3A_120 = arith.constant 2560 : i32
      %mul3A_121 = arith.muli %add3A_119, %mul3A_120 : i32
      %multiple_of3A_122 = tpu.assume_multiple %mul3A_121, 2560 : i32
      %mul3A_123 = arith.constant 2560 : i32
      %mul3A_124 = arith.muli %select_n3A_108, %mul3A_123 : i32
      %multiple_of3A_125 = tpu.assume_multiple %mul3A_124, 2560 : i32
      %dma_wait3A_126 = tpu.memref_slice %arg7[%multiple_of3A_125] : memref<5120xi32, #tpu.memory_space<vmem>> -> memref<2560xi32, #tpu.memory_space<vmem>>
      %dma_wait3A_127 = tpu.memref_slice %arg2[%multiple_of3A_122] : memref<6400000xi32, #tpu.memory_space<hbm>> -> memref<2560xi32, #tpu.memory_space<hbm>>
      %dma_wait3A_128 = tpu.memref_slice %arg12[%select_n3A_108] : memref<2x!tpu.dma_semaphore, #tpu.memory_space<semaphore_mem>> -> memref<1x!tpu.dma_semaphore, #tpu.memory_space<semaphore_mem>>
      %dma_wait3A_129 = tpu.memref_squeeze %dma_wait3A_128 : memref<1x!tpu.dma_semaphore, #tpu.memory_space<semaphore_mem>> -> memref<!tpu.dma_semaphore, #tpu.memory_space<semaphore_mem>>
      %dma_wait3A_130 = tpu.memref_slice %arg7[%multiple_of3A_125] : memref<5120xi32, #tpu.memory_space<vmem>> -> memref<2560xi32, #tpu.memory_space<vmem>>
      %dma_wait3A_131 = tpu.memref_slice %arg2[%multiple_of3A_122] : memref<6400000xi32, #tpu.memory_space<hbm>> -> memref<2560xi32, #tpu.memory_space<hbm>>
      tpu.wait_dma2 semaphore(%dma_wait3A_129 : memref<!tpu.dma_semaphore, #tpu.memory_space<semaphore_mem>>) src(%dma_wait3A_131 : memref<2560xi32, #tpu.memory_space<hbm>>) dst(%dma_wait3A_130 : memref<2560xi32, #tpu.memory_space<vmem>>)
      %mul3A_132 = arith.constant 2560 : i32
      %mul3A_133 = arith.muli %select_n3A_108, %mul3A_132 : i32
      %multiple_of3A_134 = tpu.assume_multiple %mul3A_133, 2560 : i32
      %dma_wait3A_135 = tpu.memref_slice %arg8[%multiple_of3A_134] : memref<5120xi32, #tpu.memory_space<vmem>> -> memref<2560xi32, #tpu.memory_space<vmem>>
      %dma_wait3A_136 = tpu.memref_slice %arg3[%multiple_of3A_122] : memref<6400000xi32, #tpu.memory_space<hbm>> -> memref<2560xi32, #tpu.memory_space<hbm>>
      %dma_wait3A_137 = tpu.memref_slice %arg12[%select_n3A_108] : memref<2x!tpu.dma_semaphore, #tpu.memory_space<semaphore_mem>> -> memref<1x!tpu.dma_semaphore, #tpu.memory_space<semaphore_mem>>
      %dma_wait3A_138 = tpu.memref_squeeze %dma_wait3A_137 : memref<1x!tpu.dma_semaphore, #tpu.memory_space<semaphore_mem>> -> memref<!tpu.dma_semaphore, #tpu.memory_space<semaphore_mem>>
      %dma_wait3A_139 = tpu.memref_slice %arg8[%multiple_of3A_134] : memref<5120xi32, #tpu.memory_space<vmem>> -> memref<2560xi32, #tpu.memory_space<vmem>>
      %dma_wait3A_140 = tpu.memref_slice %arg3[%multiple_of3A_122] : memref<6400000xi32, #tpu.memory_space<hbm>> -> memref<2560xi32, #tpu.memory_space<hbm>>
      tpu.wait_dma2 semaphore(%dma_wait3A_138 : memref<!tpu.dma_semaphore, #tpu.memory_space<semaphore_mem>>) src(%dma_wait3A_140 : memref<2560xi32, #tpu.memory_space<hbm>>) dst(%dma_wait3A_139 : memref<2560xi32, #tpu.memory_space<vmem>>)
      %mul3A_141 = arith.constant 2560 : i32
      %mul3A_142 = arith.muli %select_n3A_108, %mul3A_141 : i32
      %parallel_loop3A = arith.constant 0 : i32
      %parallel_loop3A_143 = arith.constant 160 : i32
      %parallel_loop3A_144 = arith.constant 1 : i32
      scf.for %parallel_loop3A_157 = %parallel_loop3A to %parallel_loop3A_143 step %parallel_loop3A_144  : i32 {
        %parallel_loop3A_158 = arith.constant 16 : i32
        %parallel_loop3A_159 = arith.muli %parallel_loop3A_157, %parallel_loop3A_158 : i32
        %parallel_loop3A_160 = arith.addi %mul3A_142, %parallel_loop3A_159 : i32
        %parallel_loop3A_161 = arith.index_cast %parallel_loop3A_160 : i32 to index
        %parallel_loop3A_162 = tpu.vector_load %arg7[%parallel_loop3A_161] {strides = array<i32>} : memref<5120xi32, #tpu.memory_space<vmem>>, vector<16xi32>,
        %parallel_loop3A_163 = tpu.vector_load_idx %arg6[%parallel_loop3A_162] : memref<102400xf32, #tpu.memory_space<vmem>>[vector<16xi32>], vector<16xf32>,
        %parallel_loop3A_164 = arith.constant 16 : i32
        %parallel_loop3A_165 = arith.muli %parallel_loop3A_157, %parallel_loop3A_164 : i32
        %parallel_loop3A_166 = arith.addi %mul3A_142, %parallel_loop3A_165 : i32
        %parallel_loop3A_167 = arith.index_cast %parallel_loop3A_166 : i32 to index
        %parallel_loop3A_168 = tpu.vector_load %arg9[%parallel_loop3A_167] {strides = array<i32>} : memref<5120xf32, #tpu.memory_space<vmem>>, vector<16xf32>,
        tpu.vector_store %arg9[%parallel_loop3A_167], %parallel_loop3A_163 {strides = array<i32>} : memref<5120xf32, #tpu.memory_space<vmem>>, vector<16xf32>,
      } {sc.loop_unroll_factor = 8 : i64, sc.parallel_access}
      %mul3A_145 = arith.constant 2560 : i32
      %mul3A_146 = arith.muli %select_n3A_108, %mul3A_145 : i32
      %multiple_of3A_147 = tpu.assume_multiple %mul3A_146, 2560 : i32
      %mul3A_148 = arith.constant 2560 : i32
      %mul3A_149 = arith.muli %select_n3A_108, %mul3A_148 : i32
      %multiple_of3A_150 = tpu.assume_multiple %mul3A_149, 2560 : i32
      %dma_start3A_151 = tpu.memref_slice %arg9[%multiple_of3A_147] : memref<5120xf32, #tpu.memory_space<vmem>> -> memref<2560xf32, #tpu.memory_space<vmem>>
      %dma_start3A_152 = tpu.memref_slice %arg8[%multiple_of3A_150] : memref<5120xi32, #tpu.memory_space<vmem>> -> memref<2560xi32, #tpu.memory_space<vmem>>
      %dma_start3A_153 = arith.constant 0 : i32
      %dma_start3A_154 = tpu.memref_slice %arg11[%dma_start3A_153] : memref<102400xf32, #tpu.memory_space<vmem_shared>> -> memref<102400xf32, #tpu.memory_space<vmem_shared>>
      %dma_start3A_155 = tpu.memref_slice %arg13[%select_n3A_108] : memref<2x!tpu.dma_semaphore, #tpu.memory_space<semaphore_mem>> -> memref<1x!tpu.dma_semaphore, #tpu.memory_space<semaphore_mem>>
      %dma_start3A_156 = tpu.memref_squeeze %dma_start3A_155 : memref<1x!tpu.dma_semaphore, #tpu.memory_space<semaphore_mem>> -> memref<!tpu.dma_semaphore, #tpu.memory_space<semaphore_mem>>
      tpu.enqueue_indirect_dma source(%dma_start3A_151 : memref<2560xf32, #tpu.memory_space<vmem>>) target(%dma_start3A_154 : memref<102400xf32, #tpu.memory_space<vmem_shared>>) offsets(%dma_start3A_152 : memref<2560xi32, #tpu.memory_space<vmem>>) semaphore(%dma_start3A_156 : memref<!tpu.dma_semaphore, #tpu.memory_space<semaphore_mem>>) {add = true}
    }
    %sub3A_57 = arith.constant 1 : i32
    %sub3A_58 = arith.subi %add3A_4, %sub3A_57 : i32
    %jit3A_59 = arith.constant 2 : i32
    %eq3A = arith.constant 0 : i32
    %eq3A_60 = arith.cmpi eq, %jit3A_59, %eq3A : i32
    %jit3A_61 = arith.constant 1 : i32
    %select_n3A_62 = arith.select %eq3A_60, %jit3A_61, %jit3A_59 : i32
    %rem3A = arith.remsi %sub3A_58, %select_n3A_62 : i32
    %ne3A = arith.constant 0 : i32
    %ne3A_63 = arith.cmpi ne, %rem3A, %ne3A : i32
    %lt3A_64 = arith.constant 0 : i32
    %lt3A_65 = arith.cmpi slt, %rem3A, %lt3A_64 : i32
    %lt3A_66 = arith.constant 0 : i32
    %lt3A_67 = arith.cmpi slt, %select_n3A_62, %lt3A_66 : i32
    %ne3A_68 = arith.xori %lt3A_65, %lt3A_67 : i1
    %and3A = arith.andi %ne3A_68, %ne3A_63 : i1
    %add3A_69 = arith.addi %rem3A, %select_n3A_62 : i32
    %select_n3A_70 = arith.select %and3A, %add3A_69, %rem3A : i32
    %mul3A_71 = arith.constant 2560 : i32
    %mul3A_72 = arith.muli %select_n3A_70, %mul3A_71 : i32
    %multiple_of3A_73 = tpu.assume_multiple %mul3A_72, 2560 : i32
    %mul3A_74 = arith.constant 2560 : i32
    %mul3A_75 = arith.muli %select_n3A_70, %mul3A_74 : i32
    %multiple_of3A_76 = tpu.assume_multiple %mul3A_75, 2560 : i32
    %dma_wait3A = tpu.memref_slice %arg9[%multiple_of3A_73] : memref<5120xf32, #tpu.memory_space<vmem>> -> memref<2560xf32, #tpu.memory_space<vmem>>
    %dma_wait3A_77 = tpu.memref_slice %arg8[%multiple_of3A_76] : memref<5120xi32, #tpu.memory_space<vmem>> -> memref<2560xi32, #tpu.memory_space<vmem>>
    %dma_wait3A_78 = arith.constant 0 : i32
    %dma_wait3A_79 = tpu.memref_slice %arg11[%dma_wait3A_78] : memref<102400xf32, #tpu.memory_space<vmem_shared>> -> memref<102400xf32, #tpu.memory_space<vmem_shared>>
    %dma_wait3A_80 = tpu.memref_slice %arg13[%select_n3A_70] : memref<2x!tpu.dma_semaphore, #tpu.memory_space<semaphore_mem>> -> memref<1x!tpu.dma_semaphore, #tpu.memory_space<semaphore_mem>>
    %dma_wait3A_81 = tpu.memref_squeeze %dma_wait3A_80 : memref<1x!tpu.dma_semaphore, #tpu.memory_space<semaphore_mem>> -> memref<!tpu.dma_semaphore, #tpu.memory_space<semaphore_mem>>
    tpu.wait_indirect_dma semaphore(%dma_wait3A_81 : memref<!tpu.dma_semaphore, #tpu.memory_space<semaphore_mem>>) src(%dma_wait3A : memref<2560xf32, #tpu.memory_space<vmem>>) dst(%dma_wait3A_79 : memref<102400xf32, #tpu.memory_space<vmem_shared>>)
    %barrier3A_82 = arith.constant 0 : index
    tpu.barrier barrier_id(%barrier3A_82)
    %mul3A_83 = arith.constant 6400 : i32
    %mul3A_84 = arith.muli %arg1, %mul3A_83 : i32
    %mul3A_85 = arith.constant 102400 : i32
    %mul3A_86 = arith.muli %arg0, %mul3A_85 : i32
    %mul3A_87 = arith.constant 6400 : i32
    %mul3A_88 = arith.muli %arg1, %mul3A_87 : i32
    %add3A_89 = arith.addi %mul3A_86, %mul3A_88 : i32
    "tpu.region"() ({
      %run_scoped3A = tpu.sem_alloc : memref<!tpu.dma_semaphore, #tpu.memory_space<semaphore_mem>>
      %dma_start3A_90 = tpu.memref_slice %arg5[%add3A_89] : memref<204800xf32, #tpu.memory_space<hbm>> -> memref<6400xf32, #tpu.memory_space<hbm>>
      %dma_start3A_91 = tpu.memref_slice %arg11[%mul3A_84] : memref<102400xf32, #tpu.memory_space<vmem_shared>> -> memref<6400xf32, #tpu.memory_space<vmem_shared>>
      tpu.enqueue_dma source(%dma_start3A_91 : memref<6400xf32, #tpu.memory_space<vmem_shared>>) target(%dma_start3A_90 : memref<6400xf32, #tpu.memory_space<hbm>>) target_semaphore(%run_scoped3A : memref<!tpu.dma_semaphore, #tpu.memory_space<semaphore_mem>>)
      %dma_wait3A_92 = tpu.memref_slice %arg5[%add3A_89] : memref<204800xf32, #tpu.memory_space<hbm>> -> memref<6400xf32, #tpu.memory_space<hbm>>
      %dma_wait3A_93 = tpu.memref_slice %arg11[%mul3A_84] : memref<102400xf32, #tpu.memory_space<vmem_shared>> -> memref<6400xf32, #tpu.memory_space<vmem_shared>>
      tpu.wait_dma2 semaphore(%run_scoped3A : memref<!tpu.dma_semaphore, #tpu.memory_space<semaphore_mem>>) src(%dma_wait3A_93 : memref<6400xf32, #tpu.memory_space<vmem_shared>>) dst(%dma_wait3A_92 : memref<6400xf32, #tpu.memory_space<hbm>>)
      tpu.yield
    }) : () -> ()
    return
  }
}

#map = affine_map<(d0, d1) -> (0)>
module attributes {stable_mosaic.version = 14 : i64} {
  func.func @sc_aggregate_pass(%arg0: i32, %arg1: i32, %arg2: memref<6400000xi32, #tpu.memory_space<hbm>>, %arg3: memref<6400000xi32, #tpu.memory_space<hbm>>, %arg4: memref<102400xf32, #tpu.memory_space<hbm>>, %arg5: memref<204800xf32, #tpu.memory_space<hbm>>, %arg6: memref<102400xf32, #tpu.memory_space<vmem>>, %arg7: memref<5120xi32, #tpu.memory_space<vmem>>, %arg8: memref<5120xi32, #tpu.memory_space<vmem>>, %arg9: memref<5120xf32, #tpu.memory_space<vmem>>, %arg10: memref<3200xf32, #tpu.memory_space<vmem>>, %arg11: memref<102400xf32, #tpu.memory_space<vmem_shared>>, %arg12: memref<2x!tpu.dma_semaphore, #tpu.memory_space<semaphore_mem>>, %arg13: memref<2x!tpu.dma_semaphore, #tpu.memory_space<semaphore_mem>>) attributes {dimension_semantics = [#tpu.dimension_semantics<core_parallel>, #tpu.dimension_semantics<subcore_parallel>], iteration_bounds = array<i64: 2, 16>, scalar_prefetch = 0 : i64, scratch_operands = 8 : i64, tpu.core_type = #tpu.core_type<sc_vector_subcore>, window_params = [{transform_indices = #map}, {transform_indices = #map}, {transform_indices = #map}, {transform_indices = #map}]} {
    %mul3A = arith.constant 16 : i32
    %mul3A_0 = arith.muli %arg0, %mul3A : i32
    %add3A = arith.addi %mul3A_0, %arg1 : i32
    %lt3A = arith.constant 4 : i32
    %lt3A_1 = arith.cmpi slt, %add3A, %lt3A : i32
    %jit3A = arith.constant 1 : i32
    %jit3A_2 = arith.constant 0 : i32
    %select_n3A = arith.select %lt3A_1, %jit3A, %jit3A_2 : i32
    %add3A_3 = arith.constant 78 : i32
    %add3A_4 = arith.addi %add3A_3, %select_n3A : i32
    %mul3A_5 = arith.constant 78 : i32
    %mul3A_6 = arith.muli %add3A, %mul3A_5 : i32
    %min3A = arith.constant 4 : i32
    %min3A_7 = arith.minsi %add3A, %min3A : i32
    %add3A_8 = arith.addi %mul3A_6, %min3A_7 : i32
    %broadcast_in_dim3A = arith.constant 0.000000e+00 : f32
    %broadcast_in_dim3A_9 = vector.broadcast %broadcast_in_dim3A : f32 to vector<16xf32>
    %scan3A = arith.constant 0 : i32
    %scan3A_10 = arith.constant 200 : i32
    %scan3A_11 = arith.addi %scan3A, %scan3A_10 : i32
    %scan3A_12 = arith.constant 8 : i32
    scf.for %scan3A_90 = %scan3A to %scan3A_11 step %scan3A_12  : i32 {
      %mul3A_91 = arith.constant 1 : i32
      %mul3A_92 = arith.muli %scan3A_90, %mul3A_91 : i32
      %add3A_93 = arith.constant 0 : i32
      %add3A_94 = arith.addi %add3A_93, %mul3A_92 : i32
      %mul3A_95 = arith.constant 16 : i32
      %mul3A_96 = arith.muli %add3A_94, %mul3A_95 : i32
      %swap3A = arith.index_cast %mul3A_96 : i32 to index
      %swap3A_97 = tpu.vector_load %arg10[%swap3A] {strides = array<i32>} : memref<3200xf32, #tpu.memory_space<vmem>>, vector<16xf32>,
      tpu.vector_store %arg10[%swap3A], %broadcast_in_dim3A_9 {strides = array<i32>} : memref<3200xf32, #tpu.memory_space<vmem>>, vector<16xf32>,
      %scan3A_98 = arith.constant 1 : i32
      %scan3A_99 = arith.addi %scan3A_90, %scan3A_98 : i32
      %mul3A_100 = arith.constant 1 : i32
      %mul3A_101 = arith.muli %scan3A_99, %mul3A_100 : i32
      %add3A_102 = arith.constant 0 : i32
      %add3A_103 = arith.addi %add3A_102, %mul3A_101 : i32
      %mul3A_104 = arith.constant 16 : i32
      %mul3A_105 = arith.muli %add3A_103, %mul3A_104 : i32
      %swap3A_106 = arith.index_cast %mul3A_105 : i32 to index
      %swap3A_107 = tpu.vector_load %arg10[%swap3A_106] {strides = array<i32>} : memref<3200xf32, #tpu.memory_space<vmem>>, vector<16xf32>,
      tpu.vector_store %arg10[%swap3A_106], %broadcast_in_dim3A_9 {strides = array<i32>} : memref<3200xf32, #tpu.memory_space<vmem>>, vector<16xf32>,
      %scan3A_108 = arith.constant 2 : i32
      %scan3A_109 = arith.addi %scan3A_90, %scan3A_108 : i32
      %mul3A_110 = arith.constant 1 : i32
      %mul3A_111 = arith.muli %scan3A_109, %mul3A_110 : i32
      %add3A_112 = arith.constant 0 : i32
      %add3A_113 = arith.addi %add3A_112, %mul3A_111 : i32
      %mul3A_114 = arith.constant 16 : i32
      %mul3A_115 = arith.muli %add3A_113, %mul3A_114 : i32
      %swap3A_116 = arith.index_cast %mul3A_115 : i32 to index
      %swap3A_117 = tpu.vector_load %arg10[%swap3A_116] {strides = array<i32>} : memref<3200xf32, #tpu.memory_space<vmem>>, vector<16xf32>,
      tpu.vector_store %arg10[%swap3A_116], %broadcast_in_dim3A_9 {strides = array<i32>} : memref<3200xf32, #tpu.memory_space<vmem>>, vector<16xf32>,
      %scan3A_118 = arith.constant 3 : i32
      %scan3A_119 = arith.addi %scan3A_90, %scan3A_118 : i32
      %mul3A_120 = arith.constant 1 : i32
      %mul3A_121 = arith.muli %scan3A_119, %mul3A_120 : i32
      %add3A_122 = arith.constant 0 : i32
      %add3A_123 = arith.addi %add3A_122, %mul3A_121 : i32
      %mul3A_124 = arith.constant 16 : i32
      %mul3A_125 = arith.muli %add3A_123, %mul3A_124 : i32
      %swap3A_126 = arith.index_cast %mul3A_125 : i32 to index
      %swap3A_127 = tpu.vector_load %arg10[%swap3A_126] {strides = array<i32>} : memref<3200xf32, #tpu.memory_space<vmem>>, vector<16xf32>,
      tpu.vector_store %arg10[%swap3A_126], %broadcast_in_dim3A_9 {strides = array<i32>} : memref<3200xf32, #tpu.memory_space<vmem>>, vector<16xf32>,
      %scan3A_128 = arith.constant 4 : i32
      %scan3A_129 = arith.addi %scan3A_90, %scan3A_128 : i32
      %mul3A_130 = arith.constant 1 : i32
      %mul3A_131 = arith.muli %scan3A_129, %mul3A_130 : i32
      %add3A_132 = arith.constant 0 : i32
      %add3A_133 = arith.addi %add3A_132, %mul3A_131 : i32
      %mul3A_134 = arith.constant 16 : i32
      %mul3A_135 = arith.muli %add3A_133, %mul3A_134 : i32
      %swap3A_136 = arith.index_cast %mul3A_135 : i32 to index
      %swap3A_137 = tpu.vector_load %arg10[%swap3A_136] {strides = array<i32>} : memref<3200xf32, #tpu.memory_space<vmem>>, vector<16xf32>,
      tpu.vector_store %arg10[%swap3A_136], %broadcast_in_dim3A_9 {strides = array<i32>} : memref<3200xf32, #tpu.memory_space<vmem>>, vector<16xf32>,
      %scan3A_138 = arith.constant 5 : i32
      %scan3A_139 = arith.addi %scan3A_90, %scan3A_138 : i32
      %mul3A_140 = arith.constant 1 : i32
      %mul3A_141 = arith.muli %scan3A_139, %mul3A_140 : i32
      %add3A_142 = arith.constant 0 : i32
      %add3A_143 = arith.addi %add3A_142, %mul3A_141 : i32
      %mul3A_144 = arith.constant 16 : i32
      %mul3A_145 = arith.muli %add3A_143, %mul3A_144 : i32
      %swap3A_146 = arith.index_cast %mul3A_145 : i32 to index
      %swap3A_147 = tpu.vector_load %arg10[%swap3A_146] {strides = array<i32>} : memref<3200xf32, #tpu.memory_space<vmem>>, vector<16xf32>,
      tpu.vector_store %arg10[%swap3A_146], %broadcast_in_dim3A_9 {strides = array<i32>} : memref<3200xf32, #tpu.memory_space<vmem>>, vector<16xf32>,
      %scan3A_148 = arith.constant 6 : i32
      %scan3A_149 = arith.addi %scan3A_90, %scan3A_148 : i32
      %mul3A_150 = arith.constant 1 : i32
      %mul3A_151 = arith.muli %scan3A_149, %mul3A_150 : i32
      %add3A_152 = arith.constant 0 : i32
      %add3A_153 = arith.addi %add3A_152, %mul3A_151 : i32
      %mul3A_154 = arith.constant 16 : i32
      %mul3A_155 = arith.muli %add3A_153, %mul3A_154 : i32
      %swap3A_156 = arith.index_cast %mul3A_155 : i32 to index
      %swap3A_157 = tpu.vector_load %arg10[%swap3A_156] {strides = array<i32>} : memref<3200xf32, #tpu.memory_space<vmem>>, vector<16xf32>,
      tpu.vector_store %arg10[%swap3A_156], %broadcast_in_dim3A_9 {strides = array<i32>} : memref<3200xf32, #tpu.memory_space<vmem>>, vector<16xf32>,
      %scan3A_158 = arith.constant 7 : i32
      %scan3A_159 = arith.addi %scan3A_90, %scan3A_158 : i32
      %mul3A_160 = arith.constant 1 : i32
      %mul3A_161 = arith.muli %scan3A_159, %mul3A_160 : i32
      %add3A_162 = arith.constant 0 : i32
      %add3A_163 = arith.addi %add3A_162, %mul3A_161 : i32
      %mul3A_164 = arith.constant 16 : i32
      %mul3A_165 = arith.muli %add3A_163, %mul3A_164 : i32
      %swap3A_166 = arith.index_cast %mul3A_165 : i32 to index
      %swap3A_167 = tpu.vector_load %arg10[%swap3A_166] {strides = array<i32>} : memref<3200xf32, #tpu.memory_space<vmem>>, vector<16xf32>,
      tpu.vector_store %arg10[%swap3A_166], %broadcast_in_dim3A_9 {strides = array<i32>} : memref<3200xf32, #tpu.memory_space<vmem>>, vector<16xf32>,
    }
    %scan3A_13 = arith.constant 200 : i32
    %mul3A_14 = arith.constant 6400 : i32
    %mul3A_15 = arith.muli %arg1, %mul3A_14 : i32
    "tpu.region"() ({
      %run_scoped3A = tpu.sem_alloc : memref<!tpu.dma_semaphore, #tpu.memory_space<semaphore_mem>>
      %dma_start3A_90 = tpu.memref_slice %arg11[%mul3A_15] : memref<102400xf32, #tpu.memory_space<vmem_shared>> -> memref<3200xf32, #tpu.memory_space<vmem_shared>>
      %dma_start3A_91 = tpu.memref_slice %arg11[%mul3A_15] : memref<102400xf32, #tpu.memory_space<vmem_shared>> -> memref<3200xf32, #tpu.memory_space<vmem_shared>>
      tpu.enqueue_dma source(%arg10 : memref<3200xf32, #tpu.memory_space<vmem>>) target(%dma_start3A_91 : memref<3200xf32, #tpu.memory_space<vmem_shared>>) target_semaphore(%run_scoped3A : memref<!tpu.dma_semaphore, #tpu.memory_space<semaphore_mem>>)
      %dma_wait3A_92 = tpu.memref_slice %arg11[%mul3A_15] : memref<102400xf32, #tpu.memory_space<vmem_shared>> -> memref<3200xf32, #tpu.memory_space<vmem_shared>>
      %dma_wait3A_93 = tpu.memref_slice %arg11[%mul3A_15] : memref<102400xf32, #tpu.memory_space<vmem_shared>> -> memref<3200xf32, #tpu.memory_space<vmem_shared>>
      tpu.wait_dma2 semaphore(%run_scoped3A : memref<!tpu.dma_semaphore, #tpu.memory_space<semaphore_mem>>) src(%arg10 : memref<3200xf32, #tpu.memory_space<vmem>>) dst(%dma_wait3A_93 : memref<3200xf32, #tpu.memory_space<vmem_shared>>)
      tpu.yield
    }) : () -> ()
    %mul3A_16 = arith.constant 6400 : i32
    %mul3A_17 = arith.muli %arg1, %mul3A_16 : i32
    %add3A_18 = arith.constant 3200 : i32
    %add3A_19 = arith.addi %mul3A_17, %add3A_18 : i32
    "tpu.region"() ({
      %run_scoped3A = tpu.sem_alloc : memref<!tpu.dma_semaphore, #tpu.memory_space<semaphore_mem>>
      %dma_start3A_90 = tpu.memref_slice %arg11[%add3A_19] : memref<102400xf32, #tpu.memory_space<vmem_shared>> -> memref<3200xf32, #tpu.memory_space<vmem_shared>>
      %dma_start3A_91 = tpu.memref_slice %arg11[%add3A_19] : memref<102400xf32, #tpu.memory_space<vmem_shared>> -> memref<3200xf32, #tpu.memory_space<vmem_shared>>
      tpu.enqueue_dma source(%arg10 : memref<3200xf32, #tpu.memory_space<vmem>>) target(%dma_start3A_91 : memref<3200xf32, #tpu.memory_space<vmem_shared>>) target_semaphore(%run_scoped3A : memref<!tpu.dma_semaphore, #tpu.memory_space<semaphore_mem>>)
      %dma_wait3A_92 = tpu.memref_slice %arg11[%add3A_19] : memref<102400xf32, #tpu.memory_space<vmem_shared>> -> memref<3200xf32, #tpu.memory_space<vmem_shared>>
      %dma_wait3A_93 = tpu.memref_slice %arg11[%add3A_19] : memref<102400xf32, #tpu.memory_space<vmem_shared>> -> memref<3200xf32, #tpu.memory_space<vmem_shared>>
      tpu.wait_dma2 semaphore(%run_scoped3A : memref<!tpu.dma_semaphore, #tpu.memory_space<semaphore_mem>>) src(%arg10 : memref<3200xf32, #tpu.memory_space<vmem>>) dst(%dma_wait3A_93 : memref<3200xf32, #tpu.memory_space<vmem_shared>>)
      tpu.yield
    }) : () -> ()
    %add3A_20 = arith.constant 0 : i32
    %add3A_21 = arith.addi %add3A_8, %add3A_20 : i32
    %mul3A_22 = arith.constant 2560 : i32
    %mul3A_23 = arith.muli %add3A_21, %mul3A_22 : i32
    %multiple_of3A = tpu.assume_multiple %mul3A_23, 2560 : i32
    %multiple_of3A_24 = arith.constant 0 : i32
    %multiple_of3A_25 = tpu.assume_multiple %multiple_of3A_24, 2560 : i32
    %dma_start3A = arith.constant 0 : i32
    %dma_start3A_26 = tpu.memref_slice %arg7[%multiple_of3A_25] : memref<5120xi32, #tpu.memory_space<vmem>> -> memref<2560xi32, #tpu.memory_space<vmem>>
    %dma_start3A_27 = tpu.memref_slice %arg2[%multiple_of3A] : memref<6400000xi32, #tpu.memory_space<hbm>> -> memref<2560xi32, #tpu.memory_space<hbm>>
    %dma_start3A_28 = tpu.memref_slice %arg12[%dma_start3A] : memref<2x!tpu.dma_semaphore, #tpu.memory_space<semaphore_mem>> -> memref<1x!tpu.dma_semaphore, #tpu.memory_space<semaphore_mem>>
    %dma_start3A_29 = tpu.memref_squeeze %dma_start3A_28 : memref<1x!tpu.dma_semaphore, #tpu.memory_space<semaphore_mem>> -> memref<!tpu.dma_semaphore, #tpu.memory_space<semaphore_mem>>
    %dma_start3A_30 = tpu.memref_slice %arg7[%multiple_of3A_25] : memref<5120xi32, #tpu.memory_space<vmem>> -> memref<2560xi32, #tpu.memory_space<vmem>>
    %dma_start3A_31 = tpu.memref_slice %arg2[%multiple_of3A] : memref<6400000xi32, #tpu.memory_space<hbm>> -> memref<2560xi32, #tpu.memory_space<hbm>>
    tpu.enqueue_dma source(%dma_start3A_31 : memref<2560xi32, #tpu.memory_space<hbm>>) target(%dma_start3A_30 : memref<2560xi32, #tpu.memory_space<vmem>>) target_semaphore(%dma_start3A_29 : memref<!tpu.dma_semaphore, #tpu.memory_space<semaphore_mem>>)
    %multiple_of3A_32 = arith.constant 0 : i32
    %multiple_of3A_33 = tpu.assume_multiple %multiple_of3A_32, 2560 : i32
    %dma_start3A_34 = arith.constant 0 : i32
    %dma_start3A_35 = tpu.memref_slice %arg8[%multiple_of3A_33] : memref<5120xi32, #tpu.memory_space<vmem>> -> memref<2560xi32, #tpu.memory_space<vmem>>
    %dma_start3A_36 = tpu.memref_slice %arg3[%multiple_of3A] : memref<6400000xi32, #tpu.memory_space<hbm>> -> memref<2560xi32, #tpu.memory_space<hbm>>
    %dma_start3A_37 = tpu.memref_slice %arg12[%dma_start3A_34] : memref<2x!tpu.dma_semaphore, #tpu.memory_space<semaphore_mem>> -> memref<1x!tpu.dma_semaphore, #tpu.memory_space<semaphore_mem>>
    %dma_start3A_38 = tpu.memref_squeeze %dma_start3A_37 : memref<1x!tpu.dma_semaphore, #tpu.memory_space<semaphore_mem>> -> memref<!tpu.dma_semaphore, #tpu.memory_space<semaphore_mem>>
    %dma_start3A_39 = tpu.memref_slice %arg8[%multiple_of3A_33] : memref<5120xi32, #tpu.memory_space<vmem>> -> memref<2560xi32, #tpu.memory_space<vmem>>
    %dma_start3A_40 = tpu.memref_slice %arg3[%multiple_of3A] : memref<6400000xi32, #tpu.memory_space<hbm>> -> memref<2560xi32, #tpu.memory_space<hbm>>
    tpu.enqueue_dma source(%dma_start3A_40 : memref<2560xi32, #tpu.memory_space<hbm>>) target(%dma_start3A_39 : memref<2560xi32, #tpu.memory_space<vmem>>) target_semaphore(%dma_start3A_38 : memref<!tpu.dma_semaphore, #tpu.memory_space<semaphore_mem>>)
    "tpu.region"() ({
      %run_scoped3A = tpu.sem_alloc : memref<!tpu.dma_semaphore, #tpu.memory_space<semaphore_mem>>
      tpu.enqueue_dma source(%arg4 : memref<102400xf32, #tpu.memory_space<hbm>>) target(%arg6 : memref<102400xf32, #tpu.memory_space<vmem>>) target_semaphore(%run_scoped3A : memref<!tpu.dma_semaphore, #tpu.memory_space<semaphore_mem>>)
      tpu.wait_dma2 semaphore(%run_scoped3A : memref<!tpu.dma_semaphore, #tpu.memory_space<semaphore_mem>>) src(%arg4 : memref<102400xf32, #tpu.memory_space<hbm>>) dst(%arg6 : memref<102400xf32, #tpu.memory_space<vmem>>)
      tpu.yield
    }) : () -> ()
    %barrier3A = arith.constant 0 : index
    tpu.barrier barrier_id(%barrier3A)
    %sub3A = arith.constant 0 : i32
    %sub3A_41 = arith.subi %add3A_4, %sub3A : i32
    %sub3A_42 = arith.constant 1 : i32
    %sub3A_43 = arith.constant 1 : i32
    %sub3A_44 = arith.subi %sub3A_42, %sub3A_43 : i32
    %add3A_45 = arith.addi %sub3A_41, %sub3A_44 : i32
    %div3A = arith.constant 1 : i32
    %div3A_46 = arith.divsi %add3A_45, %div3A : i32
    %while3A = arith.constant 1 : i32
    %while3A_47 = arith.constant 0 : i32
    %while3A_48 = arith.constant 0 : i32
    %while3A_49 = arith.subi %div3A_46, %while3A_48 : i32
    %while3A_50 = arith.addi %while3A_48, %while3A_49 : i32
    %while3A_51 = arith.constant 1 : i32
    %while3A_52 = arith.divsi %while3A_49, %while3A_51 : i32
    %while3A_53 = arith.muli %while3A_52, %while3A_51 : i32
    %while3A_54 = arith.addi %while3A_48, %while3A_53 : i32
    %while3A_55 = arith.constant 1 : i32
    scf.for %while3A_90 = %while3A_48 to %while3A_54 step %while3A_55  : i32 {
      %mul3A_91 = arith.muli %while3A_90, %while3A : i32
      %add3A_92 = arith.addi %while3A_47, %mul3A_91 : i32
      %jit3A_93 = arith.constant 2 : i32
      %eq3A_94 = arith.constant 0 : i32
      %eq3A_95 = arith.cmpi eq, %jit3A_93, %eq3A_94 : i32
      %jit3A_96 = arith.constant 1 : i32
      %select_n3A_97 = arith.select %eq3A_95, %jit3A_96, %jit3A_93 : i32
      %rem3A_98 = arith.remsi %add3A_92, %select_n3A_97 : i32
      %ne3A_99 = arith.constant 0 : i32
      %ne3A_100 = arith.cmpi ne, %rem3A_98, %ne3A_99 : i32
      %lt3A_101 = arith.constant 0 : i32
      %lt3A_102 = arith.cmpi slt, %rem3A_98, %lt3A_101 : i32
      %lt3A_103 = arith.constant 0 : i32
      %lt3A_104 = arith.cmpi slt, %select_n3A_97, %lt3A_103 : i32
      %ne3A_105 = arith.xori %lt3A_102, %lt3A_104 : i1
      %and3A_106 = arith.andi %ne3A_105, %ne3A_100 : i1
      %add3A_107 = arith.addi %rem3A_98, %select_n3A_97 : i32
      %select_n3A_108 = arith.select %and3A_106, %add3A_107, %rem3A_98 : i32
      %sub3A_109 = arith.constant 1 : i32
      %sub3A_110 = arith.subi %sub3A_109, %select_n3A_108 : i32
      %gt3A = arith.constant 0 : i32
      %gt3A_111 = arith.cmpi sgt, %add3A_92, %gt3A : i32
      %convert_element_type3A = arith.extui %gt3A_111 : i1 to i32
      %cond3A = arith.constant 0 : i32
      %cond3A_112 = arith.cmpi ne, %convert_element_type3A, %cond3A : i32
      scf.if %cond3A_112 {
        %mul3A_157 = arith.constant 2560 : i32
        %mul3A_158 = arith.muli %sub3A_110, %mul3A_157 : i32
        %multiple_of3A_159 = tpu.assume_multiple %mul3A_158, 2560 : i32
        %mul3A_160 = arith.constant 2560 : i32
        %mul3A_161 = arith.muli %sub3A_110, %mul3A_160 : i32
        %multiple_of3A_162 = tpu.assume_multiple %mul3A_161, 2560 : i32
        %dma_wait3A_163 = tpu.memref_slice %arg9[%multiple_of3A_159] : memref<5120xf32, #tpu.memory_space<vmem>> -> memref<2560xf32, #tpu.memory_space<vmem>>
        %dma_wait3A_164 = tpu.memref_slice %arg8[%multiple_of3A_162] : memref<5120xi32, #tpu.memory_space<vmem>> -> memref<2560xi32, #tpu.memory_space<vmem>>
        %dma_wait3A_165 = arith.constant 0 : i32
        %dma_wait3A_166 = tpu.memref_slice %arg11[%dma_wait3A_165] : memref<102400xf32, #tpu.memory_space<vmem_shared>> -> memref<102400xf32, #tpu.memory_space<vmem_shared>>
        %dma_wait3A_167 = tpu.memref_slice %arg13[%sub3A_110] : memref<2x!tpu.dma_semaphore, #tpu.memory_space<semaphore_mem>> -> memref<1x!tpu.dma_semaphore, #tpu.memory_space<semaphore_mem>>
        %dma_wait3A_168 = tpu.memref_squeeze %dma_wait3A_167 : memref<1x!tpu.dma_semaphore, #tpu.memory_space<semaphore_mem>> -> memref<!tpu.dma_semaphore, #tpu.memory_space<semaphore_mem>>
        tpu.wait_indirect_dma semaphore(%dma_wait3A_168 : memref<!tpu.dma_semaphore, #tpu.memory_space<semaphore_mem>>) src(%dma_wait3A_163 : memref<2560xf32, #tpu.memory_space<vmem>>) dst(%dma_wait3A_166 : memref<102400xf32, #tpu.memory_space<vmem_shared>>)
      } else {
      }
      %add3A_113 = arith.constant 1 : i32
      %add3A_114 = arith.addi %add3A_92, %add3A_113 : i32
      %lt3A_115 = arith.cmpi slt, %add3A_114, %add3A_4 : i32
      %convert_element_type3A_116 = arith.extui %lt3A_115 : i1 to i32
      %cond3A_117 = arith.constant 0 : i32
      %cond3A_118 = arith.cmpi ne, %convert_element_type3A_116, %cond3A_117 : i32
      scf.if %cond3A_118 {
        %add3A_157 = arith.constant 1 : i32
        %add3A_158 = arith.addi %add3A_92, %add3A_157 : i32
        %add3A_159 = arith.addi %add3A_8, %add3A_158 : i32
        %mul3A_160 = arith.constant 2560 : i32
        %mul3A_161 = arith.muli %add3A_159, %mul3A_160 : i32
        %multiple_of3A_162 = tpu.assume_multiple %mul3A_161, 2560 : i32
        %mul3A_163 = arith.constant 2560 : i32
        %mul3A_164 = arith.muli %sub3A_110, %mul3A_163 : i32
        %multiple_of3A_165 = tpu.assume_multiple %mul3A_164, 2560 : i32
        %dma_start3A_166 = tpu.memref_slice %arg7[%multiple_of3A_165] : memref<5120xi32, #tpu.memory_space<vmem>> -> memref<2560xi32, #tpu.memory_space<vmem>>
        %dma_start3A_167 = tpu.memref_slice %arg2[%multiple_of3A_162] : memref<6400000xi32, #tpu.memory_space<hbm>> -> memref<2560xi32, #tpu.memory_space<hbm>>
        %dma_start3A_168 = tpu.memref_slice %arg12[%sub3A_110] : memref<2x!tpu.dma_semaphore, #tpu.memory_space<semaphore_mem>> -> memref<1x!tpu.dma_semaphore, #tpu.memory_space<semaphore_mem>>
        %dma_start3A_169 = tpu.memref_squeeze %dma_start3A_168 : memref<1x!tpu.dma_semaphore, #tpu.memory_space<semaphore_mem>> -> memref<!tpu.dma_semaphore, #tpu.memory_space<semaphore_mem>>
        %dma_start3A_170 = tpu.memref_slice %arg7[%multiple_of3A_165] : memref<5120xi32, #tpu.memory_space<vmem>> -> memref<2560xi32, #tpu.memory_space<vmem>>
        %dma_start3A_171 = tpu.memref_slice %arg2[%multiple_of3A_162] : memref<6400000xi32, #tpu.memory_space<hbm>> -> memref<2560xi32, #tpu.memory_space<hbm>>
        tpu.enqueue_dma source(%dma_start3A_171 : memref<2560xi32, #tpu.memory_space<hbm>>) target(%dma_start3A_170 : memref<2560xi32, #tpu.memory_space<vmem>>) target_semaphore(%dma_start3A_169 : memref<!tpu.dma_semaphore, #tpu.memory_space<semaphore_mem>>)
        %mul3A_172 = arith.constant 2560 : i32
        %mul3A_173 = arith.muli %sub3A_110, %mul3A_172 : i32
        %multiple_of3A_174 = tpu.assume_multiple %mul3A_173, 2560 : i32
        %dma_start3A_175 = tpu.memref_slice %arg8[%multiple_of3A_174] : memref<5120xi32, #tpu.memory_space<vmem>> -> memref<2560xi32, #tpu.memory_space<vmem>>
        %dma_start3A_176 = tpu.memref_slice %arg3[%multiple_of3A_162] : memref<6400000xi32, #tpu.memory_space<hbm>> -> memref<2560xi32, #tpu.memory_space<hbm>>
        %dma_start3A_177 = tpu.memref_slice %arg12[%sub3A_110] : memref<2x!tpu.dma_semaphore, #tpu.memory_space<semaphore_mem>> -> memref<1x!tpu.dma_semaphore, #tpu.memory_space<semaphore_mem>>
        %dma_start3A_178 = tpu.memref_squeeze %dma_start3A_177 : memref<1x!tpu.dma_semaphore, #tpu.memory_space<semaphore_mem>> -> memref<!tpu.dma_semaphore, #tpu.memory_space<semaphore_mem>>
        %dma_start3A_179 = tpu.memref_slice %arg8[%multiple_of3A_174] : memref<5120xi32, #tpu.memory_space<vmem>> -> memref<2560xi32, #tpu.memory_space<vmem>>
        %dma_start3A_180 = tpu.memref_slice %arg3[%multiple_of3A_162] : memref<6400000xi32, #tpu.memory_space<hbm>> -> memref<2560xi32, #tpu.memory_space<hbm>>
        tpu.enqueue_dma source(%dma_start3A_180 : memref<2560xi32, #tpu.memory_space<hbm>>) target(%dma_start3A_179 : memref<2560xi32, #tpu.memory_space<vmem>>) target_semaphore(%dma_start3A_178 : memref<!tpu.dma_semaphore, #tpu.memory_space<semaphore_mem>>)
      } else {
      }
      %add3A_119 = arith.addi %add3A_8, %add3A_92 : i32
      %mul3A_120 = arith.constant 2560 : i32
      %mul3A_121 = arith.muli %add3A_119, %mul3A_120 : i32
      %multiple_of3A_122 = tpu.assume_multiple %mul3A_121, 2560 : i32
      %mul3A_123 = arith.constant 2560 : i32
      %mul3A_124 = arith.muli %select_n3A_108, %mul3A_123 : i32
      %multiple_of3A_125 = tpu.assume_multiple %mul3A_124, 2560 : i32
      %dma_wait3A_126 = tpu.memref_slice %arg7[%multiple_of3A_125] : memref<5120xi32, #tpu.memory_space<vmem>> -> memref<2560xi32, #tpu.memory_space<vmem>>
      %dma_wait3A_127 = tpu.memref_slice %arg2[%multiple_of3A_122] : memref<6400000xi32, #tpu.memory_space<hbm>> -> memref<2560xi32, #tpu.memory_space<hbm>>
      %dma_wait3A_128 = tpu.memref_slice %arg12[%select_n3A_108] : memref<2x!tpu.dma_semaphore, #tpu.memory_space<semaphore_mem>> -> memref<1x!tpu.dma_semaphore, #tpu.memory_space<semaphore_mem>>
      %dma_wait3A_129 = tpu.memref_squeeze %dma_wait3A_128 : memref<1x!tpu.dma_semaphore, #tpu.memory_space<semaphore_mem>> -> memref<!tpu.dma_semaphore, #tpu.memory_space<semaphore_mem>>
      %dma_wait3A_130 = tpu.memref_slice %arg7[%multiple_of3A_125] : memref<5120xi32, #tpu.memory_space<vmem>> -> memref<2560xi32, #tpu.memory_space<vmem>>
      %dma_wait3A_131 = tpu.memref_slice %arg2[%multiple_of3A_122] : memref<6400000xi32, #tpu.memory_space<hbm>> -> memref<2560xi32, #tpu.memory_space<hbm>>
      tpu.wait_dma2 semaphore(%dma_wait3A_129 : memref<!tpu.dma_semaphore, #tpu.memory_space<semaphore_mem>>) src(%dma_wait3A_131 : memref<2560xi32, #tpu.memory_space<hbm>>) dst(%dma_wait3A_130 : memref<2560xi32, #tpu.memory_space<vmem>>)
      %mul3A_132 = arith.constant 2560 : i32
      %mul3A_133 = arith.muli %select_n3A_108, %mul3A_132 : i32
      %multiple_of3A_134 = tpu.assume_multiple %mul3A_133, 2560 : i32
      %dma_wait3A_135 = tpu.memref_slice %arg8[%multiple_of3A_134] : memref<5120xi32, #tpu.memory_space<vmem>> -> memref<2560xi32, #tpu.memory_space<vmem>>
      %dma_wait3A_136 = tpu.memref_slice %arg3[%multiple_of3A_122] : memref<6400000xi32, #tpu.memory_space<hbm>> -> memref<2560xi32, #tpu.memory_space<hbm>>
      %dma_wait3A_137 = tpu.memref_slice %arg12[%select_n3A_108] : memref<2x!tpu.dma_semaphore, #tpu.memory_space<semaphore_mem>> -> memref<1x!tpu.dma_semaphore, #tpu.memory_space<semaphore_mem>>
      %dma_wait3A_138 = tpu.memref_squeeze %dma_wait3A_137 : memref<1x!tpu.dma_semaphore, #tpu.memory_space<semaphore_mem>> -> memref<!tpu.dma_semaphore, #tpu.memory_space<semaphore_mem>>
      %dma_wait3A_139 = tpu.memref_slice %arg8[%multiple_of3A_134] : memref<5120xi32, #tpu.memory_space<vmem>> -> memref<2560xi32, #tpu.memory_space<vmem>>
      %dma_wait3A_140 = tpu.memref_slice %arg3[%multiple_of3A_122] : memref<6400000xi32, #tpu.memory_space<hbm>> -> memref<2560xi32, #tpu.memory_space<hbm>>
      tpu.wait_dma2 semaphore(%dma_wait3A_138 : memref<!tpu.dma_semaphore, #tpu.memory_space<semaphore_mem>>) src(%dma_wait3A_140 : memref<2560xi32, #tpu.memory_space<hbm>>) dst(%dma_wait3A_139 : memref<2560xi32, #tpu.memory_space<vmem>>)
      %mul3A_141 = arith.constant 2560 : i32
      %mul3A_142 = arith.muli %select_n3A_108, %mul3A_141 : i32
      %parallel_loop3A = arith.constant 0 : i32
      %parallel_loop3A_143 = arith.constant 160 : i32
      %parallel_loop3A_144 = arith.constant 1 : i32
      scf.for %parallel_loop3A_157 = %parallel_loop3A to %parallel_loop3A_143 step %parallel_loop3A_144  : i32 {
        %parallel_loop3A_158 = arith.constant 16 : i32
        %parallel_loop3A_159 = arith.muli %parallel_loop3A_157, %parallel_loop3A_158 : i32
        %parallel_loop3A_160 = arith.addi %mul3A_142, %parallel_loop3A_159 : i32
        %parallel_loop3A_161 = arith.index_cast %parallel_loop3A_160 : i32 to index
        %parallel_loop3A_162 = tpu.vector_load %arg7[%parallel_loop3A_161] {strides = array<i32>} : memref<5120xi32, #tpu.memory_space<vmem>>, vector<16xi32>,
        %parallel_loop3A_163 = tpu.vector_load_idx %arg6[%parallel_loop3A_162] : memref<102400xf32, #tpu.memory_space<vmem>>[vector<16xi32>], vector<16xf32>,
        %parallel_loop3A_164 = arith.constant 16 : i32
        %parallel_loop3A_165 = arith.muli %parallel_loop3A_157, %parallel_loop3A_164 : i32
        %parallel_loop3A_166 = arith.addi %mul3A_142, %parallel_loop3A_165 : i32
        %parallel_loop3A_167 = arith.index_cast %parallel_loop3A_166 : i32 to index
        %parallel_loop3A_168 = tpu.vector_load %arg9[%parallel_loop3A_167] {strides = array<i32>} : memref<5120xf32, #tpu.memory_space<vmem>>, vector<16xf32>,
        tpu.vector_store %arg9[%parallel_loop3A_167], %parallel_loop3A_163 {strides = array<i32>} : memref<5120xf32, #tpu.memory_space<vmem>>, vector<16xf32>,
      } {sc.loop_unroll_factor = 8 : i64, sc.parallel_access}
      %mul3A_145 = arith.constant 2560 : i32
      %mul3A_146 = arith.muli %select_n3A_108, %mul3A_145 : i32
      %multiple_of3A_147 = tpu.assume_multiple %mul3A_146, 2560 : i32
      %mul3A_148 = arith.constant 2560 : i32
      %mul3A_149 = arith.muli %select_n3A_108, %mul3A_148 : i32
      %multiple_of3A_150 = tpu.assume_multiple %mul3A_149, 2560 : i32
      %dma_start3A_151 = tpu.memref_slice %arg9[%multiple_of3A_147] : memref<5120xf32, #tpu.memory_space<vmem>> -> memref<2560xf32, #tpu.memory_space<vmem>>
      %dma_start3A_152 = tpu.memref_slice %arg8[%multiple_of3A_150] : memref<5120xi32, #tpu.memory_space<vmem>> -> memref<2560xi32, #tpu.memory_space<vmem>>
      %dma_start3A_153 = arith.constant 0 : i32
      %dma_start3A_154 = tpu.memref_slice %arg11[%dma_start3A_153] : memref<102400xf32, #tpu.memory_space<vmem_shared>> -> memref<102400xf32, #tpu.memory_space<vmem_shared>>
      %dma_start3A_155 = tpu.memref_slice %arg13[%select_n3A_108] : memref<2x!tpu.dma_semaphore, #tpu.memory_space<semaphore_mem>> -> memref<1x!tpu.dma_semaphore, #tpu.memory_space<semaphore_mem>>
      %dma_start3A_156 = tpu.memref_squeeze %dma_start3A_155 : memref<1x!tpu.dma_semaphore, #tpu.memory_space<semaphore_mem>> -> memref<!tpu.dma_semaphore, #tpu.memory_space<semaphore_mem>>
      tpu.enqueue_indirect_dma source(%dma_start3A_151 : memref<2560xf32, #tpu.memory_space<vmem>>) target(%dma_start3A_154 : memref<102400xf32, #tpu.memory_space<vmem_shared>>) offsets(%dma_start3A_152 : memref<2560xi32, #tpu.memory_space<vmem>>) semaphore(%dma_start3A_156 : memref<!tpu.dma_semaphore, #tpu.memory_space<semaphore_mem>>) {add = true}
    }
    %while3A_56 = arith.constant 1 : i32
    scf.for %while3A_90 = %while3A_54 to %while3A_50 step %while3A_56  : i32 {
      %mul3A_91 = arith.muli %while3A_90, %while3A : i32
      %add3A_92 = arith.addi %while3A_47, %mul3A_91 : i32
      %jit3A_93 = arith.constant 2 : i32
      %eq3A_94 = arith.constant 0 : i32
      %eq3A_95 = arith.cmpi eq, %jit3A_93, %eq3A_94 : i32
      %jit3A_96 = arith.constant 1 : i32
      %select_n3A_97 = arith.select %eq3A_95, %jit3A_96, %jit3A_93 : i32
      %rem3A_98 = arith.remsi %add3A_92, %select_n3A_97 : i32
      %ne3A_99 = arith.constant 0 : i32
      %ne3A_100 = arith.cmpi ne, %rem3A_98, %ne3A_99 : i32
      %lt3A_101 = arith.constant 0 : i32
      %lt3A_102 = arith.cmpi slt, %rem3A_98, %lt3A_101 : i32
      %lt3A_103 = arith.constant 0 : i32
      %lt3A_104 = arith.cmpi slt, %select_n3A_97, %lt3A_103 : i32
      %ne3A_105 = arith.xori %lt3A_102, %lt3A_104 : i1
      %and3A_106 = arith.andi %ne3A_105, %ne3A_100 : i1
      %add3A_107 = arith.addi %rem3A_98, %select_n3A_97 : i32
      %select_n3A_108 = arith.select %and3A_106, %add3A_107, %rem3A_98 : i32
      %sub3A_109 = arith.constant 1 : i32
      %sub3A_110 = arith.subi %sub3A_109, %select_n3A_108 : i32
      %gt3A = arith.constant 0 : i32
      %gt3A_111 = arith.cmpi sgt, %add3A_92, %gt3A : i32
      %convert_element_type3A = arith.extui %gt3A_111 : i1 to i32
      %cond3A = arith.constant 0 : i32
      %cond3A_112 = arith.cmpi ne, %convert_element_type3A, %cond3A : i32
      scf.if %cond3A_112 {
        %mul3A_157 = arith.constant 2560 : i32
        %mul3A_158 = arith.muli %sub3A_110, %mul3A_157 : i32
        %multiple_of3A_159 = tpu.assume_multiple %mul3A_158, 2560 : i32
        %mul3A_160 = arith.constant 2560 : i32
        %mul3A_161 = arith.muli %sub3A_110, %mul3A_160 : i32
        %multiple_of3A_162 = tpu.assume_multiple %mul3A_161, 2560 : i32
        %dma_wait3A_163 = tpu.memref_slice %arg9[%multiple_of3A_159] : memref<5120xf32, #tpu.memory_space<vmem>> -> memref<2560xf32, #tpu.memory_space<vmem>>
        %dma_wait3A_164 = tpu.memref_slice %arg8[%multiple_of3A_162] : memref<5120xi32, #tpu.memory_space<vmem>> -> memref<2560xi32, #tpu.memory_space<vmem>>
        %dma_wait3A_165 = arith.constant 0 : i32
        %dma_wait3A_166 = tpu.memref_slice %arg11[%dma_wait3A_165] : memref<102400xf32, #tpu.memory_space<vmem_shared>> -> memref<102400xf32, #tpu.memory_space<vmem_shared>>
        %dma_wait3A_167 = tpu.memref_slice %arg13[%sub3A_110] : memref<2x!tpu.dma_semaphore, #tpu.memory_space<semaphore_mem>> -> memref<1x!tpu.dma_semaphore, #tpu.memory_space<semaphore_mem>>
        %dma_wait3A_168 = tpu.memref_squeeze %dma_wait3A_167 : memref<1x!tpu.dma_semaphore, #tpu.memory_space<semaphore_mem>> -> memref<!tpu.dma_semaphore, #tpu.memory_space<semaphore_mem>>
        tpu.wait_indirect_dma semaphore(%dma_wait3A_168 : memref<!tpu.dma_semaphore, #tpu.memory_space<semaphore_mem>>) src(%dma_wait3A_163 : memref<2560xf32, #tpu.memory_space<vmem>>) dst(%dma_wait3A_166 : memref<102400xf32, #tpu.memory_space<vmem_shared>>)
      } else {
      }
      %add3A_113 = arith.constant 1 : i32
      %add3A_114 = arith.addi %add3A_92, %add3A_113 : i32
      %lt3A_115 = arith.cmpi slt, %add3A_114, %add3A_4 : i32
      %convert_element_type3A_116 = arith.extui %lt3A_115 : i1 to i32
      %cond3A_117 = arith.constant 0 : i32
      %cond3A_118 = arith.cmpi ne, %convert_element_type3A_116, %cond3A_117 : i32
      scf.if %cond3A_118 {
        %add3A_157 = arith.constant 1 : i32
        %add3A_158 = arith.addi %add3A_92, %add3A_157 : i32
        %add3A_159 = arith.addi %add3A_8, %add3A_158 : i32
        %mul3A_160 = arith.constant 2560 : i32
        %mul3A_161 = arith.muli %add3A_159, %mul3A_160 : i32
        %multiple_of3A_162 = tpu.assume_multiple %mul3A_161, 2560 : i32
        %mul3A_163 = arith.constant 2560 : i32
        %mul3A_164 = arith.muli %sub3A_110, %mul3A_163 : i32
        %multiple_of3A_165 = tpu.assume_multiple %mul3A_164, 2560 : i32
        %dma_start3A_166 = tpu.memref_slice %arg7[%multiple_of3A_165] : memref<5120xi32, #tpu.memory_space<vmem>> -> memref<2560xi32, #tpu.memory_space<vmem>>
        %dma_start3A_167 = tpu.memref_slice %arg2[%multiple_of3A_162] : memref<6400000xi32, #tpu.memory_space<hbm>> -> memref<2560xi32, #tpu.memory_space<hbm>>
        %dma_start3A_168 = tpu.memref_slice %arg12[%sub3A_110] : memref<2x!tpu.dma_semaphore, #tpu.memory_space<semaphore_mem>> -> memref<1x!tpu.dma_semaphore, #tpu.memory_space<semaphore_mem>>
        %dma_start3A_169 = tpu.memref_squeeze %dma_start3A_168 : memref<1x!tpu.dma_semaphore, #tpu.memory_space<semaphore_mem>> -> memref<!tpu.dma_semaphore, #tpu.memory_space<semaphore_mem>>
        %dma_start3A_170 = tpu.memref_slice %arg7[%multiple_of3A_165] : memref<5120xi32, #tpu.memory_space<vmem>> -> memref<2560xi32, #tpu.memory_space<vmem>>
        %dma_start3A_171 = tpu.memref_slice %arg2[%multiple_of3A_162] : memref<6400000xi32, #tpu.memory_space<hbm>> -> memref<2560xi32, #tpu.memory_space<hbm>>
        tpu.enqueue_dma source(%dma_start3A_171 : memref<2560xi32, #tpu.memory_space<hbm>>) target(%dma_start3A_170 : memref<2560xi32, #tpu.memory_space<vmem>>) target_semaphore(%dma_start3A_169 : memref<!tpu.dma_semaphore, #tpu.memory_space<semaphore_mem>>)
        %mul3A_172 = arith.constant 2560 : i32
        %mul3A_173 = arith.muli %sub3A_110, %mul3A_172 : i32
        %multiple_of3A_174 = tpu.assume_multiple %mul3A_173, 2560 : i32
        %dma_start3A_175 = tpu.memref_slice %arg8[%multiple_of3A_174] : memref<5120xi32, #tpu.memory_space<vmem>> -> memref<2560xi32, #tpu.memory_space<vmem>>
        %dma_start3A_176 = tpu.memref_slice %arg3[%multiple_of3A_162] : memref<6400000xi32, #tpu.memory_space<hbm>> -> memref<2560xi32, #tpu.memory_space<hbm>>
        %dma_start3A_177 = tpu.memref_slice %arg12[%sub3A_110] : memref<2x!tpu.dma_semaphore, #tpu.memory_space<semaphore_mem>> -> memref<1x!tpu.dma_semaphore, #tpu.memory_space<semaphore_mem>>
        %dma_start3A_178 = tpu.memref_squeeze %dma_start3A_177 : memref<1x!tpu.dma_semaphore, #tpu.memory_space<semaphore_mem>> -> memref<!tpu.dma_semaphore, #tpu.memory_space<semaphore_mem>>
        %dma_start3A_179 = tpu.memref_slice %arg8[%multiple_of3A_174] : memref<5120xi32, #tpu.memory_space<vmem>> -> memref<2560xi32, #tpu.memory_space<vmem>>
        %dma_start3A_180 = tpu.memref_slice %arg3[%multiple_of3A_162] : memref<6400000xi32, #tpu.memory_space<hbm>> -> memref<2560xi32, #tpu.memory_space<hbm>>
        tpu.enqueue_dma source(%dma_start3A_180 : memref<2560xi32, #tpu.memory_space<hbm>>) target(%dma_start3A_179 : memref<2560xi32, #tpu.memory_space<vmem>>) target_semaphore(%dma_start3A_178 : memref<!tpu.dma_semaphore, #tpu.memory_space<semaphore_mem>>)
      } else {
      }
      %add3A_119 = arith.addi %add3A_8, %add3A_92 : i32
      %mul3A_120 = arith.constant 2560 : i32
      %mul3A_121 = arith.muli %add3A_119, %mul3A_120 : i32
      %multiple_of3A_122 = tpu.assume_multiple %mul3A_121, 2560 : i32
      %mul3A_123 = arith.constant 2560 : i32
      %mul3A_124 = arith.muli %select_n3A_108, %mul3A_123 : i32
      %multiple_of3A_125 = tpu.assume_multiple %mul3A_124, 2560 : i32
      %dma_wait3A_126 = tpu.memref_slice %arg7[%multiple_of3A_125] : memref<5120xi32, #tpu.memory_space<vmem>> -> memref<2560xi32, #tpu.memory_space<vmem>>
      %dma_wait3A_127 = tpu.memref_slice %arg2[%multiple_of3A_122] : memref<6400000xi32, #tpu.memory_space<hbm>> -> memref<2560xi32, #tpu.memory_space<hbm>>
      %dma_wait3A_128 = tpu.memref_slice %arg12[%select_n3A_108] : memref<2x!tpu.dma_semaphore, #tpu.memory_space<semaphore_mem>> -> memref<1x!tpu.dma_semaphore, #tpu.memory_space<semaphore_mem>>
      %dma_wait3A_129 = tpu.memref_squeeze %dma_wait3A_128 : memref<1x!tpu.dma_semaphore, #tpu.memory_space<semaphore_mem>> -> memref<!tpu.dma_semaphore, #tpu.memory_space<semaphore_mem>>
      %dma_wait3A_130 = tpu.memref_slice %arg7[%multiple_of3A_125] : memref<5120xi32, #tpu.memory_space<vmem>> -> memref<2560xi32, #tpu.memory_space<vmem>>
      %dma_wait3A_131 = tpu.memref_slice %arg2[%multiple_of3A_122] : memref<6400000xi32, #tpu.memory_space<hbm>> -> memref<2560xi32, #tpu.memory_space<hbm>>
      tpu.wait_dma2 semaphore(%dma_wait3A_129 : memref<!tpu.dma_semaphore, #tpu.memory_space<semaphore_mem>>) src(%dma_wait3A_131 : memref<2560xi32, #tpu.memory_space<hbm>>) dst(%dma_wait3A_130 : memref<2560xi32, #tpu.memory_space<vmem>>)
      %mul3A_132 = arith.constant 2560 : i32
      %mul3A_133 = arith.muli %select_n3A_108, %mul3A_132 : i32
      %multiple_of3A_134 = tpu.assume_multiple %mul3A_133, 2560 : i32
      %dma_wait3A_135 = tpu.memref_slice %arg8[%multiple_of3A_134] : memref<5120xi32, #tpu.memory_space<vmem>> -> memref<2560xi32, #tpu.memory_space<vmem>>
      %dma_wait3A_136 = tpu.memref_slice %arg3[%multiple_of3A_122] : memref<6400000xi32, #tpu.memory_space<hbm>> -> memref<2560xi32, #tpu.memory_space<hbm>>
      %dma_wait3A_137 = tpu.memref_slice %arg12[%select_n3A_108] : memref<2x!tpu.dma_semaphore, #tpu.memory_space<semaphore_mem>> -> memref<1x!tpu.dma_semaphore, #tpu.memory_space<semaphore_mem>>
      %dma_wait3A_138 = tpu.memref_squeeze %dma_wait3A_137 : memref<1x!tpu.dma_semaphore, #tpu.memory_space<semaphore_mem>> -> memref<!tpu.dma_semaphore, #tpu.memory_space<semaphore_mem>>
      %dma_wait3A_139 = tpu.memref_slice %arg8[%multiple_of3A_134] : memref<5120xi32, #tpu.memory_space<vmem>> -> memref<2560xi32, #tpu.memory_space<vmem>>
      %dma_wait3A_140 = tpu.memref_slice %arg3[%multiple_of3A_122] : memref<6400000xi32, #tpu.memory_space<hbm>> -> memref<2560xi32, #tpu.memory_space<hbm>>
      tpu.wait_dma2 semaphore(%dma_wait3A_138 : memref<!tpu.dma_semaphore, #tpu.memory_space<semaphore_mem>>) src(%dma_wait3A_140 : memref<2560xi32, #tpu.memory_space<hbm>>) dst(%dma_wait3A_139 : memref<2560xi32, #tpu.memory_space<vmem>>)
      %mul3A_141 = arith.constant 2560 : i32
      %mul3A_142 = arith.muli %select_n3A_108, %mul3A_141 : i32
      %parallel_loop3A = arith.constant 0 : i32
      %parallel_loop3A_143 = arith.constant 160 : i32
      %parallel_loop3A_144 = arith.constant 1 : i32
      scf.for %parallel_loop3A_157 = %parallel_loop3A to %parallel_loop3A_143 step %parallel_loop3A_144  : i32 {
        %parallel_loop3A_158 = arith.constant 16 : i32
        %parallel_loop3A_159 = arith.muli %parallel_loop3A_157, %parallel_loop3A_158 : i32
        %parallel_loop3A_160 = arith.addi %mul3A_142, %parallel_loop3A_159 : i32
        %parallel_loop3A_161 = arith.index_cast %parallel_loop3A_160 : i32 to index
        %parallel_loop3A_162 = tpu.vector_load %arg7[%parallel_loop3A_161] {strides = array<i32>} : memref<5120xi32, #tpu.memory_space<vmem>>, vector<16xi32>,
        %parallel_loop3A_163 = tpu.vector_load_idx %arg6[%parallel_loop3A_162] : memref<102400xf32, #tpu.memory_space<vmem>>[vector<16xi32>], vector<16xf32>,
        %parallel_loop3A_164 = arith.constant 16 : i32
        %parallel_loop3A_165 = arith.muli %parallel_loop3A_157, %parallel_loop3A_164 : i32
        %parallel_loop3A_166 = arith.addi %mul3A_142, %parallel_loop3A_165 : i32
        %parallel_loop3A_167 = arith.index_cast %parallel_loop3A_166 : i32 to index
        %parallel_loop3A_168 = tpu.vector_load %arg9[%parallel_loop3A_167] {strides = array<i32>} : memref<5120xf32, #tpu.memory_space<vmem>>, vector<16xf32>,
        tpu.vector_store %arg9[%parallel_loop3A_167], %parallel_loop3A_163 {strides = array<i32>} : memref<5120xf32, #tpu.memory_space<vmem>>, vector<16xf32>,
      } {sc.loop_unroll_factor = 8 : i64, sc.parallel_access}
      %mul3A_145 = arith.constant 2560 : i32
      %mul3A_146 = arith.muli %select_n3A_108, %mul3A_145 : i32
      %multiple_of3A_147 = tpu.assume_multiple %mul3A_146, 2560 : i32
      %mul3A_148 = arith.constant 2560 : i32
      %mul3A_149 = arith.muli %select_n3A_108, %mul3A_148 : i32
      %multiple_of3A_150 = tpu.assume_multiple %mul3A_149, 2560 : i32
      %dma_start3A_151 = tpu.memref_slice %arg9[%multiple_of3A_147] : memref<5120xf32, #tpu.memory_space<vmem>> -> memref<2560xf32, #tpu.memory_space<vmem>>
      %dma_start3A_152 = tpu.memref_slice %arg8[%multiple_of3A_150] : memref<5120xi32, #tpu.memory_space<vmem>> -> memref<2560xi32, #tpu.memory_space<vmem>>
      %dma_start3A_153 = arith.constant 0 : i32
      %dma_start3A_154 = tpu.memref_slice %arg11[%dma_start3A_153] : memref<102400xf32, #tpu.memory_space<vmem_shared>> -> memref<102400xf32, #tpu.memory_space<vmem_shared>>
      %dma_start3A_155 = tpu.memref_slice %arg13[%select_n3A_108] : memref<2x!tpu.dma_semaphore, #tpu.memory_space<semaphore_mem>> -> memref<1x!tpu.dma_semaphore, #tpu.memory_space<semaphore_mem>>
      %dma_start3A_156 = tpu.memref_squeeze %dma_start3A_155 : memref<1x!tpu.dma_semaphore, #tpu.memory_space<semaphore_mem>> -> memref<!tpu.dma_semaphore, #tpu.memory_space<semaphore_mem>>
      tpu.enqueue_indirect_dma source(%dma_start3A_151 : memref<2560xf32, #tpu.memory_space<vmem>>) target(%dma_start3A_154 : memref<102400xf32, #tpu.memory_space<vmem_shared>>) offsets(%dma_start3A_152 : memref<2560xi32, #tpu.memory_space<vmem>>) semaphore(%dma_start3A_156 : memref<!tpu.dma_semaphore, #tpu.memory_space<semaphore_mem>>) {add = true}
    }
    %sub3A_57 = arith.constant 1 : i32
    %sub3A_58 = arith.subi %add3A_4, %sub3A_57 : i32
    %jit3A_59 = arith.constant 2 : i32
    %eq3A = arith.constant 0 : i32
    %eq3A_60 = arith.cmpi eq, %jit3A_59, %eq3A : i32
    %jit3A_61 = arith.constant 1 : i32
    %select_n3A_62 = arith.select %eq3A_60, %jit3A_61, %jit3A_59 : i32
    %rem3A = arith.remsi %sub3A_58, %select_n3A_62 : i32
    %ne3A = arith.constant 0 : i32
    %ne3A_63 = arith.cmpi ne, %rem3A, %ne3A : i32
    %lt3A_64 = arith.constant 0 : i32
    %lt3A_65 = arith.cmpi slt, %rem3A, %lt3A_64 : i32
    %lt3A_66 = arith.constant 0 : i32
    %lt3A_67 = arith.cmpi slt, %select_n3A_62, %lt3A_66 : i32
    %ne3A_68 = arith.xori %lt3A_65, %lt3A_67 : i1
    %and3A = arith.andi %ne3A_68, %ne3A_63 : i1
    %add3A_69 = arith.addi %rem3A, %select_n3A_62 : i32
    %select_n3A_70 = arith.select %and3A, %add3A_69, %rem3A : i32
    %mul3A_71 = arith.constant 2560 : i32
    %mul3A_72 = arith.muli %select_n3A_70, %mul3A_71 : i32
    %multiple_of3A_73 = tpu.assume_multiple %mul3A_72, 2560 : i32
    %mul3A_74 = arith.constant 2560 : i32
    %mul3A_75 = arith.muli %select_n3A_70, %mul3A_74 : i32
    %multiple_of3A_76 = tpu.assume_multiple %mul3A_75, 2560 : i32
    %dma_wait3A = tpu.memref_slice %arg9[%multiple_of3A_73] : memref<5120xf32, #tpu.memory_space<vmem>> -> memref<2560xf32, #tpu.memory_space<vmem>>
    %dma_wait3A_77 = tpu.memref_slice %arg8[%multiple_of3A_76] : memref<5120xi32, #tpu.memory_space<vmem>> -> memref<2560xi32, #tpu.memory_space<vmem>>
    %dma_wait3A_78 = arith.constant 0 : i32
    %dma_wait3A_79 = tpu.memref_slice %arg11[%dma_wait3A_78] : memref<102400xf32, #tpu.memory_space<vmem_shared>> -> memref<102400xf32, #tpu.memory_space<vmem_shared>>
    %dma_wait3A_80 = tpu.memref_slice %arg13[%select_n3A_70] : memref<2x!tpu.dma_semaphore, #tpu.memory_space<semaphore_mem>> -> memref<1x!tpu.dma_semaphore, #tpu.memory_space<semaphore_mem>>
    %dma_wait3A_81 = tpu.memref_squeeze %dma_wait3A_80 : memref<1x!tpu.dma_semaphore, #tpu.memory_space<semaphore_mem>> -> memref<!tpu.dma_semaphore, #tpu.memory_space<semaphore_mem>>
    tpu.wait_indirect_dma semaphore(%dma_wait3A_81 : memref<!tpu.dma_semaphore, #tpu.memory_space<semaphore_mem>>) src(%dma_wait3A : memref<2560xf32, #tpu.memory_space<vmem>>) dst(%dma_wait3A_79 : memref<102400xf32, #tpu.memory_space<vmem_shared>>)
    %barrier3A_82 = arith.constant 0 : index
    tpu.barrier barrier_id(%barrier3A_82)
    %mul3A_83 = arith.constant 6400 : i32
    %mul3A_84 = arith.muli %arg1, %mul3A_83 : i32
    %mul3A_85 = arith.constant 102400 : i32
    %mul3A_86 = arith.muli %arg0, %mul3A_85 : i32
    %mul3A_87 = arith.constant 6400 : i32
    %mul3A_88 = arith.muli %arg1, %mul3A_87 : i32
    %add3A_89 = arith.addi %mul3A_86, %mul3A_88 : i32
    "tpu.region"() ({
      %run_scoped3A = tpu.sem_alloc : memref<!tpu.dma_semaphore, #tpu.memory_space<semaphore_mem>>
      %dma_start3A_90 = tpu.memref_slice %arg5[%add3A_89] : memref<204800xf32, #tpu.memory_space<hbm>> -> memref<6400xf32, #tpu.memory_space<hbm>>
      %dma_start3A_91 = tpu.memref_slice %arg11[%mul3A_84] : memref<102400xf32, #tpu.memory_space<vmem_shared>> -> memref<6400xf32, #tpu.memory_space<vmem_shared>>
      tpu.enqueue_dma source(%dma_start3A_91 : memref<6400xf32, #tpu.memory_space<vmem_shared>>) target(%dma_start3A_90 : memref<6400xf32, #tpu.memory_space<hbm>>) target_semaphore(%run_scoped3A : memref<!tpu.dma_semaphore, #tpu.memory_space<semaphore_mem>>)
      %dma_wait3A_92 = tpu.memref_slice %arg5[%add3A_89] : memref<204800xf32, #tpu.memory_space<hbm>> -> memref<6400xf32, #tpu.memory_space<hbm>>
      %dma_wait3A_93 = tpu.memref_slice %arg11[%mul3A_84] : memref<102400xf32, #tpu.memory_space<vmem_shared>> -> memref<6400xf32, #tpu.memory_space<vmem_shared>>
      tpu.wait_dma2 semaphore(%run_scoped3A : memref<!tpu.dma_semaphore, #tpu.memory_space<semaphore_mem>>) src(%dma_wait3A_93 : memref<6400xf32, #tpu.memory_space<vmem_shared>>) dst(%dma_wait3A_92 : memref<6400xf32, #tpu.memory_space<hbm>>)
      tpu.yield
    }) : () -> ()
    return
  }
}

#map = affine_map<(d0, d1) -> (0)>
module attributes {stable_mosaic.version = 14 : i64} {
  func.func @sc_degree_pass(%arg0: i32, %arg1: i32, %arg2: memref<6400000xi32, #tpu.memory_space<hbm>>, %arg3: memref<204800xf32, #tpu.memory_space<hbm>>, %arg4: memref<5120xi32, #tpu.memory_space<vmem>>, %arg5: memref<5120xf32, #tpu.memory_space<vmem>>, %arg6: memref<3200xf32, #tpu.memory_space<vmem>>, %arg7: memref<102400xf32, #tpu.memory_space<vmem_shared>>, %arg8: memref<2x!tpu.dma_semaphore, #tpu.memory_space<semaphore_mem>>, %arg9: memref<2x!tpu.dma_semaphore, #tpu.memory_space<semaphore_mem>>) attributes {dimension_semantics = [#tpu.dimension_semantics<core_parallel>, #tpu.dimension_semantics<subcore_parallel>], iteration_bounds = array<i64: 2, 16>, scalar_prefetch = 0 : i64, scratch_operands = 6 : i64, tpu.core_type = #tpu.core_type<sc_vector_subcore>, window_params = [{transform_indices = #map}, {transform_indices = #map}]} {
    %mul3A = arith.constant 16 : i32
    %mul3A_0 = arith.muli %arg0, %mul3A : i32
    %add3A = arith.addi %mul3A_0, %arg1 : i32
    %lt3A = arith.constant 4 : i32
    %lt3A_1 = arith.cmpi slt, %add3A, %lt3A : i32
    %jit3A = arith.constant 1 : i32
    %jit3A_2 = arith.constant 0 : i32
    %select_n3A = arith.select %lt3A_1, %jit3A, %jit3A_2 : i32
    %add3A_3 = arith.constant 78 : i32
    %add3A_4 = arith.addi %add3A_3, %select_n3A : i32
    %mul3A_5 = arith.constant 78 : i32
    %mul3A_6 = arith.muli %add3A, %mul3A_5 : i32
    %min3A = arith.constant 4 : i32
    %min3A_7 = arith.minsi %add3A, %min3A : i32
    %add3A_8 = arith.addi %mul3A_6, %min3A_7 : i32
    %broadcast_in_dim3A = arith.constant 0.000000e+00 : f32
    %broadcast_in_dim3A_9 = vector.broadcast %broadcast_in_dim3A : f32 to vector<16xf32>
    %scan3A = arith.constant 0 : i32
    %scan3A_10 = arith.constant 200 : i32
    %scan3A_11 = arith.addi %scan3A, %scan3A_10 : i32
    %scan3A_12 = arith.constant 8 : i32
    scf.for %scan3A_87 = %scan3A to %scan3A_11 step %scan3A_12  : i32 {
      %mul3A_88 = arith.constant 1 : i32
      %mul3A_89 = arith.muli %scan3A_87, %mul3A_88 : i32
      %add3A_90 = arith.constant 0 : i32
      %add3A_91 = arith.addi %add3A_90, %mul3A_89 : i32
      %mul3A_92 = arith.constant 16 : i32
      %mul3A_93 = arith.muli %add3A_91, %mul3A_92 : i32
      %swap3A = arith.index_cast %mul3A_93 : i32 to index
      %swap3A_94 = tpu.vector_load %arg6[%swap3A] {strides = array<i32>} : memref<3200xf32, #tpu.memory_space<vmem>>, vector<16xf32>,
      tpu.vector_store %arg6[%swap3A], %broadcast_in_dim3A_9 {strides = array<i32>} : memref<3200xf32, #tpu.memory_space<vmem>>, vector<16xf32>,
      %scan3A_95 = arith.constant 1 : i32
      %scan3A_96 = arith.addi %scan3A_87, %scan3A_95 : i32
      %mul3A_97 = arith.constant 1 : i32
      %mul3A_98 = arith.muli %scan3A_96, %mul3A_97 : i32
      %add3A_99 = arith.constant 0 : i32
      %add3A_100 = arith.addi %add3A_99, %mul3A_98 : i32
      %mul3A_101 = arith.constant 16 : i32
      %mul3A_102 = arith.muli %add3A_100, %mul3A_101 : i32
      %swap3A_103 = arith.index_cast %mul3A_102 : i32 to index
      %swap3A_104 = tpu.vector_load %arg6[%swap3A_103] {strides = array<i32>} : memref<3200xf32, #tpu.memory_space<vmem>>, vector<16xf32>,
      tpu.vector_store %arg6[%swap3A_103], %broadcast_in_dim3A_9 {strides = array<i32>} : memref<3200xf32, #tpu.memory_space<vmem>>, vector<16xf32>,
      %scan3A_105 = arith.constant 2 : i32
      %scan3A_106 = arith.addi %scan3A_87, %scan3A_105 : i32
      %mul3A_107 = arith.constant 1 : i32
      %mul3A_108 = arith.muli %scan3A_106, %mul3A_107 : i32
      %add3A_109 = arith.constant 0 : i32
      %add3A_110 = arith.addi %add3A_109, %mul3A_108 : i32
      %mul3A_111 = arith.constant 16 : i32
      %mul3A_112 = arith.muli %add3A_110, %mul3A_111 : i32
      %swap3A_113 = arith.index_cast %mul3A_112 : i32 to index
      %swap3A_114 = tpu.vector_load %arg6[%swap3A_113] {strides = array<i32>} : memref<3200xf32, #tpu.memory_space<vmem>>, vector<16xf32>,
      tpu.vector_store %arg6[%swap3A_113], %broadcast_in_dim3A_9 {strides = array<i32>} : memref<3200xf32, #tpu.memory_space<vmem>>, vector<16xf32>,
      %scan3A_115 = arith.constant 3 : i32
      %scan3A_116 = arith.addi %scan3A_87, %scan3A_115 : i32
      %mul3A_117 = arith.constant 1 : i32
      %mul3A_118 = arith.muli %scan3A_116, %mul3A_117 : i32
      %add3A_119 = arith.constant 0 : i32
      %add3A_120 = arith.addi %add3A_119, %mul3A_118 : i32
      %mul3A_121 = arith.constant 16 : i32
      %mul3A_122 = arith.muli %add3A_120, %mul3A_121 : i32
      %swap3A_123 = arith.index_cast %mul3A_122 : i32 to index
      %swap3A_124 = tpu.vector_load %arg6[%swap3A_123] {strides = array<i32>} : memref<3200xf32, #tpu.memory_space<vmem>>, vector<16xf32>,
      tpu.vector_store %arg6[%swap3A_123], %broadcast_in_dim3A_9 {strides = array<i32>} : memref<3200xf32, #tpu.memory_space<vmem>>, vector<16xf32>,
      %scan3A_125 = arith.constant 4 : i32
      %scan3A_126 = arith.addi %scan3A_87, %scan3A_125 : i32
      %mul3A_127 = arith.constant 1 : i32
      %mul3A_128 = arith.muli %scan3A_126, %mul3A_127 : i32
      %add3A_129 = arith.constant 0 : i32
      %add3A_130 = arith.addi %add3A_129, %mul3A_128 : i32
      %mul3A_131 = arith.constant 16 : i32
      %mul3A_132 = arith.muli %add3A_130, %mul3A_131 : i32
      %swap3A_133 = arith.index_cast %mul3A_132 : i32 to index
      %swap3A_134 = tpu.vector_load %arg6[%swap3A_133] {strides = array<i32>} : memref<3200xf32, #tpu.memory_space<vmem>>, vector<16xf32>,
      tpu.vector_store %arg6[%swap3A_133], %broadcast_in_dim3A_9 {strides = array<i32>} : memref<3200xf32, #tpu.memory_space<vmem>>, vector<16xf32>,
      %scan3A_135 = arith.constant 5 : i32
      %scan3A_136 = arith.addi %scan3A_87, %scan3A_135 : i32
      %mul3A_137 = arith.constant 1 : i32
      %mul3A_138 = arith.muli %scan3A_136, %mul3A_137 : i32
      %add3A_139 = arith.constant 0 : i32
      %add3A_140 = arith.addi %add3A_139, %mul3A_138 : i32
      %mul3A_141 = arith.constant 16 : i32
      %mul3A_142 = arith.muli %add3A_140, %mul3A_141 : i32
      %swap3A_143 = arith.index_cast %mul3A_142 : i32 to index
      %swap3A_144 = tpu.vector_load %arg6[%swap3A_143] {strides = array<i32>} : memref<3200xf32, #tpu.memory_space<vmem>>, vector<16xf32>,
      tpu.vector_store %arg6[%swap3A_143], %broadcast_in_dim3A_9 {strides = array<i32>} : memref<3200xf32, #tpu.memory_space<vmem>>, vector<16xf32>,
      %scan3A_145 = arith.constant 6 : i32
      %scan3A_146 = arith.addi %scan3A_87, %scan3A_145 : i32
      %mul3A_147 = arith.constant 1 : i32
      %mul3A_148 = arith.muli %scan3A_146, %mul3A_147 : i32
      %add3A_149 = arith.constant 0 : i32
      %add3A_150 = arith.addi %add3A_149, %mul3A_148 : i32
      %mul3A_151 = arith.constant 16 : i32
      %mul3A_152 = arith.muli %add3A_150, %mul3A_151 : i32
      %swap3A_153 = arith.index_cast %mul3A_152 : i32 to index
      %swap3A_154 = tpu.vector_load %arg6[%swap3A_153] {strides = array<i32>} : memref<3200xf32, #tpu.memory_space<vmem>>, vector<16xf32>,
      tpu.vector_store %arg6[%swap3A_153], %broadcast_in_dim3A_9 {strides = array<i32>} : memref<3200xf32, #tpu.memory_space<vmem>>, vector<16xf32>,
      %scan3A_155 = arith.constant 7 : i32
      %scan3A_156 = arith.addi %scan3A_87, %scan3A_155 : i32
      %mul3A_157 = arith.constant 1 : i32
      %mul3A_158 = arith.muli %scan3A_156, %mul3A_157 : i32
      %add3A_159 = arith.constant 0 : i32
      %add3A_160 = arith.addi %add3A_159, %mul3A_158 : i32
      %mul3A_161 = arith.constant 16 : i32
      %mul3A_162 = arith.muli %add3A_160, %mul3A_161 : i32
      %swap3A_163 = arith.index_cast %mul3A_162 : i32 to index
      %swap3A_164 = tpu.vector_load %arg6[%swap3A_163] {strides = array<i32>} : memref<3200xf32, #tpu.memory_space<vmem>>, vector<16xf32>,
      tpu.vector_store %arg6[%swap3A_163], %broadcast_in_dim3A_9 {strides = array<i32>} : memref<3200xf32, #tpu.memory_space<vmem>>, vector<16xf32>,
    }
    %scan3A_13 = arith.constant 200 : i32
    %mul3A_14 = arith.constant 6400 : i32
    %mul3A_15 = arith.muli %arg1, %mul3A_14 : i32
    "tpu.region"() ({
      %run_scoped3A = tpu.sem_alloc : memref<!tpu.dma_semaphore, #tpu.memory_space<semaphore_mem>>
      %dma_start3A_87 = tpu.memref_slice %arg7[%mul3A_15] : memref<102400xf32, #tpu.memory_space<vmem_shared>> -> memref<3200xf32, #tpu.memory_space<vmem_shared>>
      %dma_start3A_88 = tpu.memref_slice %arg7[%mul3A_15] : memref<102400xf32, #tpu.memory_space<vmem_shared>> -> memref<3200xf32, #tpu.memory_space<vmem_shared>>
      tpu.enqueue_dma source(%arg6 : memref<3200xf32, #tpu.memory_space<vmem>>) target(%dma_start3A_88 : memref<3200xf32, #tpu.memory_space<vmem_shared>>) target_semaphore(%run_scoped3A : memref<!tpu.dma_semaphore, #tpu.memory_space<semaphore_mem>>)
      %dma_wait3A_89 = tpu.memref_slice %arg7[%mul3A_15] : memref<102400xf32, #tpu.memory_space<vmem_shared>> -> memref<3200xf32, #tpu.memory_space<vmem_shared>>
      %dma_wait3A_90 = tpu.memref_slice %arg7[%mul3A_15] : memref<102400xf32, #tpu.memory_space<vmem_shared>> -> memref<3200xf32, #tpu.memory_space<vmem_shared>>
      tpu.wait_dma2 semaphore(%run_scoped3A : memref<!tpu.dma_semaphore, #tpu.memory_space<semaphore_mem>>) src(%arg6 : memref<3200xf32, #tpu.memory_space<vmem>>) dst(%dma_wait3A_90 : memref<3200xf32, #tpu.memory_space<vmem_shared>>)
      tpu.yield
    }) : () -> ()
    %mul3A_16 = arith.constant 6400 : i32
    %mul3A_17 = arith.muli %arg1, %mul3A_16 : i32
    %add3A_18 = arith.constant 3200 : i32
    %add3A_19 = arith.addi %mul3A_17, %add3A_18 : i32
    "tpu.region"() ({
      %run_scoped3A = tpu.sem_alloc : memref<!tpu.dma_semaphore, #tpu.memory_space<semaphore_mem>>
      %dma_start3A_87 = tpu.memref_slice %arg7[%add3A_19] : memref<102400xf32, #tpu.memory_space<vmem_shared>> -> memref<3200xf32, #tpu.memory_space<vmem_shared>>
      %dma_start3A_88 = tpu.memref_slice %arg7[%add3A_19] : memref<102400xf32, #tpu.memory_space<vmem_shared>> -> memref<3200xf32, #tpu.memory_space<vmem_shared>>
      tpu.enqueue_dma source(%arg6 : memref<3200xf32, #tpu.memory_space<vmem>>) target(%dma_start3A_88 : memref<3200xf32, #tpu.memory_space<vmem_shared>>) target_semaphore(%run_scoped3A : memref<!tpu.dma_semaphore, #tpu.memory_space<semaphore_mem>>)
      %dma_wait3A_89 = tpu.memref_slice %arg7[%add3A_19] : memref<102400xf32, #tpu.memory_space<vmem_shared>> -> memref<3200xf32, #tpu.memory_space<vmem_shared>>
      %dma_wait3A_90 = tpu.memref_slice %arg7[%add3A_19] : memref<102400xf32, #tpu.memory_space<vmem_shared>> -> memref<3200xf32, #tpu.memory_space<vmem_shared>>
      tpu.wait_dma2 semaphore(%run_scoped3A : memref<!tpu.dma_semaphore, #tpu.memory_space<semaphore_mem>>) src(%arg6 : memref<3200xf32, #tpu.memory_space<vmem>>) dst(%dma_wait3A_90 : memref<3200xf32, #tpu.memory_space<vmem_shared>>)
      tpu.yield
    }) : () -> ()
    %add3A_20 = arith.constant 0 : i32
    %add3A_21 = arith.addi %add3A_8, %add3A_20 : i32
    %mul3A_22 = arith.constant 2560 : i32
    %mul3A_23 = arith.muli %add3A_21, %mul3A_22 : i32
    %multiple_of3A = tpu.assume_multiple %mul3A_23, 2560 : i32
    %multiple_of3A_24 = arith.constant 0 : i32
    %multiple_of3A_25 = tpu.assume_multiple %multiple_of3A_24, 2560 : i32
    %dma_start3A = arith.constant 0 : i32
    %dma_start3A_26 = tpu.memref_slice %arg4[%multiple_of3A_25] : memref<5120xi32, #tpu.memory_space<vmem>> -> memref<2560xi32, #tpu.memory_space<vmem>>
    %dma_start3A_27 = tpu.memref_slice %arg2[%multiple_of3A] : memref<6400000xi32, #tpu.memory_space<hbm>> -> memref<2560xi32, #tpu.memory_space<hbm>>
    %dma_start3A_28 = tpu.memref_slice %arg8[%dma_start3A] : memref<2x!tpu.dma_semaphore, #tpu.memory_space<semaphore_mem>> -> memref<1x!tpu.dma_semaphore, #tpu.memory_space<semaphore_mem>>
    %dma_start3A_29 = tpu.memref_squeeze %dma_start3A_28 : memref<1x!tpu.dma_semaphore, #tpu.memory_space<semaphore_mem>> -> memref<!tpu.dma_semaphore, #tpu.memory_space<semaphore_mem>>
    %dma_start3A_30 = tpu.memref_slice %arg4[%multiple_of3A_25] : memref<5120xi32, #tpu.memory_space<vmem>> -> memref<2560xi32, #tpu.memory_space<vmem>>
    %dma_start3A_31 = tpu.memref_slice %arg2[%multiple_of3A] : memref<6400000xi32, #tpu.memory_space<hbm>> -> memref<2560xi32, #tpu.memory_space<hbm>>
    tpu.enqueue_dma source(%dma_start3A_31 : memref<2560xi32, #tpu.memory_space<hbm>>) target(%dma_start3A_30 : memref<2560xi32, #tpu.memory_space<vmem>>) target_semaphore(%dma_start3A_29 : memref<!tpu.dma_semaphore, #tpu.memory_space<semaphore_mem>>)
    %broadcast_in_dim3A_32 = arith.constant 1.000000e+00 : f32
    %broadcast_in_dim3A_33 = vector.broadcast %broadcast_in_dim3A_32 : f32 to vector<16xf32>
    %scan3A_34 = arith.constant 0 : i32
    %scan3A_35 = arith.constant 160 : i32
    %scan3A_36 = arith.addi %scan3A_34, %scan3A_35 : i32
    %scan3A_37 = arith.constant 8 : i32
    scf.for %scan3A_87 = %scan3A_34 to %scan3A_36 step %scan3A_37  : i32 {
      %mul3A_88 = arith.constant 1 : i32
      %mul3A_89 = arith.muli %scan3A_87, %mul3A_88 : i32
      %add3A_90 = arith.constant 0 : i32
      %add3A_91 = arith.addi %add3A_90, %mul3A_89 : i32
      %mul3A_92 = arith.constant 16 : i32
      %mul3A_93 = arith.muli %add3A_91, %mul3A_92 : i32
      %swap3A = arith.index_cast %mul3A_93 : i32 to index
      %swap3A_94 = tpu.vector_load %arg5[%swap3A] {strides = array<i32>} : memref<5120xf32, #tpu.memory_space<vmem>>, vector<16xf32>,
      tpu.vector_store %arg5[%swap3A], %broadcast_in_dim3A_33 {strides = array<i32>} : memref<5120xf32, #tpu.memory_space<vmem>>, vector<16xf32>,
      %scan3A_95 = arith.constant 1 : i32
      %scan3A_96 = arith.addi %scan3A_87, %scan3A_95 : i32
      %mul3A_97 = arith.constant 1 : i32
      %mul3A_98 = arith.muli %scan3A_96, %mul3A_97 : i32
      %add3A_99 = arith.constant 0 : i32
      %add3A_100 = arith.addi %add3A_99, %mul3A_98 : i32
      %mul3A_101 = arith.constant 16 : i32
      %mul3A_102 = arith.muli %add3A_100, %mul3A_101 : i32
      %swap3A_103 = arith.index_cast %mul3A_102 : i32 to index
      %swap3A_104 = tpu.vector_load %arg5[%swap3A_103] {strides = array<i32>} : memref<5120xf32, #tpu.memory_space<vmem>>, vector<16xf32>,
      tpu.vector_store %arg5[%swap3A_103], %broadcast_in_dim3A_33 {strides = array<i32>} : memref<5120xf32, #tpu.memory_space<vmem>>, vector<16xf32>,
      %scan3A_105 = arith.constant 2 : i32
      %scan3A_106 = arith.addi %scan3A_87, %scan3A_105 : i32
      %mul3A_107 = arith.constant 1 : i32
      %mul3A_108 = arith.muli %scan3A_106, %mul3A_107 : i32
      %add3A_109 = arith.constant 0 : i32
      %add3A_110 = arith.addi %add3A_109, %mul3A_108 : i32
      %mul3A_111 = arith.constant 16 : i32
      %mul3A_112 = arith.muli %add3A_110, %mul3A_111 : i32
      %swap3A_113 = arith.index_cast %mul3A_112 : i32 to index
      %swap3A_114 = tpu.vector_load %arg5[%swap3A_113] {strides = array<i32>} : memref<5120xf32, #tpu.memory_space<vmem>>, vector<16xf32>,
      tpu.vector_store %arg5[%swap3A_113], %broadcast_in_dim3A_33 {strides = array<i32>} : memref<5120xf32, #tpu.memory_space<vmem>>, vector<16xf32>,
      %scan3A_115 = arith.constant 3 : i32
      %scan3A_116 = arith.addi %scan3A_87, %scan3A_115 : i32
      %mul3A_117 = arith.constant 1 : i32
      %mul3A_118 = arith.muli %scan3A_116, %mul3A_117 : i32
      %add3A_119 = arith.constant 0 : i32
      %add3A_120 = arith.addi %add3A_119, %mul3A_118 : i32
      %mul3A_121 = arith.constant 16 : i32
      %mul3A_122 = arith.muli %add3A_120, %mul3A_121 : i32
      %swap3A_123 = arith.index_cast %mul3A_122 : i32 to index
      %swap3A_124 = tpu.vector_load %arg5[%swap3A_123] {strides = array<i32>} : memref<5120xf32, #tpu.memory_space<vmem>>, vector<16xf32>,
      tpu.vector_store %arg5[%swap3A_123], %broadcast_in_dim3A_33 {strides = array<i32>} : memref<5120xf32, #tpu.memory_space<vmem>>, vector<16xf32>,
      %scan3A_125 = arith.constant 4 : i32
      %scan3A_126 = arith.addi %scan3A_87, %scan3A_125 : i32
      %mul3A_127 = arith.constant 1 : i32
      %mul3A_128 = arith.muli %scan3A_126, %mul3A_127 : i32
      %add3A_129 = arith.constant 0 : i32
      %add3A_130 = arith.addi %add3A_129, %mul3A_128 : i32
      %mul3A_131 = arith.constant 16 : i32
      %mul3A_132 = arith.muli %add3A_130, %mul3A_131 : i32
      %swap3A_133 = arith.index_cast %mul3A_132 : i32 to index
      %swap3A_134 = tpu.vector_load %arg5[%swap3A_133] {strides = array<i32>} : memref<5120xf32, #tpu.memory_space<vmem>>, vector<16xf32>,
      tpu.vector_store %arg5[%swap3A_133], %broadcast_in_dim3A_33 {strides = array<i32>} : memref<5120xf32, #tpu.memory_space<vmem>>, vector<16xf32>,
      %scan3A_135 = arith.constant 5 : i32
      %scan3A_136 = arith.addi %scan3A_87, %scan3A_135 : i32
      %mul3A_137 = arith.constant 1 : i32
      %mul3A_138 = arith.muli %scan3A_136, %mul3A_137 : i32
      %add3A_139 = arith.constant 0 : i32
      %add3A_140 = arith.addi %add3A_139, %mul3A_138 : i32
      %mul3A_141 = arith.constant 16 : i32
      %mul3A_142 = arith.muli %add3A_140, %mul3A_141 : i32
      %swap3A_143 = arith.index_cast %mul3A_142 : i32 to index
      %swap3A_144 = tpu.vector_load %arg5[%swap3A_143] {strides = array<i32>} : memref<5120xf32, #tpu.memory_space<vmem>>, vector<16xf32>,
      tpu.vector_store %arg5[%swap3A_143], %broadcast_in_dim3A_33 {strides = array<i32>} : memref<5120xf32, #tpu.memory_space<vmem>>, vector<16xf32>,
      %scan3A_145 = arith.constant 6 : i32
      %scan3A_146 = arith.addi %scan3A_87, %scan3A_145 : i32
      %mul3A_147 = arith.constant 1 : i32
      %mul3A_148 = arith.muli %scan3A_146, %mul3A_147 : i32
      %add3A_149 = arith.constant 0 : i32
      %add3A_150 = arith.addi %add3A_149, %mul3A_148 : i32
      %mul3A_151 = arith.constant 16 : i32
      %mul3A_152 = arith.muli %add3A_150, %mul3A_151 : i32
      %swap3A_153 = arith.index_cast %mul3A_152 : i32 to index
      %swap3A_154 = tpu.vector_load %arg5[%swap3A_153] {strides = array<i32>} : memref<5120xf32, #tpu.memory_space<vmem>>, vector<16xf32>,
      tpu.vector_store %arg5[%swap3A_153], %broadcast_in_dim3A_33 {strides = array<i32>} : memref<5120xf32, #tpu.memory_space<vmem>>, vector<16xf32>,
      %scan3A_155 = arith.constant 7 : i32
      %scan3A_156 = arith.addi %scan3A_87, %scan3A_155 : i32
      %mul3A_157 = arith.constant 1 : i32
      %mul3A_158 = arith.muli %scan3A_156, %mul3A_157 : i32
      %add3A_159 = arith.constant 0 : i32
      %add3A_160 = arith.addi %add3A_159, %mul3A_158 : i32
      %mul3A_161 = arith.constant 16 : i32
      %mul3A_162 = arith.muli %add3A_160, %mul3A_161 : i32
      %swap3A_163 = arith.index_cast %mul3A_162 : i32 to index
      %swap3A_164 = tpu.vector_load %arg5[%swap3A_163] {strides = array<i32>} : memref<5120xf32, #tpu.memory_space<vmem>>, vector<16xf32>,
      tpu.vector_store %arg5[%swap3A_163], %broadcast_in_dim3A_33 {strides = array<i32>} : memref<5120xf32, #tpu.memory_space<vmem>>, vector<16xf32>,
    }
    %scan3A_38 = arith.constant 160 : i32
    %barrier3A = arith.constant 0 : index
    tpu.barrier barrier_id(%barrier3A)
    %sub3A = arith.constant 0 : i32
    %sub3A_39 = arith.subi %add3A_4, %sub3A : i32
    %sub3A_40 = arith.constant 1 : i32
    %sub3A_41 = arith.constant 1 : i32
    %sub3A_42 = arith.subi %sub3A_40, %sub3A_41 : i32
    %add3A_43 = arith.addi %sub3A_39, %sub3A_42 : i32
    %div3A = arith.constant 1 : i32
    %div3A_44 = arith.divsi %add3A_43, %div3A : i32
    %while3A = arith.constant 1 : i32
    %while3A_45 = arith.constant 0 : i32
    %while3A_46 = arith.constant 0 : i32
    %while3A_47 = arith.subi %div3A_44, %while3A_46 : i32
    %while3A_48 = arith.addi %while3A_46, %while3A_47 : i32
    %while3A_49 = arith.constant 1 : i32
    %while3A_50 = arith.divsi %while3A_47, %while3A_49 : i32
    %while3A_51 = arith.muli %while3A_50, %while3A_49 : i32
    %while3A_52 = arith.addi %while3A_46, %while3A_51 : i32
    %while3A_53 = arith.constant 1 : i32
    scf.for %while3A_87 = %while3A_46 to %while3A_52 step %while3A_53  : i32 {
      %mul3A_88 = arith.muli %while3A_87, %while3A : i32
      %add3A_89 = arith.addi %while3A_45, %mul3A_88 : i32
      %jit3A_90 = arith.constant 2 : i32
      %eq3A_91 = arith.constant 0 : i32
      %eq3A_92 = arith.cmpi eq, %jit3A_90, %eq3A_91 : i32
      %jit3A_93 = arith.constant 1 : i32
      %select_n3A_94 = arith.select %eq3A_92, %jit3A_93, %jit3A_90 : i32
      %rem3A_95 = arith.remsi %add3A_89, %select_n3A_94 : i32
      %ne3A_96 = arith.constant 0 : i32
      %ne3A_97 = arith.cmpi ne, %rem3A_95, %ne3A_96 : i32
      %lt3A_98 = arith.constant 0 : i32
      %lt3A_99 = arith.cmpi slt, %rem3A_95, %lt3A_98 : i32
      %lt3A_100 = arith.constant 0 : i32
      %lt3A_101 = arith.cmpi slt, %select_n3A_94, %lt3A_100 : i32
      %ne3A_102 = arith.xori %lt3A_99, %lt3A_101 : i1
      %and3A_103 = arith.andi %ne3A_102, %ne3A_97 : i1
      %add3A_104 = arith.addi %rem3A_95, %select_n3A_94 : i32
      %select_n3A_105 = arith.select %and3A_103, %add3A_104, %rem3A_95 : i32
      %sub3A_106 = arith.constant 1 : i32
      %sub3A_107 = arith.subi %sub3A_106, %select_n3A_105 : i32
      %gt3A = arith.constant 0 : i32
      %gt3A_108 = arith.cmpi sgt, %add3A_89, %gt3A : i32
      %convert_element_type3A = arith.extui %gt3A_108 : i1 to i32
      %cond3A = arith.constant 0 : i32
      %cond3A_109 = arith.cmpi ne, %convert_element_type3A, %cond3A : i32
      scf.if %cond3A_109 {
        %multiple_of3A_140 = arith.constant 0 : i32
        %multiple_of3A_141 = tpu.assume_multiple %multiple_of3A_140, 2560 : i32
        %mul3A_142 = arith.constant 2560 : i32
        %mul3A_143 = arith.muli %sub3A_107, %mul3A_142 : i32
        %multiple_of3A_144 = tpu.assume_multiple %mul3A_143, 2560 : i32
        %dma_wait3A_145 = tpu.memref_slice %arg5[%multiple_of3A_141] : memref<5120xf32, #tpu.memory_space<vmem>> -> memref<2560xf32, #tpu.memory_space<vmem>>
        %dma_wait3A_146 = tpu.memref_slice %arg4[%multiple_of3A_144] : memref<5120xi32, #tpu.memory_space<vmem>> -> memref<2560xi32, #tpu.memory_space<vmem>>
        %dma_wait3A_147 = arith.constant 0 : i32
        %dma_wait3A_148 = tpu.memref_slice %arg7[%dma_wait3A_147] : memref<102400xf32, #tpu.memory_space<vmem_shared>> -> memref<102400xf32, #tpu.memory_space<vmem_shared>>
        %dma_wait3A_149 = tpu.memref_slice %arg9[%sub3A_107] : memref<2x!tpu.dma_semaphore, #tpu.memory_space<semaphore_mem>> -> memref<1x!tpu.dma_semaphore, #tpu.memory_space<semaphore_mem>>
        %dma_wait3A_150 = tpu.memref_squeeze %dma_wait3A_149 : memref<1x!tpu.dma_semaphore, #tpu.memory_space<semaphore_mem>> -> memref<!tpu.dma_semaphore, #tpu.memory_space<semaphore_mem>>
        tpu.wait_indirect_dma semaphore(%dma_wait3A_150 : memref<!tpu.dma_semaphore, #tpu.memory_space<semaphore_mem>>) src(%dma_wait3A_145 : memref<2560xf32, #tpu.memory_space<vmem>>) dst(%dma_wait3A_148 : memref<102400xf32, #tpu.memory_space<vmem_shared>>)
      } else {
      }
      %add3A_110 = arith.constant 1 : i32
      %add3A_111 = arith.addi %add3A_89, %add3A_110 : i32
      %lt3A_112 = arith.cmpi slt, %add3A_111, %add3A_4 : i32
      %convert_element_type3A_113 = arith.extui %lt3A_112 : i1 to i32
      %cond3A_114 = arith.constant 0 : i32
      %cond3A_115 = arith.cmpi ne, %convert_element_type3A_113, %cond3A_114 : i32
      scf.if %cond3A_115 {
        %add3A_140 = arith.constant 1 : i32
        %add3A_141 = arith.addi %add3A_89, %add3A_140 : i32
        %add3A_142 = arith.addi %add3A_8, %add3A_141 : i32
        %mul3A_143 = arith.constant 2560 : i32
        %mul3A_144 = arith.muli %add3A_142, %mul3A_143 : i32
        %multiple_of3A_145 = tpu.assume_multiple %mul3A_144, 2560 : i32
        %mul3A_146 = arith.constant 2560 : i32
        %mul3A_147 = arith.muli %sub3A_107, %mul3A_146 : i32
        %multiple_of3A_148 = tpu.assume_multiple %mul3A_147, 2560 : i32
        %dma_start3A_149 = tpu.memref_slice %arg4[%multiple_of3A_148] : memref<5120xi32, #tpu.memory_space<vmem>> -> memref<2560xi32, #tpu.memory_space<vmem>>
        %dma_start3A_150 = tpu.memref_slice %arg2[%multiple_of3A_145] : memref<6400000xi32, #tpu.memory_space<hbm>> -> memref<2560xi32, #tpu.memory_space<hbm>>
        %dma_start3A_151 = tpu.memref_slice %arg8[%sub3A_107] : memref<2x!tpu.dma_semaphore, #tpu.memory_space<semaphore_mem>> -> memref<1x!tpu.dma_semaphore, #tpu.memory_space<semaphore_mem>>
        %dma_start3A_152 = tpu.memref_squeeze %dma_start3A_151 : memref<1x!tpu.dma_semaphore, #tpu.memory_space<semaphore_mem>> -> memref<!tpu.dma_semaphore, #tpu.memory_space<semaphore_mem>>
        %dma_start3A_153 = tpu.memref_slice %arg4[%multiple_of3A_148] : memref<5120xi32, #tpu.memory_space<vmem>> -> memref<2560xi32, #tpu.memory_space<vmem>>
        %dma_start3A_154 = tpu.memref_slice %arg2[%multiple_of3A_145] : memref<6400000xi32, #tpu.memory_space<hbm>> -> memref<2560xi32, #tpu.memory_space<hbm>>
        tpu.enqueue_dma source(%dma_start3A_154 : memref<2560xi32, #tpu.memory_space<hbm>>) target(%dma_start3A_153 : memref<2560xi32, #tpu.memory_space<vmem>>) target_semaphore(%dma_start3A_152 : memref<!tpu.dma_semaphore, #tpu.memory_space<semaphore_mem>>)
      } else {
      }
      %add3A_116 = arith.addi %add3A_8, %add3A_89 : i32
      %mul3A_117 = arith.constant 2560 : i32
      %mul3A_118 = arith.muli %add3A_116, %mul3A_117 : i32
      %multiple_of3A_119 = tpu.assume_multiple %mul3A_118, 2560 : i32
      %mul3A_120 = arith.constant 2560 : i32
      %mul3A_121 = arith.muli %select_n3A_105, %mul3A_120 : i32
      %multiple_of3A_122 = tpu.assume_multiple %mul3A_121, 2560 : i32
      %dma_wait3A_123 = tpu.memref_slice %arg4[%multiple_of3A_122] : memref<5120xi32, #tpu.memory_space<vmem>> -> memref<2560xi32, #tpu.memory_space<vmem>>
      %dma_wait3A_124 = tpu.memref_slice %arg2[%multiple_of3A_119] : memref<6400000xi32, #tpu.memory_space<hbm>> -> memref<2560xi32, #tpu.memory_space<hbm>>
      %dma_wait3A_125 = tpu.memref_slice %arg8[%select_n3A_105] : memref<2x!tpu.dma_semaphore, #tpu.memory_space<semaphore_mem>> -> memref<1x!tpu.dma_semaphore, #tpu.memory_space<semaphore_mem>>
      %dma_wait3A_126 = tpu.memref_squeeze %dma_wait3A_125 : memref<1x!tpu.dma_semaphore, #tpu.memory_space<semaphore_mem>> -> memref<!tpu.dma_semaphore, #tpu.memory_space<semaphore_mem>>
      %dma_wait3A_127 = tpu.memref_slice %arg4[%multiple_of3A_122] : memref<5120xi32, #tpu.memory_space<vmem>> -> memref<2560xi32, #tpu.memory_space<vmem>>
      %dma_wait3A_128 = tpu.memref_slice %arg2[%multiple_of3A_119] : memref<6400000xi32, #tpu.memory_space<hbm>> -> memref<2560xi32, #tpu.memory_space<hbm>>
      tpu.wait_dma2 semaphore(%dma_wait3A_126 : memref<!tpu.dma_semaphore, #tpu.memory_space<semaphore_mem>>) src(%dma_wait3A_128 : memref<2560xi32, #tpu.memory_space<hbm>>) dst(%dma_wait3A_127 : memref<2560xi32, #tpu.memory_space<vmem>>)
      %multiple_of3A_129 = arith.constant 0 : i32
      %multiple_of3A_130 = tpu.assume_multiple %multiple_of3A_129, 2560 : i32
      %mul3A_131 = arith.constant 2560 : i32
      %mul3A_132 = arith.muli %select_n3A_105, %mul3A_131 : i32
      %multiple_of3A_133 = tpu.assume_multiple %mul3A_132, 2560 : i32
      %dma_start3A_134 = tpu.memref_slice %arg5[%multiple_of3A_130] : memref<5120xf32, #tpu.memory_space<vmem>> -> memref<2560xf32, #tpu.memory_space<vmem>>
      %dma_start3A_135 = tpu.memref_slice %arg4[%multiple_of3A_133] : memref<5120xi32, #tpu.memory_space<vmem>> -> memref<2560xi32, #tpu.memory_space<vmem>>
      %dma_start3A_136 = arith.constant 0 : i32
      %dma_start3A_137 = tpu.memref_slice %arg7[%dma_start3A_136] : memref<102400xf32, #tpu.memory_space<vmem_shared>> -> memref<102400xf32, #tpu.memory_space<vmem_shared>>
      %dma_start3A_138 = tpu.memref_slice %arg9[%select_n3A_105] : memref<2x!tpu.dma_semaphore, #tpu.memory_space<semaphore_mem>> -> memref<1x!tpu.dma_semaphore, #tpu.memory_space<semaphore_mem>>
      %dma_start3A_139 = tpu.memref_squeeze %dma_start3A_138 : memref<1x!tpu.dma_semaphore, #tpu.memory_space<semaphore_mem>> -> memref<!tpu.dma_semaphore, #tpu.memory_space<semaphore_mem>>
      tpu.enqueue_indirect_dma source(%dma_start3A_134 : memref<2560xf32, #tpu.memory_space<vmem>>) target(%dma_start3A_137 : memref<102400xf32, #tpu.memory_space<vmem_shared>>) offsets(%dma_start3A_135 : memref<2560xi32, #tpu.memory_space<vmem>>) semaphore(%dma_start3A_139 : memref<!tpu.dma_semaphore, #tpu.memory_space<semaphore_mem>>) {add = true}
    }
    %while3A_54 = arith.constant 1 : i32
    scf.for %while3A_87 = %while3A_52 to %while3A_48 step %while3A_54  : i32 {
      %mul3A_88 = arith.muli %while3A_87, %while3A : i32
      %add3A_89 = arith.addi %while3A_45, %mul3A_88 : i32
      %jit3A_90 = arith.constant 2 : i32
      %eq3A_91 = arith.constant 0 : i32
      %eq3A_92 = arith.cmpi eq, %jit3A_90, %eq3A_91 : i32
      %jit3A_93 = arith.constant 1 : i32
      %select_n3A_94 = arith.select %eq3A_92, %jit3A_93, %jit3A_90 : i32
      %rem3A_95 = arith.remsi %add3A_89, %select_n3A_94 : i32
      %ne3A_96 = arith.constant 0 : i32
      %ne3A_97 = arith.cmpi ne, %rem3A_95, %ne3A_96 : i32
      %lt3A_98 = arith.constant 0 : i32
      %lt3A_99 = arith.cmpi slt, %rem3A_95, %lt3A_98 : i32
      %lt3A_100 = arith.constant 0 : i32
      %lt3A_101 = arith.cmpi slt, %select_n3A_94, %lt3A_100 : i32
      %ne3A_102 = arith.xori %lt3A_99, %lt3A_101 : i1
      %and3A_103 = arith.andi %ne3A_102, %ne3A_97 : i1
      %add3A_104 = arith.addi %rem3A_95, %select_n3A_94 : i32
      %select_n3A_105 = arith.select %and3A_103, %add3A_104, %rem3A_95 : i32
      %sub3A_106 = arith.constant 1 : i32
      %sub3A_107 = arith.subi %sub3A_106, %select_n3A_105 : i32
      %gt3A = arith.constant 0 : i32
      %gt3A_108 = arith.cmpi sgt, %add3A_89, %gt3A : i32
      %convert_element_type3A = arith.extui %gt3A_108 : i1 to i32
      %cond3A = arith.constant 0 : i32
      %cond3A_109 = arith.cmpi ne, %convert_element_type3A, %cond3A : i32
      scf.if %cond3A_109 {
        %multiple_of3A_140 = arith.constant 0 : i32
        %multiple_of3A_141 = tpu.assume_multiple %multiple_of3A_140, 2560 : i32
        %mul3A_142 = arith.constant 2560 : i32
        %mul3A_143 = arith.muli %sub3A_107, %mul3A_142 : i32
        %multiple_of3A_144 = tpu.assume_multiple %mul3A_143, 2560 : i32
        %dma_wait3A_145 = tpu.memref_slice %arg5[%multiple_of3A_141] : memref<5120xf32, #tpu.memory_space<vmem>> -> memref<2560xf32, #tpu.memory_space<vmem>>
        %dma_wait3A_146 = tpu.memref_slice %arg4[%multiple_of3A_144] : memref<5120xi32, #tpu.memory_space<vmem>> -> memref<2560xi32, #tpu.memory_space<vmem>>
        %dma_wait3A_147 = arith.constant 0 : i32
        %dma_wait3A_148 = tpu.memref_slice %arg7[%dma_wait3A_147] : memref<102400xf32, #tpu.memory_space<vmem_shared>> -> memref<102400xf32, #tpu.memory_space<vmem_shared>>
        %dma_wait3A_149 = tpu.memref_slice %arg9[%sub3A_107] : memref<2x!tpu.dma_semaphore, #tpu.memory_space<semaphore_mem>> -> memref<1x!tpu.dma_semaphore, #tpu.memory_space<semaphore_mem>>
        %dma_wait3A_150 = tpu.memref_squeeze %dma_wait3A_149 : memref<1x!tpu.dma_semaphore, #tpu.memory_space<semaphore_mem>> -> memref<!tpu.dma_semaphore, #tpu.memory_space<semaphore_mem>>
        tpu.wait_indirect_dma semaphore(%dma_wait3A_150 : memref<!tpu.dma_semaphore, #tpu.memory_space<semaphore_mem>>) src(%dma_wait3A_145 : memref<2560xf32, #tpu.memory_space<vmem>>) dst(%dma_wait3A_148 : memref<102400xf32, #tpu.memory_space<vmem_shared>>)
      } else {
      }
      %add3A_110 = arith.constant 1 : i32
      %add3A_111 = arith.addi %add3A_89, %add3A_110 : i32
      %lt3A_112 = arith.cmpi slt, %add3A_111, %add3A_4 : i32
      %convert_element_type3A_113 = arith.extui %lt3A_112 : i1 to i32
      %cond3A_114 = arith.constant 0 : i32
      %cond3A_115 = arith.cmpi ne, %convert_element_type3A_113, %cond3A_114 : i32
      scf.if %cond3A_115 {
        %add3A_140 = arith.constant 1 : i32
        %add3A_141 = arith.addi %add3A_89, %add3A_140 : i32
        %add3A_142 = arith.addi %add3A_8, %add3A_141 : i32
        %mul3A_143 = arith.constant 2560 : i32
        %mul3A_144 = arith.muli %add3A_142, %mul3A_143 : i32
        %multiple_of3A_145 = tpu.assume_multiple %mul3A_144, 2560 : i32
        %mul3A_146 = arith.constant 2560 : i32
        %mul3A_147 = arith.muli %sub3A_107, %mul3A_146 : i32
        %multiple_of3A_148 = tpu.assume_multiple %mul3A_147, 2560 : i32
        %dma_start3A_149 = tpu.memref_slice %arg4[%multiple_of3A_148] : memref<5120xi32, #tpu.memory_space<vmem>> -> memref<2560xi32, #tpu.memory_space<vmem>>
        %dma_start3A_150 = tpu.memref_slice %arg2[%multiple_of3A_145] : memref<6400000xi32, #tpu.memory_space<hbm>> -> memref<2560xi32, #tpu.memory_space<hbm>>
        %dma_start3A_151 = tpu.memref_slice %arg8[%sub3A_107] : memref<2x!tpu.dma_semaphore, #tpu.memory_space<semaphore_mem>> -> memref<1x!tpu.dma_semaphore, #tpu.memory_space<semaphore_mem>>
        %dma_start3A_152 = tpu.memref_squeeze %dma_start3A_151 : memref<1x!tpu.dma_semaphore, #tpu.memory_space<semaphore_mem>> -> memref<!tpu.dma_semaphore, #tpu.memory_space<semaphore_mem>>
        %dma_start3A_153 = tpu.memref_slice %arg4[%multiple_of3A_148] : memref<5120xi32, #tpu.memory_space<vmem>> -> memref<2560xi32, #tpu.memory_space<vmem>>
        %dma_start3A_154 = tpu.memref_slice %arg2[%multiple_of3A_145] : memref<6400000xi32, #tpu.memory_space<hbm>> -> memref<2560xi32, #tpu.memory_space<hbm>>
        tpu.enqueue_dma source(%dma_start3A_154 : memref<2560xi32, #tpu.memory_space<hbm>>) target(%dma_start3A_153 : memref<2560xi32, #tpu.memory_space<vmem>>) target_semaphore(%dma_start3A_152 : memref<!tpu.dma_semaphore, #tpu.memory_space<semaphore_mem>>)
      } else {
      }
      %add3A_116 = arith.addi %add3A_8, %add3A_89 : i32
      %mul3A_117 = arith.constant 2560 : i32
      %mul3A_118 = arith.muli %add3A_116, %mul3A_117 : i32
      %multiple_of3A_119 = tpu.assume_multiple %mul3A_118, 2560 : i32
      %mul3A_120 = arith.constant 2560 : i32
      %mul3A_121 = arith.muli %select_n3A_105, %mul3A_120 : i32
      %multiple_of3A_122 = tpu.assume_multiple %mul3A_121, 2560 : i32
      %dma_wait3A_123 = tpu.memref_slice %arg4[%multiple_of3A_122] : memref<5120xi32, #tpu.memory_space<vmem>> -> memref<2560xi32, #tpu.memory_space<vmem>>
      %dma_wait3A_124 = tpu.memref_slice %arg2[%multiple_of3A_119] : memref<6400000xi32, #tpu.memory_space<hbm>> -> memref<2560xi32, #tpu.memory_space<hbm>>
      %dma_wait3A_125 = tpu.memref_slice %arg8[%select_n3A_105] : memref<2x!tpu.dma_semaphore, #tpu.memory_space<semaphore_mem>> -> memref<1x!tpu.dma_semaphore, #tpu.memory_space<semaphore_mem>>
      %dma_wait3A_126 = tpu.memref_squeeze %dma_wait3A_125 : memref<1x!tpu.dma_semaphore, #tpu.memory_space<semaphore_mem>> -> memref<!tpu.dma_semaphore, #tpu.memory_space<semaphore_mem>>
      %dma_wait3A_127 = tpu.memref_slice %arg4[%multiple_of3A_122] : memref<5120xi32, #tpu.memory_space<vmem>> -> memref<2560xi32, #tpu.memory_space<vmem>>
      %dma_wait3A_128 = tpu.memref_slice %arg2[%multiple_of3A_119] : memref<6400000xi32, #tpu.memory_space<hbm>> -> memref<2560xi32, #tpu.memory_space<hbm>>
      tpu.wait_dma2 semaphore(%dma_wait3A_126 : memref<!tpu.dma_semaphore, #tpu.memory_space<semaphore_mem>>) src(%dma_wait3A_128 : memref<2560xi32, #tpu.memory_space<hbm>>) dst(%dma_wait3A_127 : memref<2560xi32, #tpu.memory_space<vmem>>)
      %multiple_of3A_129 = arith.constant 0 : i32
      %multiple_of3A_130 = tpu.assume_multiple %multiple_of3A_129, 2560 : i32
      %mul3A_131 = arith.constant 2560 : i32
      %mul3A_132 = arith.muli %select_n3A_105, %mul3A_131 : i32
      %multiple_of3A_133 = tpu.assume_multiple %mul3A_132, 2560 : i32
      %dma_start3A_134 = tpu.memref_slice %arg5[%multiple_of3A_130] : memref<5120xf32, #tpu.memory_space<vmem>> -> memref<2560xf32, #tpu.memory_space<vmem>>
      %dma_start3A_135 = tpu.memref_slice %arg4[%multiple_of3A_133] : memref<5120xi32, #tpu.memory_space<vmem>> -> memref<2560xi32, #tpu.memory_space<vmem>>
      %dma_start3A_136 = arith.constant 0 : i32
      %dma_start3A_137 = tpu.memref_slice %arg7[%dma_start3A_136] : memref<102400xf32, #tpu.memory_space<vmem_shared>> -> memref<102400xf32, #tpu.memory_space<vmem_shared>>
      %dma_start3A_138 = tpu.memref_slice %arg9[%select_n3A_105] : memref<2x!tpu.dma_semaphore, #tpu.memory_space<semaphore_mem>> -> memref<1x!tpu.dma_semaphore, #tpu.memory_space<semaphore_mem>>
      %dma_start3A_139 = tpu.memref_squeeze %dma_start3A_138 : memref<1x!tpu.dma_semaphore, #tpu.memory_space<semaphore_mem>> -> memref<!tpu.dma_semaphore, #tpu.memory_space<semaphore_mem>>
      tpu.enqueue_indirect_dma source(%dma_start3A_134 : memref<2560xf32, #tpu.memory_space<vmem>>) target(%dma_start3A_137 : memref<102400xf32, #tpu.memory_space<vmem_shared>>) offsets(%dma_start3A_135 : memref<2560xi32, #tpu.memory_space<vmem>>) semaphore(%dma_start3A_139 : memref<!tpu.dma_semaphore, #tpu.memory_space<semaphore_mem>>) {add = true}
    }
    %sub3A_55 = arith.constant 1 : i32
    %sub3A_56 = arith.subi %add3A_4, %sub3A_55 : i32
    %jit3A_57 = arith.constant 2 : i32
    %eq3A = arith.constant 0 : i32
    %eq3A_58 = arith.cmpi eq, %jit3A_57, %eq3A : i32
    %jit3A_59 = arith.constant 1 : i32
    %select_n3A_60 = arith.select %eq3A_58, %jit3A_59, %jit3A_57 : i32
    %rem3A = arith.remsi %sub3A_56, %select_n3A_60 : i32
    %ne3A = arith.constant 0 : i32
    %ne3A_61 = arith.cmpi ne, %rem3A, %ne3A : i32
    %lt3A_62 = arith.constant 0 : i32
    %lt3A_63 = arith.cmpi slt, %rem3A, %lt3A_62 : i32
    %lt3A_64 = arith.constant 0 : i32
    %lt3A_65 = arith.cmpi slt, %select_n3A_60, %lt3A_64 : i32
    %ne3A_66 = arith.xori %lt3A_63, %lt3A_65 : i1
    %and3A = arith.andi %ne3A_66, %ne3A_61 : i1
    %add3A_67 = arith.addi %rem3A, %select_n3A_60 : i32
    %select_n3A_68 = arith.select %and3A, %add3A_67, %rem3A : i32
    %multiple_of3A_69 = arith.constant 0 : i32
    %multiple_of3A_70 = tpu.assume_multiple %multiple_of3A_69, 2560 : i32
    %mul3A_71 = arith.constant 2560 : i32
    %mul3A_72 = arith.muli %select_n3A_68, %mul3A_71 : i32
    %multiple_of3A_73 = tpu.assume_multiple %mul3A_72, 2560 : i32
    %dma_wait3A = tpu.memref_slice %arg5[%multiple_of3A_70] : memref<5120xf32, #tpu.memory_space<vmem>> -> memref<2560xf32, #tpu.memory_space<vmem>>
    %dma_wait3A_74 = tpu.memref_slice %arg4[%multiple_of3A_73] : memref<5120xi32, #tpu.memory_space<vmem>> -> memref<2560xi32, #tpu.memory_space<vmem>>
    %dma_wait3A_75 = arith.constant 0 : i32
    %dma_wait3A_76 = tpu.memref_slice %arg7[%dma_wait3A_75] : memref<102400xf32, #tpu.memory_space<vmem_shared>> -> memref<102400xf32, #tpu.memory_space<vmem_shared>>
    %dma_wait3A_77 = tpu.memref_slice %arg9[%select_n3A_68] : memref<2x!tpu.dma_semaphore, #tpu.memory_space<semaphore_mem>> -> memref<1x!tpu.dma_semaphore, #tpu.memory_space<semaphore_mem>>
    %dma_wait3A_78 = tpu.memref_squeeze %dma_wait3A_77 : memref<1x!tpu.dma_semaphore, #tpu.memory_space<semaphore_mem>> -> memref<!tpu.dma_semaphore, #tpu.memory_space<semaphore_mem>>
    tpu.wait_indirect_dma semaphore(%dma_wait3A_78 : memref<!tpu.dma_semaphore, #tpu.memory_space<semaphore_mem>>) src(%dma_wait3A : memref<2560xf32, #tpu.memory_space<vmem>>) dst(%dma_wait3A_76 : memref<102400xf32, #tpu.memory_space<vmem_shared>>)
    %barrier3A_79 = arith.constant 0 : index
    tpu.barrier barrier_id(%barrier3A_79)
    %mul3A_80 = arith.constant 6400 : i32
    %mul3A_81 = arith.muli %arg1, %mul3A_80 : i32
    %mul3A_82 = arith.constant 102400 : i32
    %mul3A_83 = arith.muli %arg0, %mul3A_82 : i32
    %mul3A_84 = arith.constant 6400 : i32
    %mul3A_85 = arith.muli %arg1, %mul3A_84 : i32
    %add3A_86 = arith.addi %mul3A_83, %mul3A_85 : i32
    "tpu.region"() ({
      %run_scoped3A = tpu.sem_alloc : memref<!tpu.dma_semaphore, #tpu.memory_space<semaphore_mem>>
      %dma_start3A_87 = tpu.memref_slice %arg3[%add3A_86] : memref<204800xf32, #tpu.memory_space<hbm>> -> memref<6400xf32, #tpu.memory_space<hbm>>
      %dma_start3A_88 = tpu.memref_slice %arg7[%mul3A_81] : memref<102400xf32, #tpu.memory_space<vmem_shared>> -> memref<6400xf32, #tpu.memory_space<vmem_shared>>
      tpu.enqueue_dma source(%dma_start3A_88 : memref<6400xf32, #tpu.memory_space<vmem_shared>>) target(%dma_start3A_87 : memref<6400xf32, #tpu.memory_space<hbm>>) target_semaphore(%run_scoped3A : memref<!tpu.dma_semaphore, #tpu.memory_space<semaphore_mem>>)
      %dma_wait3A_89 = tpu.memref_slice %arg3[%add3A_86] : memref<204800xf32, #tpu.memory_space<hbm>> -> memref<6400xf32, #tpu.memory_space<hbm>>
      %dma_wait3A_90 = tpu.memref_slice %arg7[%mul3A_81] : memref<102400xf32, #tpu.memory_space<vmem_shared>> -> memref<6400xf32, #tpu.memory_space<vmem_shared>>
      tpu.wait_dma2 semaphore(%run_scoped3A : memref<!tpu.dma_semaphore, #tpu.memory_space<semaphore_mem>>) src(%dma_wait3A_90 : memref<6400xf32, #tpu.memory_space<vmem_shared>>) dst(%dma_wait3A_89 : memref<6400xf32, #tpu.memory_space<hbm>>)
      tpu.yield
    }) : () -> ()
    return
  }
}

module attributes {stable_mosaic.version = 14 : i64} {
  func.func @_tc_norm_body(%arg0: memref<2x800x128xf32, #tpu.memory_space<vmem>>, %arg1: memref<800x128xf32, #tpu.memory_space<vmem>>, %arg2: memref<800x128xf32, #tpu.memory_space<vmem>>, %arg3: memref<800x128xf32, #tpu.memory_space<vmem>>) attributes {dimension_semantics = [], scalar_prefetch = 0 : i64, scratch_operands = 0 : i64, tpu.core_type = #tpu.core_type<tc>} {
    %get3A = arith.constant 0 : index
    %get3A_0 = arith.constant 0 : index
    %get3A_1 = arith.constant 0 : index
    %get3A_2 = vector.load %arg0[%get3A, %get3A_0, %get3A_1] : memref<2x800x128xf32, #tpu.memory_space<vmem>>, vector<1x800x128xf32>
    %get3A_3 = vector.shape_cast %get3A_2 : vector<1x800x128xf32> to vector<800x128xf32>
    %get3A_4 = arith.constant 1 : index
    %get3A_5 = arith.constant 0 : index
    %get3A_6 = arith.constant 0 : index
    %get3A_7 = vector.load %arg0[%get3A_4, %get3A_5, %get3A_6] : memref<2x800x128xf32, #tpu.memory_space<vmem>>, vector<1x800x128xf32>
    %get3A_8 = vector.shape_cast %get3A_7 : vector<1x800x128xf32> to vector<800x128xf32>
    %add3A = arith.addf %get3A_3, %get3A_8 : vector<800x128xf32>
    %add3A_9 = arith.constant 1.000000e+00 : f32
    %add3A_10 = vector.broadcast %add3A_9 : f32 to vector<800x128xf32>
    %add3A_11 = arith.addf %add3A, %add3A_10 : vector<800x128xf32>
    %rsqrt3A = math.rsqrt %add3A_11 : vector<800x128xf32>
    %swap3A = arith.constant 0 : index
    %swap3A_12 = arith.constant 0 : index
    %swap3A_13 = vector.load %arg2[%swap3A, %swap3A_12] : memref<800x128xf32, #tpu.memory_space<vmem>>, vector<800x128xf32>
    tpu.vector_store %arg2[%swap3A, %swap3A_12], %rsqrt3A {strides = array<i32>} : memref<800x128xf32, #tpu.memory_space<vmem>>, vector<800x128xf32>,
    %get3A_14 = arith.constant 0 : index
    %get3A_15 = arith.constant 0 : index
    %get3A_16 = vector.load %arg1[%get3A_14, %get3A_15] : memref<800x128xf32, #tpu.memory_space<vmem>>, vector<800x128xf32>
    %mul3A = arith.mulf %get3A_16, %rsqrt3A : vector<800x128xf32>
    %swap3A_17 = arith.constant 0 : index
    %swap3A_18 = arith.constant 0 : index
    %swap3A_19 = vector.load %arg3[%swap3A_17, %swap3A_18] : memref<800x128xf32, #tpu.memory_space<vmem>>, vector<800x128xf32>
    tpu.vector_store %arg3[%swap3A_17, %swap3A_18], %mul3A {strides = array<i32>} : memref<800x128xf32, #tpu.memory_space<vmem>>, vector<800x128xf32>,
    return
  }
}

module attributes {stable_mosaic.version = 14 : i64} {
  func.func @_tc_mid_body(%arg0: memref<2x800x128xf32, #tpu.memory_space<vmem>>, %arg1: memref<800x128xf32, #tpu.memory_space<vmem>>, %arg2: memref<800x128xf32, #tpu.memory_space<vmem>>, %arg3: memref<1x16xf32, #tpu.memory_space<smem>>, %arg4: memref<1x16xf32, #tpu.memory_space<smem>>, %arg5: memref<1x16xf32, #tpu.memory_space<smem>>, %arg6: memref<800x128xf32, #tpu.memory_space<vmem>>) attributes {dimension_semantics = [], scalar_prefetch = 0 : i64, scratch_operands = 0 : i64, tpu.core_type = #tpu.core_type<tc>} {
    %get3A = arith.constant 0 : index
    %get3A_0 = arith.constant 0 : index
    %get3A_1 = vector.load %arg1[%get3A, %get3A_0] : memref<800x128xf32, #tpu.memory_space<vmem>>, vector<800x128xf32>
    %get3A_2 = arith.constant 0 : index
    %get3A_3 = arith.constant 0 : index
    %get3A_4 = arith.constant 0 : index
    %get3A_5 = vector.load %arg0[%get3A_2, %get3A_3, %get3A_4] : memref<2x800x128xf32, #tpu.memory_space<vmem>>, vector<1x800x128xf32>
    %get3A_6 = vector.shape_cast %get3A_5 : vector<1x800x128xf32> to vector<800x128xf32>
    %get3A_7 = arith.constant 1 : index
    %get3A_8 = arith.constant 0 : index
    %get3A_9 = arith.constant 0 : index
    %get3A_10 = vector.load %arg0[%get3A_7, %get3A_8, %get3A_9] : memref<2x800x128xf32, #tpu.memory_space<vmem>>, vector<1x800x128xf32>
    %get3A_11 = vector.shape_cast %get3A_10 : vector<1x800x128xf32> to vector<800x128xf32>
    %add3A = arith.addf %get3A_6, %get3A_11 : vector<800x128xf32>
    %get3A_12 = arith.constant 0 : index
    %get3A_13 = arith.constant 0 : index
    %get3A_14 = vector.load %arg2[%get3A_12, %get3A_13] : memref<800x128xf32, #tpu.memory_space<vmem>>, vector<800x128xf32>
    %add3A_15 = arith.addf %add3A, %get3A_14 : vector<800x128xf32>
    %mul3A = arith.mulf %get3A_1, %add3A_15 : vector<800x128xf32>
    %broadcast_in_dim3A = arith.constant 0.000000e+00 : f32
    %broadcast_in_dim3A_16 = vector.broadcast %broadcast_in_dim3A : f32 to vector<800x128xf32>
    %get3A_17 = arith.constant 0 : index
    %get3A_18 = arith.constant 0 : index
    %get3A_19 = memref.load %arg3[%get3A_17, %get3A_18] : memref<1x16xf32, #tpu.memory_space<smem>>
    %mul3A_20 = vector.broadcast %get3A_19 : f32 to vector<800x128xf32>
    %mul3A_21 = arith.mulf %mul3A, %mul3A_20 : vector<800x128xf32>
    %get3A_22 = arith.constant 0 : index
    %get3A_23 = arith.constant 0 : index
    %get3A_24 = memref.load %arg4[%get3A_22, %get3A_23] : memref<1x16xf32, #tpu.memory_space<smem>>
    %add3A_25 = vector.broadcast %get3A_24 : f32 to vector<800x128xf32>
    %add3A_26 = arith.addf %mul3A_21, %add3A_25 : vector<800x128xf32>
    %max3A = arith.constant 0.000000e+00 : f32
    %max3A_27 = vector.broadcast %max3A : f32 to vector<800x128xf32>
    %max3A_28 = arith.maximumf %add3A_26, %max3A_27 : vector<800x128xf32>
    %get3A_29 = arith.constant 0 : index
    %get3A_30 = arith.constant 0 : index
    %get3A_31 = memref.load %arg5[%get3A_29, %get3A_30] : memref<1x16xf32, #tpu.memory_space<smem>>
    %mul3A_32 = vector.broadcast %get3A_31 : f32 to vector<800x128xf32>
    %mul3A_33 = arith.mulf %max3A_28, %mul3A_32 : vector<800x128xf32>
    %add3A_34 = arith.addf %broadcast_in_dim3A_16, %mul3A_33 : vector<800x128xf32>
    %get3A_35 = arith.constant 0 : index
    %get3A_36 = arith.constant 1 : index
    %get3A_37 = memref.load %arg3[%get3A_35, %get3A_36] : memref<1x16xf32, #tpu.memory_space<smem>>
    %mul3A_38 = vector.broadcast %get3A_37 : f32 to vector<800x128xf32>
    %mul3A_39 = arith.mulf %mul3A, %mul3A_38 : vector<800x128xf32>
    %get3A_40 = arith.constant 0 : index
    %get3A_41 = arith.constant 1 : index
    %get3A_42 = memref.load %arg4[%get3A_40, %get3A_41] : memref<1x16xf32, #tpu.memory_space<smem>>
    %add3A_43 = vector.broadcast %get3A_42 : f32 to vector<800x128xf32>
    %add3A_44 = arith.addf %mul3A_39, %add3A_43 : vector<800x128xf32>
    %max3A_45 = arith.constant 0.000000e+00 : f32
    %max3A_46 = vector.broadcast %max3A_45 : f32 to vector<800x128xf32>
    %max3A_47 = arith.maximumf %add3A_44, %max3A_46 : vector<800x128xf32>
    %get3A_48 = arith.constant 0 : index
    %get3A_49 = arith.constant 1 : index
    %get3A_50 = memref.load %arg5[%get3A_48, %get3A_49] : memref<1x16xf32, #tpu.memory_space<smem>>
    %mul3A_51 = vector.broadcast %get3A_50 : f32 to vector<800x128xf32>
    %mul3A_52 = arith.mulf %max3A_47, %mul3A_51 : vector<800x128xf32>
    %add3A_53 = arith.addf %add3A_34, %mul3A_52 : vector<800x128xf32>
    %get3A_54 = arith.constant 0 : index
    %get3A_55 = arith.constant 2 : index
    %get3A_56 = memref.load %arg3[%get3A_54, %get3A_55] : memref<1x16xf32, #tpu.memory_space<smem>>
    %mul3A_57 = vector.broadcast %get3A_56 : f32 to vector<800x128xf32>
    %mul3A_58 = arith.mulf %mul3A, %mul3A_57 : vector<800x128xf32>
    %get3A_59 = arith.constant 0 : index
    %get3A_60 = arith.constant 2 : index
    %get3A_61 = memref.load %arg4[%get3A_59, %get3A_60] : memref<1x16xf32, #tpu.memory_space<smem>>
    %add3A_62 = vector.broadcast %get3A_61 : f32 to vector<800x128xf32>
    %add3A_63 = arith.addf %mul3A_58, %add3A_62 : vector<800x128xf32>
    %max3A_64 = arith.constant 0.000000e+00 : f32
    %max3A_65 = vector.broadcast %max3A_64 : f32 to vector<800x128xf32>
    %max3A_66 = arith.maximumf %add3A_63, %max3A_65 : vector<800x128xf32>
    %get3A_67 = arith.constant 0 : index
    %get3A_68 = arith.constant 2 : index
    %get3A_69 = memref.load %arg5[%get3A_67, %get3A_68] : memref<1x16xf32, #tpu.memory_space<smem>>
    %mul3A_70 = vector.broadcast %get3A_69 : f32 to vector<800x128xf32>
    %mul3A_71 = arith.mulf %max3A_66, %mul3A_70 : vector<800x128xf32>
    %add3A_72 = arith.addf %add3A_53, %mul3A_71 : vector<800x128xf32>
    %get3A_73 = arith.constant 0 : index
    %get3A_74 = arith.constant 3 : index
    %get3A_75 = memref.load %arg3[%get3A_73, %get3A_74] : memref<1x16xf32, #tpu.memory_space<smem>>
    %mul3A_76 = vector.broadcast %get3A_75 : f32 to vector<800x128xf32>
    %mul3A_77 = arith.mulf %mul3A, %mul3A_76 : vector<800x128xf32>
    %get3A_78 = arith.constant 0 : index
    %get3A_79 = arith.constant 3 : index
    %get3A_80 = memref.load %arg4[%get3A_78, %get3A_79] : memref<1x16xf32, #tpu.memory_space<smem>>
    %add3A_81 = vector.broadcast %get3A_80 : f32 to vector<800x128xf32>
    %add3A_82 = arith.addf %mul3A_77, %add3A_81 : vector<800x128xf32>
    %max3A_83 = arith.constant 0.000000e+00 : f32
    %max3A_84 = vector.broadcast %max3A_83 : f32 to vector<800x128xf32>
    %max3A_85 = arith.maximumf %add3A_82, %max3A_84 : vector<800x128xf32>
    %get3A_86 = arith.constant 0 : index
    %get3A_87 = arith.constant 3 : index
    %get3A_88 = memref.load %arg5[%get3A_86, %get3A_87] : memref<1x16xf32, #tpu.memory_space<smem>>
    %mul3A_89 = vector.broadcast %get3A_88 : f32 to vector<800x128xf32>
    %mul3A_90 = arith.mulf %max3A_85, %mul3A_89 : vector<800x128xf32>
    %add3A_91 = arith.addf %add3A_72, %mul3A_90 : vector<800x128xf32>
    %get3A_92 = arith.constant 0 : index
    %get3A_93 = arith.constant 4 : index
    %get3A_94 = memref.load %arg3[%get3A_92, %get3A_93] : memref<1x16xf32, #tpu.memory_space<smem>>
    %mul3A_95 = vector.broadcast %get3A_94 : f32 to vector<800x128xf32>
    %mul3A_96 = arith.mulf %mul3A, %mul3A_95 : vector<800x128xf32>
    %get3A_97 = arith.constant 0 : index
    %get3A_98 = arith.constant 4 : index
    %get3A_99 = memref.load %arg4[%get3A_97, %get3A_98] : memref<1x16xf32, #tpu.memory_space<smem>>
    %add3A_100 = vector.broadcast %get3A_99 : f32 to vector<800x128xf32>
    %add3A_101 = arith.addf %mul3A_96, %add3A_100 : vector<800x128xf32>
    %max3A_102 = arith.constant 0.000000e+00 : f32
    %max3A_103 = vector.broadcast %max3A_102 : f32 to vector<800x128xf32>
    %max3A_104 = arith.maximumf %add3A_101, %max3A_103 : vector<800x128xf32>
    %get3A_105 = arith.constant 0 : index
    %get3A_106 = arith.constant 4 : index
    %get3A_107 = memref.load %arg5[%get3A_105, %get3A_106] : memref<1x16xf32, #tpu.memory_space<smem>>
    %mul3A_108 = vector.broadcast %get3A_107 : f32 to vector<800x128xf32>
    %mul3A_109 = arith.mulf %max3A_104, %mul3A_108 : vector<800x128xf32>
    %add3A_110 = arith.addf %add3A_91, %mul3A_109 : vector<800x128xf32>
    %get3A_111 = arith.constant 0 : index
    %get3A_112 = arith.constant 5 : index
    %get3A_113 = memref.load %arg3[%get3A_111, %get3A_112] : memref<1x16xf32, #tpu.memory_space<smem>>
    %mul3A_114 = vector.broadcast %get3A_113 : f32 to vector<800x128xf32>
    %mul3A_115 = arith.mulf %mul3A, %mul3A_114 : vector<800x128xf32>
    %get3A_116 = arith.constant 0 : index
    %get3A_117 = arith.constant 5 : index
    %get3A_118 = memref.load %arg4[%get3A_116, %get3A_117] : memref<1x16xf32, #tpu.memory_space<smem>>
    %add3A_119 = vector.broadcast %get3A_118 : f32 to vector<800x128xf32>
    %add3A_120 = arith.addf %mul3A_115, %add3A_119 : vector<800x128xf32>
    %max3A_121 = arith.constant 0.000000e+00 : f32
    %max3A_122 = vector.broadcast %max3A_121 : f32 to vector<800x128xf32>
    %max3A_123 = arith.maximumf %add3A_120, %max3A_122 : vector<800x128xf32>
    %get3A_124 = arith.constant 0 : index
    %get3A_125 = arith.constant 5 : index
    %get3A_126 = memref.load %arg5[%get3A_124, %get3A_125] : memref<1x16xf32, #tpu.memory_space<smem>>
    %mul3A_127 = vector.broadcast %get3A_126 : f32 to vector<800x128xf32>
    %mul3A_128 = arith.mulf %max3A_123, %mul3A_127 : vector<800x128xf32>
    %add3A_129 = arith.addf %add3A_110, %mul3A_128 : vector<800x128xf32>
    %get3A_130 = arith.constant 0 : index
    %get3A_131 = arith.constant 6 : index
    %get3A_132 = memref.load %arg3[%get3A_130, %get3A_131] : memref<1x16xf32, #tpu.memory_space<smem>>
    %mul3A_133 = vector.broadcast %get3A_132 : f32 to vector<800x128xf32>
    %mul3A_134 = arith.mulf %mul3A, %mul3A_133 : vector<800x128xf32>
    %get3A_135 = arith.constant 0 : index
    %get3A_136 = arith.constant 6 : index
    %get3A_137 = memref.load %arg4[%get3A_135, %get3A_136] : memref<1x16xf32, #tpu.memory_space<smem>>
    %add3A_138 = vector.broadcast %get3A_137 : f32 to vector<800x128xf32>
    %add3A_139 = arith.addf %mul3A_134, %add3A_138 : vector<800x128xf32>
    %max3A_140 = arith.constant 0.000000e+00 : f32
    %max3A_141 = vector.broadcast %max3A_140 : f32 to vector<800x128xf32>
    %max3A_142 = arith.maximumf %add3A_139, %max3A_141 : vector<800x128xf32>
    %get3A_143 = arith.constant 0 : index
    %get3A_144 = arith.constant 6 : index
    %get3A_145 = memref.load %arg5[%get3A_143, %get3A_144] : memref<1x16xf32, #tpu.memory_space<smem>>
    %mul3A_146 = vector.broadcast %get3A_145 : f32 to vector<800x128xf32>
    %mul3A_147 = arith.mulf %max3A_142, %mul3A_146 : vector<800x128xf32>
    %add3A_148 = arith.addf %add3A_129, %mul3A_147 : vector<800x128xf32>
    %get3A_149 = arith.constant 0 : index
    %get3A_150 = arith.constant 7 : index
    %get3A_151 = memref.load %arg3[%get3A_149, %get3A_150] : memref<1x16xf32, #tpu.memory_space<smem>>
    %mul3A_152 = vector.broadcast %get3A_151 : f32 to vector<800x128xf32>
    %mul3A_153 = arith.mulf %mul3A, %mul3A_152 : vector<800x128xf32>
    %get3A_154 = arith.constant 0 : index
    %get3A_155 = arith.constant 7 : index
    %get3A_156 = memref.load %arg4[%get3A_154, %get3A_155] : memref<1x16xf32, #tpu.memory_space<smem>>
    %add3A_157 = vector.broadcast %get3A_156 : f32 to vector<800x128xf32>
    %add3A_158 = arith.addf %mul3A_153, %add3A_157 : vector<800x128xf32>
    %max3A_159 = arith.constant 0.000000e+00 : f32
    %max3A_160 = vector.broadcast %max3A_159 : f32 to vector<800x128xf32>
    %max3A_161 = arith.maximumf %add3A_158, %max3A_160 : vector<800x128xf32>
    %get3A_162 = arith.constant 0 : index
    %get3A_163 = arith.constant 7 : index
    %get3A_164 = memref.load %arg5[%get3A_162, %get3A_163] : memref<1x16xf32, #tpu.memory_space<smem>>
    %mul3A_165 = vector.broadcast %get3A_164 : f32 to vector<800x128xf32>
    %mul3A_166 = arith.mulf %max3A_161, %mul3A_165 : vector<800x128xf32>
    %add3A_167 = arith.addf %add3A_148, %mul3A_166 : vector<800x128xf32>
    %get3A_168 = arith.constant 0 : index
    %get3A_169 = arith.constant 8 : index
    %get3A_170 = memref.load %arg3[%get3A_168, %get3A_169] : memref<1x16xf32, #tpu.memory_space<smem>>
    %mul3A_171 = vector.broadcast %get3A_170 : f32 to vector<800x128xf32>
    %mul3A_172 = arith.mulf %mul3A, %mul3A_171 : vector<800x128xf32>
    %get3A_173 = arith.constant 0 : index
    %get3A_174 = arith.constant 8 : index
    %get3A_175 = memref.load %arg4[%get3A_173, %get3A_174] : memref<1x16xf32, #tpu.memory_space<smem>>
    %add3A_176 = vector.broadcast %get3A_175 : f32 to vector<800x128xf32>
    %add3A_177 = arith.addf %mul3A_172, %add3A_176 : vector<800x128xf32>
    %max3A_178 = arith.constant 0.000000e+00 : f32
    %max3A_179 = vector.broadcast %max3A_178 : f32 to vector<800x128xf32>
    %max3A_180 = arith.maximumf %add3A_177, %max3A_179 : vector<800x128xf32>
    %get3A_181 = arith.constant 0 : index
    %get3A_182 = arith.constant 8 : index
    %get3A_183 = memref.load %arg5[%get3A_181, %get3A_182] : memref<1x16xf32, #tpu.memory_space<smem>>
    %mul3A_184 = vector.broadcast %get3A_183 : f32 to vector<800x128xf32>
    %mul3A_185 = arith.mulf %max3A_180, %mul3A_184 : vector<800x128xf32>
    %add3A_186 = arith.addf %add3A_167, %mul3A_185 : vector<800x128xf32>
    %get3A_187 = arith.constant 0 : index
    %get3A_188 = arith.constant 9 : index
    %get3A_189 = memref.load %arg3[%get3A_187, %get3A_188] : memref<1x16xf32, #tpu.memory_space<smem>>
    %mul3A_190 = vector.broadcast %get3A_189 : f32 to vector<800x128xf32>
    %mul3A_191 = arith.mulf %mul3A, %mul3A_190 : vector<800x128xf32>
    %get3A_192 = arith.constant 0 : index
    %get3A_193 = arith.constant 9 : index
    %get3A_194 = memref.load %arg4[%get3A_192, %get3A_193] : memref<1x16xf32, #tpu.memory_space<smem>>
    %add3A_195 = vector.broadcast %get3A_194 : f32 to vector<800x128xf32>
    %add3A_196 = arith.addf %mul3A_191, %add3A_195 : vector<800x128xf32>
    %max3A_197 = arith.constant 0.000000e+00 : f32
    %max3A_198 = vector.broadcast %max3A_197 : f32 to vector<800x128xf32>
    %max3A_199 = arith.maximumf %add3A_196, %max3A_198 : vector<800x128xf32>
    %get3A_200 = arith.constant 0 : index
    %get3A_201 = arith.constant 9 : index
    %get3A_202 = memref.load %arg5[%get3A_200, %get3A_201] : memref<1x16xf32, #tpu.memory_space<smem>>
    %mul3A_203 = vector.broadcast %get3A_202 : f32 to vector<800x128xf32>
    %mul3A_204 = arith.mulf %max3A_199, %mul3A_203 : vector<800x128xf32>
    %add3A_205 = arith.addf %add3A_186, %mul3A_204 : vector<800x128xf32>
    %get3A_206 = arith.constant 0 : index
    %get3A_207 = arith.constant 10 : index
    %get3A_208 = memref.load %arg3[%get3A_206, %get3A_207] : memref<1x16xf32, #tpu.memory_space<smem>>
    %mul3A_209 = vector.broadcast %get3A_208 : f32 to vector<800x128xf32>
    %mul3A_210 = arith.mulf %mul3A, %mul3A_209 : vector<800x128xf32>
    %get3A_211 = arith.constant 0 : index
    %get3A_212 = arith.constant 10 : index
    %get3A_213 = memref.load %arg4[%get3A_211, %get3A_212] : memref<1x16xf32, #tpu.memory_space<smem>>
    %add3A_214 = vector.broadcast %get3A_213 : f32 to vector<800x128xf32>
    %add3A_215 = arith.addf %mul3A_210, %add3A_214 : vector<800x128xf32>
    %max3A_216 = arith.constant 0.000000e+00 : f32
    %max3A_217 = vector.broadcast %max3A_216 : f32 to vector<800x128xf32>
    %max3A_218 = arith.maximumf %add3A_215, %max3A_217 : vector<800x128xf32>
    %get3A_219 = arith.constant 0 : index
    %get3A_220 = arith.constant 10 : index
    %get3A_221 = memref.load %arg5[%get3A_219, %get3A_220] : memref<1x16xf32, #tpu.memory_space<smem>>
    %mul3A_222 = vector.broadcast %get3A_221 : f32 to vector<800x128xf32>
    %mul3A_223 = arith.mulf %max3A_218, %mul3A_222 : vector<800x128xf32>
    %add3A_224 = arith.addf %add3A_205, %mul3A_223 : vector<800x128xf32>
    %get3A_225 = arith.constant 0 : index
    %get3A_226 = arith.constant 11 : index
    %get3A_227 = memref.load %arg3[%get3A_225, %get3A_226] : memref<1x16xf32, #tpu.memory_space<smem>>
    %mul3A_228 = vector.broadcast %get3A_227 : f32 to vector<800x128xf32>
    %mul3A_229 = arith.mulf %mul3A, %mul3A_228 : vector<800x128xf32>
    %get3A_230 = arith.constant 0 : index
    %get3A_231 = arith.constant 11 : index
    %get3A_232 = memref.load %arg4[%get3A_230, %get3A_231] : memref<1x16xf32, #tpu.memory_space<smem>>
    %add3A_233 = vector.broadcast %get3A_232 : f32 to vector<800x128xf32>
    %add3A_234 = arith.addf %mul3A_229, %add3A_233 : vector<800x128xf32>
    %max3A_235 = arith.constant 0.000000e+00 : f32
    %max3A_236 = vector.broadcast %max3A_235 : f32 to vector<800x128xf32>
    %max3A_237 = arith.maximumf %add3A_234, %max3A_236 : vector<800x128xf32>
    %get3A_238 = arith.constant 0 : index
    %get3A_239 = arith.constant 11 : index
    %get3A_240 = memref.load %arg5[%get3A_238, %get3A_239] : memref<1x16xf32, #tpu.memory_space<smem>>
    %mul3A_241 = vector.broadcast %get3A_240 : f32 to vector<800x128xf32>
    %mul3A_242 = arith.mulf %max3A_237, %mul3A_241 : vector<800x128xf32>
    %add3A_243 = arith.addf %add3A_224, %mul3A_242 : vector<800x128xf32>
    %get3A_244 = arith.constant 0 : index
    %get3A_245 = arith.constant 12 : index
    %get3A_246 = memref.load %arg3[%get3A_244, %get3A_245] : memref<1x16xf32, #tpu.memory_space<smem>>
    %mul3A_247 = vector.broadcast %get3A_246 : f32 to vector<800x128xf32>
    %mul3A_248 = arith.mulf %mul3A, %mul3A_247 : vector<800x128xf32>
    %get3A_249 = arith.constant 0 : index
    %get3A_250 = arith.constant 12 : index
    %get3A_251 = memref.load %arg4[%get3A_249, %get3A_250] : memref<1x16xf32, #tpu.memory_space<smem>>
    %add3A_252 = vector.broadcast %get3A_251 : f32 to vector<800x128xf32>
    %add3A_253 = arith.addf %mul3A_248, %add3A_252 : vector<800x128xf32>
    %max3A_254 = arith.constant 0.000000e+00 : f32
    %max3A_255 = vector.broadcast %max3A_254 : f32 to vector<800x128xf32>
    %max3A_256 = arith.maximumf %add3A_253, %max3A_255 : vector<800x128xf32>
    %get3A_257 = arith.constant 0 : index
    %get3A_258 = arith.constant 12 : index
    %get3A_259 = memref.load %arg5[%get3A_257, %get3A_258] : memref<1x16xf32, #tpu.memory_space<smem>>
    %mul3A_260 = vector.broadcast %get3A_259 : f32 to vector<800x128xf32>
    %mul3A_261 = arith.mulf %max3A_256, %mul3A_260 : vector<800x128xf32>
    %add3A_262 = arith.addf %add3A_243, %mul3A_261 : vector<800x128xf32>
    %get3A_263 = arith.constant 0 : index
    %get3A_264 = arith.constant 13 : index
    %get3A_265 = memref.load %arg3[%get3A_263, %get3A_264] : memref<1x16xf32, #tpu.memory_space<smem>>
    %mul3A_266 = vector.broadcast %get3A_265 : f32 to vector<800x128xf32>
    %mul3A_267 = arith.mulf %mul3A, %mul3A_266 : vector<800x128xf32>
    %get3A_268 = arith.constant 0 : index
    %get3A_269 = arith.constant 13 : index
    %get3A_270 = memref.load %arg4[%get3A_268, %get3A_269] : memref<1x16xf32, #tpu.memory_space<smem>>
    %add3A_271 = vector.broadcast %get3A_270 : f32 to vector<800x128xf32>
    %add3A_272 = arith.addf %mul3A_267, %add3A_271 : vector<800x128xf32>
    %max3A_273 = arith.constant 0.000000e+00 : f32
    %max3A_274 = vector.broadcast %max3A_273 : f32 to vector<800x128xf32>
    %max3A_275 = arith.maximumf %add3A_272, %max3A_274 : vector<800x128xf32>
    %get3A_276 = arith.constant 0 : index
    %get3A_277 = arith.constant 13 : index
    %get3A_278 = memref.load %arg5[%get3A_276, %get3A_277] : memref<1x16xf32, #tpu.memory_space<smem>>
    %mul3A_279 = vector.broadcast %get3A_278 : f32 to vector<800x128xf32>
    %mul3A_280 = arith.mulf %max3A_275, %mul3A_279 : vector<800x128xf32>
    %add3A_281 = arith.addf %add3A_262, %mul3A_280 : vector<800x128xf32>
    %get3A_282 = arith.constant 0 : index
    %get3A_283 = arith.constant 14 : index
    %get3A_284 = memref.load %arg3[%get3A_282, %get3A_283] : memref<1x16xf32, #tpu.memory_space<smem>>
    %mul3A_285 = vector.broadcast %get3A_284 : f32 to vector<800x128xf32>
    %mul3A_286 = arith.mulf %mul3A, %mul3A_285 : vector<800x128xf32>
    %get3A_287 = arith.constant 0 : index
    %get3A_288 = arith.constant 14 : index
    %get3A_289 = memref.load %arg4[%get3A_287, %get3A_288] : memref<1x16xf32, #tpu.memory_space<smem>>
    %add3A_290 = vector.broadcast %get3A_289 : f32 to vector<800x128xf32>
    %add3A_291 = arith.addf %mul3A_286, %add3A_290 : vector<800x128xf32>
    %max3A_292 = arith.constant 0.000000e+00 : f32
    %max3A_293 = vector.broadcast %max3A_292 : f32 to vector<800x128xf32>
    %max3A_294 = arith.maximumf %add3A_291, %max3A_293 : vector<800x128xf32>
    %get3A_295 = arith.constant 0 : index
    %get3A_296 = arith.constant 14 : index
    %get3A_297 = memref.load %arg5[%get3A_295, %get3A_296] : memref<1x16xf32, #tpu.memory_space<smem>>
    %mul3A_298 = vector.broadcast %get3A_297 : f32 to vector<800x128xf32>
    %mul3A_299 = arith.mulf %max3A_294, %mul3A_298 : vector<800x128xf32>
    %add3A_300 = arith.addf %add3A_281, %mul3A_299 : vector<800x128xf32>
    %get3A_301 = arith.constant 0 : index
    %get3A_302 = arith.constant 15 : index
    %get3A_303 = memref.load %arg3[%get3A_301, %get3A_302] : memref<1x16xf32, #tpu.memory_space<smem>>
    %mul3A_304 = vector.broadcast %get3A_303 : f32 to vector<800x128xf32>
    %mul3A_305 = arith.mulf %mul3A, %mul3A_304 : vector<800x128xf32>
    %get3A_306 = arith.constant 0 : index
    %get3A_307 = arith.constant 15 : index
    %get3A_308 = memref.load %arg4[%get3A_306, %get3A_307] : memref<1x16xf32, #tpu.memory_space<smem>>
    %add3A_309 = vector.broadcast %get3A_308 : f32 to vector<800x128xf32>
    %add3A_310 = arith.addf %mul3A_305, %add3A_309 : vector<800x128xf32>
    %max3A_311 = arith.constant 0.000000e+00 : f32
    %max3A_312 = vector.broadcast %max3A_311 : f32 to vector<800x128xf32>
    %max3A_313 = arith.maximumf %add3A_310, %max3A_312 : vector<800x128xf32>
    %get3A_314 = arith.constant 0 : index
    %get3A_315 = arith.constant 15 : index
    %get3A_316 = memref.load %arg5[%get3A_314, %get3A_315] : memref<1x16xf32, #tpu.memory_space<smem>>
    %mul3A_317 = vector.broadcast %get3A_316 : f32 to vector<800x128xf32>
    %mul3A_318 = arith.mulf %max3A_313, %mul3A_317 : vector<800x128xf32>
    %add3A_319 = arith.addf %add3A_300, %mul3A_318 : vector<800x128xf32>
    %mul3A_320 = arith.mulf %add3A_319, %get3A_1 : vector<800x128xf32>
    %swap3A = arith.constant 0 : index
    %swap3A_321 = arith.constant 0 : index
    %swap3A_322 = vector.load %arg6[%swap3A, %swap3A_321] : memref<800x128xf32, #tpu.memory_space<vmem>>, vector<800x128xf32>
    tpu.vector_store %arg6[%swap3A, %swap3A_321], %mul3A_320 {strides = array<i32>} : memref<800x128xf32, #tpu.memory_space<vmem>>, vector<800x128xf32>,
    return
  }
}

module attributes {stable_mosaic.version = 14 : i64} {
  func.func @_tc_out_body(%arg0: memref<2x800x128xf32, #tpu.memory_space<vmem>>, %arg1: memref<800x128xf32, #tpu.memory_space<vmem>>, %arg2: memref<800x128xf32, #tpu.memory_space<vmem>>, %arg3: memref<1x1xf32, #tpu.memory_space<smem>>, %arg4: memref<800x128xf32, #tpu.memory_space<vmem>>) attributes {dimension_semantics = [], scalar_prefetch = 0 : i64, scratch_operands = 0 : i64, tpu.core_type = #tpu.core_type<tc>} {
    %get3A = arith.constant 0 : index
    %get3A_0 = arith.constant 0 : index
    %get3A_1 = vector.load %arg1[%get3A, %get3A_0] : memref<800x128xf32, #tpu.memory_space<vmem>>, vector<800x128xf32>
    %get3A_2 = arith.constant 0 : index
    %get3A_3 = arith.constant 0 : index
    %get3A_4 = arith.constant 0 : index
    %get3A_5 = vector.load %arg0[%get3A_2, %get3A_3, %get3A_4] : memref<2x800x128xf32, #tpu.memory_space<vmem>>, vector<1x800x128xf32>
    %get3A_6 = vector.shape_cast %get3A_5 : vector<1x800x128xf32> to vector<800x128xf32>
    %get3A_7 = arith.constant 1 : index
    %get3A_8 = arith.constant 0 : index
    %get3A_9 = arith.constant 0 : index
    %get3A_10 = vector.load %arg0[%get3A_7, %get3A_8, %get3A_9] : memref<2x800x128xf32, #tpu.memory_space<vmem>>, vector<1x800x128xf32>
    %get3A_11 = vector.shape_cast %get3A_10 : vector<1x800x128xf32> to vector<800x128xf32>
    %add3A = arith.addf %get3A_6, %get3A_11 : vector<800x128xf32>
    %get3A_12 = arith.constant 0 : index
    %get3A_13 = arith.constant 0 : index
    %get3A_14 = vector.load %arg2[%get3A_12, %get3A_13] : memref<800x128xf32, #tpu.memory_space<vmem>>, vector<800x128xf32>
    %add3A_15 = arith.addf %add3A, %get3A_14 : vector<800x128xf32>
    %mul3A = arith.mulf %get3A_1, %add3A_15 : vector<800x128xf32>
    %get3A_16 = arith.constant 0 : index
    %get3A_17 = arith.constant 0 : index
    %get3A_18 = memref.load %arg3[%get3A_16, %get3A_17] : memref<1x1xf32, #tpu.memory_space<smem>>
    %add3A_19 = vector.broadcast %get3A_18 : f32 to vector<800x128xf32>
    %add3A_20 = arith.addf %mul3A, %add3A_19 : vector<800x128xf32>
    %swap3A = arith.constant 0 : index
    %swap3A_21 = arith.constant 0 : index
    %swap3A_22 = vector.load %arg4[%swap3A, %swap3A_21] : memref<800x128xf32, #tpu.memory_space<vmem>>, vector<800x128xf32>
    tpu.vector_store %arg4[%swap3A, %swap3A_21], %add3A_20 {strides = array<i32>} : memref<800x128xf32, #tpu.memory_space<vmem>>, vector<800x128xf32>,
    return
  }
}

</mosaic_0001>

<sc_bundles>
// kernel: sc_aggregate_pass.4.cloned.1.call-start
scs
__scs_entry_jumppad:
0x0: {  	(pc) =	sbr.rel $0x88, $3  }
0x1: {  	(tag) =	ssettag $0x0;
	lr =	simm.s32 $0x1  }
0x2: {  	[smem:$0x3F9B] =	sst lr;
	_ =	strace $0xD0000000  }
0x3: {  	_ = 	snop  }
0x4: {  	_ = 	snop  }
0x5: {  	_ = 	snop  }
0x6: {  	_ = 	snop  }
0x7: {  	_ = 	snop  }
__scs_overlays_trampoline_lowered:
0x8: {  	[smem:$0x3FAA] =	sst s0  }
0x9: {  	[smem:$0x3FAB] =	sst s1  }
0xa: {  	[smem:$0x3FAC] =	sst s2  }
0xb: {  	[smem:$0x3FAD] =	sst s3  }
0xc: {  	[smem:$0x3FAE] =	sst s4  }
0xd: {  	[smem:$0x3FAF] =	sst s5  }
0xe: {  	[smem:$0x3FB0] =	sst s6  }
0xf: {  	[smem:$0x3FB1] =	sst s7  }
0x10: {  	[smem:$0x3FB2] =	sst s8  }
0x11: {  	[smem:$0x3FB3] =	sst s9;
	s0 =	simm.s32 @!p0 $0x0  }
0x12: {  	s1 =	sld [smem:$0x3F99];
	s0 =	simm.s32 @p0 $0x1  }
0x13: {  	[smem:$0x3FB4] =	sst s0;
	s0 =	simm.s32 @!p1 $0x0  }
0x14: {  	s2 =	sld [smem:$0x3F98];
	s0 =	simm.s32 @p1 $0x1  }
0x15: {  	[smem:$0x3FB5] =	sst s0;
	s0 =	simm.s32 @!p2 $0x0  }
0x16: {  	s3 =	sld [smem:$0x3FDB];
	s0 =	simm.s32 @p2 $0x1  }
0x17: {  	s4 =	simm.s32 $0x1BF5;
	[smem:$0x3FB7] =	sst s0  }
0x18: {  	s0 =	sld [smem:$0x3F9A];
	_ =	swait.ge [sflag:s4], $0x0  }
0x19: {  	s7 =	sld [smem:$0x3F9B]  }
0x1a: {  	s8 =	sadd.s32 $0xFFFFE003, lr  }
0x1b: {  	s9 =	sadd.s32 $0xFFFFFEF7, lr;
	s5 =	simm.s32 $0xFFFFFFFF;
	p2 =	slt.u32 s8, $0xFFFFF086  }
0x1c: {  	p1 =	slt.u32 s9, $0xF7A;
	s5 =	simm.s32 @!p2 $0x0  }
0x1d: {  	s5 =	simm.s32 @p1 $0x1;
	p0 =	seq.s32 s7, s2  }
0x1e: {  	s7 =	smul.u32 @!p0 $0xF7A, s2;
	p2 =	seq.s32 @!p0 s5, $0x0  }
0x1f: {  	s9 =	smul.u32 $0xF7A, s1;
	s8 =	simm.s32 @!p0 $0x1BF5;
	p2 =	por !p2, p0  }
0x20: {  	[sflag:s8] =	ssyncset.s32 @!p0 $0xFFFFF086;
	s6 =	sadd.s32 @!p0 s3, s7;
	s7 =	simm.s32 @!p0 $0x108  }
0x21: {  	s3 =	sadd.s32 s3, s9;
	s6 =	sadd.s32 @!p0 $0x88, s6;
	s7 =	simm.s32 @p2 $0x1082  }
0x22: {  	[simem:s7], [sflag:s8] =	dma.local @!p0 [hbm:s6], $0xF7A  }
0x23: {  	s9 =	sor.u32 $0xD0000000, s2;
	s6 =	simm.s32 $0x108;
	_ =	swait.ge @!p0 [sflag:s8], $0x0  }
0x24: {  	s3 =	sadd.s32 $0x88, s3;
	s6 =	simm.s32 @!p1 $0x1082;
	[sflag:s4] =	ssyncset.s32 $0xFFFFF086  }
0x25: {  	[simem:s6], [sflag:s4] =	dma.local [hbm:s3], $0xF7A  }
0x26: {  	[smem:$0x3F9B] =	sst s1;
	(tag) =	ssettag s2;
	_ =	strace s9  }
0x27: {  	s1 =	sld [smem:$0x3FAB]  }
0x28: {  	s2 =	sld [smem:$0x3FAC]  }
0x29: {  	s4 =	sld [smem:$0x3FAE]  }
0x2a: {  	p0 =	seq.s32 s5, $0x0;
	s5 =	sld [smem:$0x3FAF]  }
0x2b: {  	s6 =	sld [smem:$0x3FB0]  }
0x2c: {  	s7 =	sld [smem:$0x3FB1]  }
0x2d: {  	s3 =	simm.s32 $0x108;
	s8 =	sld [smem:$0x3FB2]  }
0x2e: {  	s3 =	simm.s32 @!p0 $0x1082;
	s9 =	sld [smem:$0x3FB3]  }
0x2f: {  	lr =	sadd.s32 s0, s3;
	s0 =	sld [smem:$0x3FAA]  }
0x30: {  	s3 =	sld [smem:$0x3FAD]  }
0x31: {  	[smem:$0x3FB6] =	sst s10  }
0x32: {  	s10 =	sld [smem:$0x3FB4];
	_ =	sdelay $0x3  }
0x33: {  	p0 =	seq.s32 s10, $0x1;
	s10 =	sld [smem:$0x3FB6];
	_ =	sdelay $0x3  }
0x34: {  	[smem:$0x3FB6] =	sst s10  }
0x35: {  	s10 =	sld [smem:$0x3FB5];
	_ =	sdelay $0x3  }
0x36: {  	p1 =	seq.s32 s10, $0x1;
	s10 =	sld [smem:$0x3FB6];
	_ =	sdelay $0x3  }
0x37: {  	[smem:$0x3FB6] =	sst s10  }
0x38: {  	s10 =	sld [smem:$0x3FB7]  }
0x39: {  	_ = 	snop;
	(pc) =	sbr.ind lr, $3  }
0x3a: {  	_ = 	snop  }
0x3b: {  	_ = 	snop  }
0x3c: {  	p2 =	seq.s32 s10, $0x1;
	s10 =	sld [smem:$0x3FB6]  }
0x3d: {  	_ =	shalt  }
0x3e: {  	_ =	shalt  }
0x3f: {  	_ =	shalt  }
0x40: {  	_ =	shalt  }
0x41: {  	_ =	shalt  }
0x42: {  	_ =	shalt  }
0x43: {  	_ =	shalt  }
0x44: {  	_ =	shalt  }
0x45: {  	_ =	shalt  }
0x46: {  	_ =	shalt  }
0x47: {  	_ =	shalt  }
0x48: {  	_ =	shalt  }
0x49: {  	_ =	shalt  }
0x4a: {  	_ =	shalt  }
0x4b: {  	_ =	shalt  }
0x4c: {  	_ =	shalt  }
0x4d: {  	_ =	shalt  }
0x4e: {  	_ =	shalt  }
0x4f: {  	_ =	shalt  }
0x50: {  	_ =	shalt  }
0x51: {  	_ =	shalt  }
0x52: {  	_ =	shalt  }
0x53: {  	_ =	shalt  }
0x54: {  	_ =	shalt  }
0x55: {  	_ =	shalt  }
0x56: {  	_ =	shalt  }
0x57: {  	_ =	shalt  }
0x58: {  	_ =	shalt  }
0x59: {  	_ =	shalt  }
0x5a: {  	_ =	shalt  }
0x5b: {  	_ =	shalt  }
0x5c: {  	_ =	shalt  }
0x5d: {  	_ =	shalt  }
0x5e: {  	_ =	shalt  }
0x5f: {  	_ =	shalt  }
0x60: {  	_ =	shalt  }
0x61: {  	_ =	shalt  }
0x62: {  	_ =	shalt  }
0x63: {  	_ =	shalt  }
0x64: {  	_ =	shalt  }
0x65: {  	_ =	shalt  }
0x66: {  	_ =	shalt  }
0x67: {  	_ =	shalt  }
0x68: {  	_ =	shalt  }
0x69: {  	_ =	shalt  }
0x6a: {  	_ =	shalt  }
0x6b: {  	_ =	shalt  }
0x6c: {  	_ =	shalt  }
0x6d: {  	_ =	shalt  }
0x6e: {  	_ =	shalt  }
0x6f: {  	_ =	shalt  }
0x70: {  	_ =	shalt  }
0x71: {  	_ =	shalt  }
0x72: {  	_ =	shalt  }
0x73: {  	_ =	shalt  }
0x74: {  	_ =	shalt  }
0x75: {  	_ =	shalt  }
0x76: {  	_ =	shalt  }
0x77: {  	_ =	shalt  }
0x78: {  	_ =	shalt  }
0x79: {  	_ =	shalt  }
0x7a: {  	_ =	shalt  }
0x7b: {  	_ =	shalt  }
0x7c: {  	_ =	shalt  }
0x7d: {  	_ =	shalt  }
0x7e: {  	_ =	shalt  }
0x7f: {  	_ =	shalt  }
0x80: {  	_ =	shalt  }
0x81: {  	_ =	shalt  }
0x82: {  	_ =	shalt  }
0x83: {  	_ =	shalt  }
0x84: {  	_ =	shalt  }
0x85: {  	_ =	shalt  }
0x86: {  	_ =	shalt  }
0x87: {  	_ =	shalt  }
.Lfunc_end0:
.L_simem_size_0:
called_computation.1_lowered:
.L_overlay_start_0:
0x88: {  	s2 =	sld [smem:$0x3FD9]  }
0x89: {  	s3 =	sld [smem:$0x3FFE];
	_ =	sdelay $0x1  }
0x8a: {  	s1 =	srdreg.scid  }
0x8b: {  	s0 =	sand.u32 $0x1, s1  }
0x8c: {  	s16 =	sshll.u32 s0, $0xA;
	s2 =	sadd.s32 s3, s2  }
0x8d: {  	s2 =	sadd.s32 s2, s16  }
0x8e: {  	[smem:$0x3FC2] =	sst s2  }
0x8f: {  	_ = 	snop  }
0x90: {  	(tm) =	ssettm $0x1  }
0x91: {  	s17 =	sld [smem:$0x3FFB];
	_ =	sdelay $0x3  }
0x92: {  	_ =	strace s17  }
0x93: {  	s2 =	sld [smem:$0x3FFC];
	_ =	sdelay $0x3  }
0x94: {  	_ =	strace s2  }
0x95: {  	s2 =	sld [smem:$0x3FFD];
	_ =	sdelay $0x3  }
0x96: {  	_ =	strace s2  }
0x97: {  	_ =	strace $0x8FFFFFFF  }
0x98: {  	s18 =	sld [smem:$0x3FDB];
	_ =	sdelay $0x1  }
0x99: {  	s19 =	simm.s32 $_scs_section_size  }
0x9a: {  	s4 =	simm.s32 $_size__tile_overlayer_lowered;
	s5 =	simm.s32 $_tile_overlayer_lowered  }
0x9b: {  	s22 =	simm.s32 $0x1BFF;
	s21 =	sshll.u32 s5, $0x1;
	s2 =	sadd.s32 s19, s18  }
0x9c: {  	s6 =	simm.s32 $0x0;
	s20 =	sshll.u32 s4, $0x1;
	s4 =	sadd.s32 s21, s2  }
0x9d: {  	[timem:s6], [sflag:s22] =	dma.local [hbm:s4], s20  }
0x9e: {  	_ =	swait.ge [sflag:s22], s20  }
0x9f: {  	s3 =	ssub.s32 $0x0, s20;
	[sflag:s22] =	ssyncset.done $0x0  }
0xa0: {  	[sflag:s22] =	ssyncadd.s32 s3;
	_ =	sdelay $0x1  }
0xa1: {  	s23 =	simm.s32 $0x1B8B  }
0xa2: {  	_ =	swait.ge [sflag:s23], $0x1  }
0xa3: {  	[sflag:s23] =	ssyncset.done $0x0  }
0xa4: {  	s25 =	simm.s32 $0x1B8E;
	s24 =	sld [smem:$0x3FFE];
	[sflag:s23] =	ssyncadd.s32 $0xFFFFFFFF  }
0xa5: {  	s26 =	simm.s32 $execute0_lowered;
	[smem:$0x3FD2] =	sst s25  }
0xa6: {  	s4 =	sshll.u32 s26, $0x1;
	_ =	strace $0x80000049;
	[dreg:$0x1] =	wrdreg $0xFFFFFFFF  }
0xa7: {  	s28 =	simm.s32 $_size_execute0_lowered;
	s2 =	sadd.s32 s2, s4;
	[dreg:$0x0] =	wrdreg $0x0  }
0xa8: {  	s4 =	sshll.u32 s28, $0x1;
	[dreg:$0x2] =	wrdreg s2  }
0xa9: {  	[dreg:$0x3] =	wrdreg s4  }
0xaa: {  	[dreg:$0x4] =	wrdreg $0xC0  }
0xab: {  	_ =	task [dreg:s6], $0x5FFFF  }
0xac: {  	[dreg:$0x1] =	wrdreg $0xFFFFFFFF  }
0xad: {  	[dreg:$0x0] =	wrdreg $0x60  }
0xae: {  	[dreg:$0x2] =	wrdreg s24  }
0xaf: {  	[dreg:$0x3] =	wrdreg $0x1D8800  }
0xb0: {  	[dreg:$0x4] =	wrdreg $0x9  }
0xb1: {  	_ =	task.clear_ibuf [dreg:s6], $0x5FFFF;
	_ =	strace $0x90000049  }
0xb2: {  	s29 =	simm.s32 $0x9;
	_ =	strace $0x8000004B  }
0xb3: {  	_ =	swait.ge [sflag:s29], $0x1  }
0xb4: {  	[sflag:s29] =	ssyncadd.s32 $0xFFFFFFFF  }
0xb5: {  	_ =	strace $0x9000004B  }
0xb6: {  	_ =	sfence  }
0xb7: {  	s30 =	sld [smem:$0x0];
	_ =	sdelay $0x2  }
0xb8: {  	s31 =	sshll.u32 s1, $0xD;
	s1 =	sshrl.u32 s1, $0x2  }
0xb9: {  	s3 =	sand.u32 $0x4000, s31;
	s1 =	sadd.s32 s1, s30  }
0xba: {  	s0 =	sor.u32 s3, s0;
	s1 =	sshll.u32 s1, $0x11  }
0xbb: {  	s0 =	sor.u32 s1, s0  }
0xbc: {  	s0 =	sadd.s32 $0x8F2B, s0  }
0xbd: {  	[sflag:s0] =	ssyncadd.remote.s32 $0x1  }
0xbe: {  	_ =	sfence.sel $0xFFFF  }
0xbf: {  	[dreg:$0x0] =	wrdreg $0xFFFFFFFF;
	(pc) =	sbr.abs _section_cstart, $3  }
0xc0: {  	[dreg:$0x1] =	wrdreg $0xFFFFFFFF  }
0xc1: {  	_ =	task.clear_ibuf [dreg:s6], $0x2FFFF;
	_ =	strace $0x9FFFFFFF  }
0xc2: {  	(tm) =	ssettm $0x7FFFFFFF  }
0xc3: {  	_ =	shalt  }
tec
execute0_lowered:
.L_overlay_start_1:
0x0: {  	(tag) =	ssettag $0x1  }
0x1: {  	s7 =	rddreg [dreg:$0x0]  }
0x2: {  	s2 =	rddreg [dreg:$0x1]  }
0x3: {  	s0 =	rddreg [dreg:$0x2];
	s3 =	simm.s32 $0x0;
	s4 =	srdreg.scid  }
0x4: {  	s1 =	stileid.u32;
	s13 =	simm.s32 $0x1;
	s16 =	simm.s32 $0x1CC00  }
0x5: {  	s17 =	simm.s32 $0x5;
	s18 =	simm.s32 $0x19000;
	s19 =	simm.s32 $0x1A400  }
0x6: {  	s20 =	simm.s32 $0xA00;
	s21 =	simm.s32 $0x0;
	[smem:$0x7FF] =	sst s3  }
0x7: {  	s8 =	sand.u32 $0x1, s4;
	s9 =	smul.u32 $0x1900, s1;
	s4 =	sadd.s32 $0xC5800, s7  }
0x8: {  	s5 =	sadd.s32 $0x2200, s7;
	s6 =	sadd.s32 $0x188E00, s7;
	s10 =	smul.u32 $0x19000, s8  }
0x9: {  	_ =	strace $0x8000004A;
	s11 =	sshll.u32 s8, $0x4;
	s8 =	ssub.s32 $0x2, s8  }
0xa: {  	s11 =	sor.u32 s1, s11;
	s30 =	sshrl.u32 s8, $0x1;
	s10 =	sadd.s32 s9, s10  }
0xb: {  	s12 =	smul.u32 $0x4E, s11;
	s31 =	smin.u32 s11, $0x4;
	s15 =	ssub.s32 s8, s30  }
0xc: {  	p0 =	sgt.u32 s11, $0x3;
	s8 =	simm.s32 $0x4E;
	s10 =	sshrl.u32 s10, $0x3  }
0xd: {  	s9 =	sadd.s32 s9, s2;
	s14 =	sadd.s32 s10, s7;
	s7 =	sadd.s32 s31, s12  }
0xe: {  	s8 =	simm.s32 @!p0 $0x4F;
	s13 =	simm.s32 @!p0 $0x0;
	s12 =	smul.u32 $0x140, s7  }
0xf: {  	s15 =	smax.u32 s15, $0x1;
	s10 =	sadd.s32 $0xC80, s9;
	s13 =	sadd.s32 $0x3, s13  }
0x10: {  	v0 =	vimm.f32 $0.0e+00;
	s14 =	sadd.s32 $0x18C000, s14;
	s11 =	sadd.s32 s4, s12;
	s12 =	sadd.s32 s5, s12  }
.LBB2_1:
0x11: {  	s22 =	simm.s32 $0x1CC40  }
0x12: {  	[tilespmem:s22+$0xFFFFFFC0] =	vst v0  }
0x13: {  	[tilespmem:s22+$0x30] =	vst v0  }
0x14: {  	[tilespmem:s22+$0x20] =	vst v0  }
0x15: {  	[tilespmem:s22+$0x10] =	vst v0  }
0x16: {  	[tilespmem:s22+$0x0] =	vst v0  }
0x17: {  	[tilespmem:s22+$0xFFFFFFF0] =	vst v0  }
0x18: {  	s23 =	simm.s32 $0x0;
	[tilespmem:s22+$0xFFFFFFE0] =	vst v0  }
.LBB2_2:
0x19: {  	s23 =	sadd.s32 $0x8, s23;
	[tilespmem:s22+$0xFFFFFFD0] =	vst v0;
	s22 =	sadd.s32 $0x80, s22  }
0x1a: {  	[tilespmem:s22+$0xFFFFFFC0] =	vst v0;
	p0 =	slt.u32 s23, $0xC0  }
0x1b: {  	[tilespmem:s22+$0x30] =	vst v0  }
.Ltmp0:
0x1c: {  	[tilespmem:s22+$0x20] =	vst v0;
	(pc) =	sbr.rel @p0 .LBB2_2-.Ltmp0, $4  }
0x1d: {  	[tilespmem:s22+$0x10] =	vst v0  }
0x1e: {  	[tilespmem:s22+$0x0] =	vst v0  }
0x1f: {  	[tilespmem:s22+$0xFFFFFFF0] =	vst v0  }
0x20: {  	[tilespmem:s22+$0xFFFFFFE0] =	vst v0  }
0x21: {  	[tilespmem:s22+$0xFFFFFFD0] =	vst v0  }
0x22: {  	[spmem:s9] =	stream.linear.scatter [tilespmem:s16], [sflag:$0x5], $0xC80, $0x38;
	[tilespmem:$0x1F180] =	vst v63  }
0x23: {  	_ =	swait.ge [sflag:s17], $0xC80  }
0x24: {  	[sflag:s17] =	ssyncset.done $0x0  }
0x25: {  	[sflag:s17] =	ssyncadd.s32 $0xFFFFF380  }
0x26: {  	[spmem:s10] =	stream.linear.scatter [tilespmem:s16], [sflag:$0x5], $0xC80, $0x38;
	[tilespmem:$0x1F180] =	vst v63  }
0x27: {  	_ =	swait.ge [sflag:s17], $0xC80  }
0x28: {  	[sflag:s17] =	ssyncset.done $0x0  }
0x29: {  	s22 =	simm.s32 $0x0;
	[sflag:s17] =	ssyncadd.s32 $0xFFFFF380  }
0x2a: {  	[tilespmem:s18], [sflag:$0x1] =	stream.linear.gather [hbm4b:s11+s22], $0xA00, $0x38;
	[tilespmem:$0x1F180] =	vst v63  }
0x2b: {  	_ = 	snop  }
0x2c: {  	[tilespmem:s19], [sflag:$0x1] =	stream.linear.gather [hbm4b:s12+s22], $0xA00, $0x38;
	[tilespmem:$0x1F180] =	vst v63  }
0x2d: {  	_ = 	snop  }
0x2e: {  	[tilespmem:s22], [sflag:$0x5] =	stream.linear.gather [hbm4b:s6+s22], $0x19000, $0x38;
	[tilespmem:$0x1F180] =	vst v63  }
0x2f: {  	_ =	swait.ge [sflag:s17], $0x19000  }
0x30: {  	[sflag:s17] =	ssyncset.done $0x0  }
0x31: {  	[sflag:s17] =	ssyncadd.s32 $0xFFFE7000  }
0x32: {  	p0 =	por $0x0, $0x0;
	[bflag:$0x0] =	sbarrier.arrive $0xFFFF  }
.LBB2_4:
0x33: {  	s23 =	sand.u32 $0x1, s22;
	p1 =	seq.s32 s22, $0x0;
	s22 =	sadd.s32 $0x1, s22  }
0x34: {  	s24 =	sxor.u32 $0x1, s23;
	p2 =	sge.u32 s22, s8  }
0x35: {  	s25 =	sadd.s32 @!p1 $0x3, s24;
	s26 =	sadd.s32 @!p2 s7, s22;
	s28 =	smul.u32 @!p2 $0xA00, s24  }
0x36: {  	_ =	swait.ge @!p1 [sflag:s25], $0xA00;
	s26 =	smul.u32 @!p2 $0x140, s26  }
0x37: {  	s24 =	sadd.s32 @!p2 $0x1, s24;
	s30 =	simm.s32 @!p2 $0x0;
	[sflag:s25] =	ssyncset.done @!p1 $0x0  }
0x38: {  	[sflag:s25] =	ssyncadd.s32 @!p1 $0xFFFFF600;
	s25 =	sor.u32 @!p2 $0x19000, s28;
	s29 =	sadd.s32 @!p2 s4, s26  }
0x39: {  	[tilespmem:s25], [sflag:s24] =	stream.linear.gather @!p2 [hbm4b:s29+s30], $0xA00, $0x38;
	[tilespmem:$0x1F180] =	vst v63  }
0x3a: {  	s31 =	sadd.s32 $0x1, s23;
	s26 =	sadd.s32 @!p2 s5, s26;
	s25 =	sadd.s32 @!p2 $0x1A400, s28  }
0x3b: {  	[tilespmem:s25], [sflag:s24] =	stream.linear.gather @!p2 [hbm4b:s26+s30], $0xA00, $0x38;
	[tilespmem:$0x1F180] =	vst v63  }
0x3c: {  	s25 =	simm.s32 $0x1;
	_ =	swait.ge [sflag:s31], $0xA00  }
0x3d: {  	s25 =	simm.s32 @!p0 $0x0;
	[sflag:s31] =	ssyncset.done $0x0  }
0x3e: {  	s25 =	smul.u32 $0x2800, s25;
	[sflag:s31] =	ssyncadd.s32 $0xFFFFF600  }
0x3f: {  	_ =	swait.ge [sflag:s31], $0xA00  }
0x40: {  	s25 =	sshrl.u32 s25, $0x2;
	[sflag:s31] =	ssyncset.done $0x0  }
0x41: {  	s28 =	sor.u32 $0x19040, s25;
	[sflag:s31] =	ssyncadd.s32 $0xFFFFF600  }
0x42: {  	v1 =	vld [tilespmem:s28+$0x30]  }
0x43: {  	v2 =	vld [tilespmem:s28+$0xFFFFFFD0]  }
0x44: {  	v3 =	vld [tilespmem:s28+$0xFFFFFFE0]  }
0x45: {  	v4 =	vld [tilespmem:s28+$0xFFFFFFF0]  }
0x46: {  	v6 =	vld [tilespmem:s28+$0x0]  }
0x47: {  	v7 =	vld [tilespmem:s28+$0x10]  }
0x48: {  	v8 =	vld [tilespmem:s28+$0x20]  }
0x49: {  	v9 =	vld [tilespmem:s28+$0xFFFFFFC0]  }
0x4a: {  	v10 =	vld.idx.msk [tilespmem:v1+s3+$0x0], $0xffff  }
0x4b: {  	v11 =	vld.idx.msk [tilespmem:v2+s3+$0x0], $0xffff  }
0x4c: {  	v5 =	vld.idx.msk [tilespmem:v3+s3+$0x0], $0xffff  }
0x4d: {  	v4 =	vld.idx.msk [tilespmem:v4+s3+$0x0], $0xffff  }
0x4e: {  	v1 =	vld.idx.msk [tilespmem:v6+s3+$0x0], $0xffff  }
0x4f: {  	s24 =	sadd.s32 $0x1B840, s25;
	v2 =	vld.idx.msk [tilespmem:v7+s3+$0x0], $0xffff  }
0x50: {  	v3 =	vld.idx.msk [tilespmem:v8+s3+$0x0], $0xffff;
	[tilespmem:s24+$0x30] =	vst v10  }
0x51: {  	s26 =	simm.s32 $0x0;
	s25 =	smul.u32 $0xA00, s23;
	s28 =	sadd.s32 $0x80, s28;
	v6 =	vld.idx.msk [tilespmem:v9+s3+$0x0], $0xffff;
	[tilespmem:s24+$0xFFFFFFD0] =	vst v11  }
.LBB2_5:
0x52: {  	v7 =	vld [tilespmem:s28+$0x30];
	s26 =	sadd.s32 $0x8, s26;
	[tilespmem:s24+$0xFFFFFFE0] =	vst v5  }
0x53: {  	v5 =	vld [tilespmem:s28+$0xFFFFFFD0];
	p1 =	slt.u32 s26, $0x98;
	[tilespmem:s24+$0xFFFFFFF0] =	vst v4  }
0x54: {  	v4 =	vld [tilespmem:s28+$0xFFFFFFE0];
	[tilespmem:s24+$0x0] =	vst v1  }
0x55: {  	v1 =	vld [tilespmem:s28+$0xFFFFFFF0];
	[tilespmem:s24+$0x10] =	vst v2  }
0x56: {  	v2 =	vld [tilespmem:s28+$0x0];
	[tilespmem:s24+$0x20] =	vst v3  }
0x57: {  	v3 =	vld [tilespmem:s28+$0x10];
	[tilespmem:s24+$0xFFFFFFC0] =	vst v6  }
0x58: {  	v6 =	vld [tilespmem:s28+$0x20]  }
0x59: {  	v8 =	vld [tilespmem:s28+$0xFFFFFFC0]  }
0x5a: {  	v7 =	vld.idx.msk [tilespmem:v7+s3+$0x0], $0xffff  }
0x5b: {  	v9 =	vld.idx.msk [tilespmem:v5+s3+$0x0], $0xffff  }
0x5c: {  	v5 =	vld.idx.msk [tilespmem:v4+s3+$0x0], $0xffff  }
.Ltmp1:
0x5d: {  	v4 =	vld.idx.msk [tilespmem:v1+s3+$0x0], $0xffff;
	(pc) =	sbr.rel @p1 .LBB2_5-.Ltmp1, $4  }
0x5e: {  	v1 =	vld.idx.msk [tilespmem:v2+s3+$0x0], $0xffff  }
0x5f: {  	s24 =	sadd.s32 $0x80, s24;
	v2 =	vld.idx.msk [tilespmem:v3+s3+$0x0], $0xffff  }
0x60: {  	v3 =	vld.idx.msk [tilespmem:v6+s3+$0x0], $0xffff;
	[tilespmem:s24+$0x30] =	vst v7  }
0x61: {  	s28 =	sadd.s32 $0x80, s28;
	v6 =	vld.idx.msk [tilespmem:v8+s3+$0x0], $0xffff;
	[tilespmem:s24+$0xFFFFFFD0] =	vst v9  }
0x62: {  	[tilespmem:s24+$0xFFFFFFE0] =	vst v5  }
0x63: {  	[tilespmem:s24+$0xFFFFFFF0] =	vst v4;
	p1 =	sne.s32 s22, s8  }
.Ltmp2:
0x64: {  	[tilespmem:s24+$0x0] =	vst v1;
	(pc) =	sbr.rel @p1 .LBB2_4-.Ltmp2, $4  }
0x65: {  	[tilespmem:s24+$0x10] =	vst v2  }
0x66: {  	s30 =	sadd.s32 $0x1A400, s25;
	[tilespmem:s24+$0x20] =	vst v3  }
0x67: {  	s31 =	sadd.s32 $0x1B800, s25;
	s23 =	sadd.s32 $0x3, s23;
	p0 =	por !p0, !p0;
	[tilespmem:s24+$0xFFFFFFC0] =	vst v6  }
0x68: {  	[spmem:s2] =	stream.indirect.scatter.add.f32 [tilespmem:s31], [sflag:s23], $0x1, s30, s20, $0xb8;
	[tilespmem:$0x1F180] =	vst v63  }
0x69: {  	_ =	swait.ge [sflag:s13], $0xA00  }
0x6a: {  	s22 =	sshll.u32 s1, $0x6;
	s21 =	sadd.s32 $0x1, s21;
	[sflag:s13] =	ssyncset.done $0x0  }
0x6b: {  	s23 =	sshrl.u32 s9, $0x3;
	p0 =	sne.s32 s21, s15;
	[sflag:s13] =	ssyncadd.s32 $0xFFFFF600  }
.Ltmp3:
0x6c: {  	s22 =	sor.u32 $0x1C05, s22;
	[bflag:$0x0] =	sbarrier.arrive $0xFFFF;
	(pc) =	sbr.rel @p0 .LBB2_1-.Ltmp3, $4  }
0x6d: {  	[hbm:s14], [sflag:s22] =	dma.local [spmem:s23], $0x320  }
0x6e: {  	_ =	swait.ge [sflag:s17], $0x320  }
0x6f: {  	[sflag:s17] =	ssyncset.done $0x0  }
0x70: {  	[sflag:s17] =	ssyncadd.s32 $0xFFFFFCE0  }
0x71: {  	_ =	sfence.sel $0x180000  }
0x72: {  	[bflag:$0x0] =	sbarrier.arrive $0xFFFF  }
0x73: {  	p0 =	sne.s32 s1, $0x0;
	_ =	strace $0x9000004A  }
0x74: {  	s0 =	sadd.s32 @!p0 $0x100000, s0;
	[bflag:$0x2] =	sbarrier.arrive $0xFFFF  }
0x75: {  	[sflag:s0] =	ssyncadd.tile.s32 @!p0 $0x1;
	_ =	shalt  }
.Lfunc_end2:
_tile_overlayer_lowered:
.L_overlay_start_2:
0x76: {  	(tag) =	ssettag $0x2  }
0x77: {  	s0 =	rddreg [dreg:$0x0];
	s2 =	stileid.u32  }
0x78: {  	s1 =	rddreg [dreg:$0x1];
	p0 =	sne.s32 s2, $0x0  }
0x79: {  	s3 =	rddreg [dreg:$0x2];
	[bflag:$0x3] =	sbarrier.arrive $0xFFFF;
	s2 =	simm.s32 @!p0 $0x1C05  }
0x7a: {  	[timem:s3], [sflag:s2] =	dma.local @!p0 [hbm:s0], s1  }
0x7b: {  	s0 =	simm.s32 @!p0 $0x5  }
0x7c: {  	_ =	swait.ge @!p0 [sflag:s0], s1  }
0x7d: {  	s1 =	ssub.s32 @!p0 $0x0, s1;
	[sflag:s0] =	ssyncset.done @!p0 $0x0  }
0x7e: {  	[sflag:s0] =	ssyncadd.s32 @!p0 s1  }
0x7f: {  	[bflag:$0x3] =	sbarrier.arrive $0xFFFF  }
0x80: {  	_ =	shalt  }

// kernel: sc_aggregate_pass.7.cloned.1.call-start
scs
__scs_entry_jumppad:
0x0: {  	(pc) =	sbr.rel $0x88, $3  }
0x1: {  	(tag) =	ssettag $0x0;
	lr =	simm.s32 $0x1  }
0x2: {  	[smem:$0x3F9B] =	sst lr;
	_ =	strace $0xD0000000  }
0x3: {  	_ = 	snop  }
0x4: {  	_ = 	snop  }
0x5: {  	_ = 	snop  }
0x6: {  	_ = 	snop  }
0x7: {  	_ = 	snop  }
__scs_overlays_trampoline_lowered:
0x8: {  	[smem:$0x3FAA] =	sst s0  }
0x9: {  	[smem:$0x3FAB] =	sst s1  }
0xa: {  	[smem:$0x3FAC] =	sst s2  }
0xb: {  	[smem:$0x3FAD] =	sst s3  }
0xc: {  	[smem:$0x3FAE] =	sst s4  }
0xd: {  	[smem:$0x3FAF] =	sst s5  }
0xe: {  	[smem:$0x3FB0] =	sst s6  }
0xf: {  	[smem:$0x3FB1] =	sst s7  }
0x10: {  	[smem:$0x3FB2] =	sst s8  }
0x11: {  	[smem:$0x3FB3] =	sst s9;
	s0 =	simm.s32 @!p0 $0x0  }
0x12: {  	s1 =	sld [smem:$0x3F99];
	s0 =	simm.s32 @p0 $0x1  }
0x13: {  	[smem:$0x3FB4] =	sst s0;
	s0 =	simm.s32 @!p1 $0x0  }
0x14: {  	s2 =	sld [smem:$0x3F98];
	s0 =	simm.s32 @p1 $0x1  }
0x15: {  	[smem:$0x3FB5] =	sst s0;
	s0 =	simm.s32 @!p2 $0x0  }
0x16: {  	s3 =	sld [smem:$0x3FDB];
	s0 =	simm.s32 @p2 $0x1  }
0x17: {  	s4 =	simm.s32 $0x1BF5;
	[smem:$0x3FB7] =	sst s0  }
0x18: {  	s0 =	sld [smem:$0x3F9A];
	_ =	swait.ge [sflag:s4], $0x0  }
0x19: {  	s7 =	sld [smem:$0x3F9B]  }
0x1a: {  	s8 =	sadd.s32 $0xFFFFE003, lr  }
0x1b: {  	s9 =	sadd.s32 $0xFFFFFEF7, lr;
	s5 =	simm.s32 $0xFFFFFFFF;
	p2 =	slt.u32 s8, $0xFFFFF086  }
0x1c: {  	p1 =	slt.u32 s9, $0xF7A;
	s5 =	simm.s32 @!p2 $0x0  }
0x1d: {  	s5 =	simm.s32 @p1 $0x1;
	p0 =	seq.s32 s7, s2  }
0x1e: {  	s7 =	smul.u32 @!p0 $0xF7A, s2;
	p2 =	seq.s32 @!p0 s5, $0x0  }
0x1f: {  	s9 =	smul.u32 $0xF7A, s1;
	s8 =	simm.s32 @!p0 $0x1BF5;
	p2 =	por !p2, p0  }
0x20: {  	[sflag:s8] =	ssyncset.s32 @!p0 $0xFFFFF086;
	s6 =	sadd.s32 @!p0 s3, s7;
	s7 =	simm.s32 @!p0 $0x108  }
0x21: {  	s3 =	sadd.s32 s3, s9;
	s6 =	sadd.s32 @!p0 $0x88, s6;
	s7 =	simm.s32 @p2 $0x1082  }
0x22: {  	[simem:s7], [sflag:s8] =	dma.local @!p0 [hbm:s6], $0xF7A  }
0x23: {  	s9 =	sor.u32 $0xD0000000, s2;
	s6 =	simm.s32 $0x108;
	_ =	swait.ge @!p0 [sflag:s8], $0x0  }
0x24: {  	s3 =	sadd.s32 $0x88, s3;
	s6 =	simm.s32 @!p1 $0x1082;
	[sflag:s4] =	ssyncset.s32 $0xFFFFF086  }
0x25: {  	[simem:s6], [sflag:s4] =	dma.local [hbm:s3], $0xF7A  }
0x26: {  	[smem:$0x3F9B] =	sst s1;
	(tag) =	ssettag s2;
	_ =	strace s9  }
0x27: {  	s1 =	sld [smem:$0x3FAB]  }
0x28: {  	s2 =	sld [smem:$0x3FAC]  }
0x29: {  	s4 =	sld [smem:$0x3FAE]  }
0x2a: {  	p0 =	seq.s32 s5, $0x0;
	s5 =	sld [smem:$0x3FAF]  }
0x2b: {  	s6 =	sld [smem:$0x3FB0]  }
0x2c: {  	s7 =	sld [smem:$0x3FB1]  }
0x2d: {  	s3 =	simm.s32 $0x108;
	s8 =	sld [smem:$0x3FB2]  }
0x2e: {  	s3 =	simm.s32 @!p0 $0x1082;
	s9 =	sld [smem:$0x3FB3]  }
0x2f: {  	lr =	sadd.s32 s0, s3;
	s0 =	sld [smem:$0x3FAA]  }
0x30: {  	s3 =	sld [smem:$0x3FAD]  }
0x31: {  	[smem:$0x3FB6] =	sst s10  }
0x32: {  	s10 =	sld [smem:$0x3FB4];
	_ =	sdelay $0x3  }
0x33: {  	p0 =	seq.s32 s10, $0x1;
	s10 =	sld [smem:$0x3FB6];
	_ =	sdelay $0x3  }
0x34: {  	[smem:$0x3FB6] =	sst s10  }
0x35: {  	s10 =	sld [smem:$0x3FB5];
	_ =	sdelay $0x3  }
0x36: {  	p1 =	seq.s32 s10, $0x1;
	s10 =	sld [smem:$0x3FB6];
	_ =	sdelay $0x3  }
0x37: {  	[smem:$0x3FB6] =	sst s10  }
0x38: {  	s10 =	sld [smem:$0x3FB7]  }
0x39: {  	_ = 	snop;
	(pc) =	sbr.ind lr, $3  }
0x3a: {  	_ = 	snop  }
0x3b: {  	_ = 	snop  }
0x3c: {  	p2 =	seq.s32 s10, $0x1;
	s10 =	sld [smem:$0x3FB6]  }
0x3d: {  	_ =	shalt  }
0x3e: {  	_ =	shalt  }
0x3f: {  	_ =	shalt  }
0x40: {  	_ =	shalt  }
0x41: {  	_ =	shalt  }
0x42: {  	_ =	shalt  }
0x43: {  	_ =	shalt  }
0x44: {  	_ =	shalt  }
0x45: {  	_ =	shalt  }
0x46: {  	_ =	shalt  }
0x47: {  	_ =	shalt  }
0x48: {  	_ =	shalt  }
0x49: {  	_ =	shalt  }
0x4a: {  	_ =	shalt  }
0x4b: {  	_ =	shalt  }
0x4c: {  	_ =	shalt  }
0x4d: {  	_ =	shalt  }
0x4e: {  	_ =	shalt  }
0x4f: {  	_ =	shalt  }
0x50: {  	_ =	shalt  }
0x51: {  	_ =	shalt  }
0x52: {  	_ =	shalt  }
0x53: {  	_ =	shalt  }
0x54: {  	_ =	shalt  }
0x55: {  	_ =	shalt  }
0x56: {  	_ =	shalt  }
0x57: {  	_ =	shalt  }
0x58: {  	_ =	shalt  }
0x59: {  	_ =	shalt  }
0x5a: {  	_ =	shalt  }
0x5b: {  	_ =	shalt  }
0x5c: {  	_ =	shalt  }
0x5d: {  	_ =	shalt  }
0x5e: {  	_ =	shalt  }
0x5f: {  	_ =	shalt  }
0x60: {  	_ =	shalt  }
0x61: {  	_ =	shalt  }
0x62: {  	_ =	shalt  }
0x63: {  	_ =	shalt  }
0x64: {  	_ =	shalt  }
0x65: {  	_ =	shalt  }
0x66: {  	_ =	shalt  }
0x67: {  	_ =	shalt  }
0x68: {  	_ =	shalt  }
0x69: {  	_ =	shalt  }
0x6a: {  	_ =	shalt  }
0x6b: {  	_ =	shalt  }
0x6c: {  	_ =	shalt  }
0x6d: {  	_ =	shalt  }
0x6e: {  	_ =	shalt  }
0x6f: {  	_ =	shalt  }
0x70: {  	_ =	shalt  }
0x71: {  	_ =	shalt  }
0x72: {  	_ =	shalt  }
0x73: {  	_ =	shalt  }
0x74: {  	_ =	shalt  }
0x75: {  	_ =	shalt  }
0x76: {  	_ =	shalt  }
0x77: {  	_ =	shalt  }
0x78: {  	_ =	shalt  }
0x79: {  	_ =	shalt  }
0x7a: {  	_ =	shalt  }
0x7b: {  	_ =	shalt  }
0x7c: {  	_ =	shalt  }
0x7d: {  	_ =	shalt  }
0x7e: {  	_ =	shalt  }
0x7f: {  	_ =	shalt  }
0x80: {  	_ =	shalt  }
0x81: {  	_ =	shalt  }
0x82: {  	_ =	shalt  }
0x83: {  	_ =	shalt  }
0x84: {  	_ =	shalt  }
0x85: {  	_ =	shalt  }
0x86: {  	_ =	shalt  }
0x87: {  	_ =	shalt  }
.Lfunc_end0:
.L_simem_size_0:
called_computation.2_lowered:
.L_overlay_start_0:
0x88: {  	s2 =	sld [smem:$0x3FD9]  }
0x89: {  	s3 =	sld [smem:$0x3FFE];
	_ =	sdelay $0x1  }
0x8a: {  	s1 =	srdreg.scid  }
0x8b: {  	s0 =	sand.u32 $0x1, s1  }
0x8c: {  	s16 =	sshll.u32 s0, $0xA;
	s2 =	sadd.s32 s3, s2  }
0x8d: {  	s2 =	sadd.s32 s2, s16  }
0x8e: {  	[smem:$0x3FC2] =	sst s2  }
0x8f: {  	_ = 	snop  }
0x90: {  	(tm) =	ssettm $0x1  }
0x91: {  	s17 =	sld [smem:$0x3FFB];
	_ =	sdelay $0x3  }
0x92: {  	_ =	strace s17  }
0x93: {  	s2 =	sld [smem:$0x3FFC];
	_ =	sdelay $0x3  }
0x94: {  	_ =	strace s2  }
0x95: {  	s2 =	sld [smem:$0x3FFD];
	_ =	sdelay $0x3  }
0x96: {  	_ =	strace s2  }
0x97: {  	_ =	strace $0x8FFFFFFF  }
0x98: {  	s18 =	sld [smem:$0x3FDB];
	_ =	sdelay $0x1  }
0x99: {  	s19 =	simm.s32 $_scs_section_size  }
0x9a: {  	s4 =	simm.s32 $_size__tile_overlayer_lowered;
	s5 =	simm.s32 $_tile_overlayer_lowered  }
0x9b: {  	s22 =	simm.s32 $0x1BFF;
	s21 =	sshll.u32 s5, $0x1;
	s2 =	sadd.s32 s19, s18  }
0x9c: {  	s6 =	simm.s32 $0x0;
	s20 =	sshll.u32 s4, $0x1;
	s4 =	sadd.s32 s21, s2  }
0x9d: {  	[timem:s6], [sflag:s22] =	dma.local [hbm:s4], s20  }
0x9e: {  	_ =	swait.ge [sflag:s22], s20  }
0x9f: {  	s3 =	ssub.s32 $0x0, s20;
	[sflag:s22] =	ssyncset.done $0x0  }
0xa0: {  	[sflag:s22] =	ssyncadd.s32 s3;
	_ =	sdelay $0x1  }
0xa1: {  	s23 =	simm.s32 $0x1B8B  }
0xa2: {  	_ =	swait.ge [sflag:s23], $0x1  }
0xa3: {  	[sflag:s23] =	ssyncset.done $0x0  }
0xa4: {  	s25 =	simm.s32 $0x1B8E;
	s24 =	sld [smem:$0x3FFE];
	[sflag:s23] =	ssyncadd.s32 $0xFFFFFFFF  }
0xa5: {  	s26 =	simm.s32 $execute0_lowered;
	[smem:$0x3FD2] =	sst s25  }
0xa6: {  	s4 =	sshll.u32 s26, $0x1;
	_ =	strace $0x8000004C;
	[dreg:$0x1] =	wrdreg $0xFFFFFFFF  }
0xa7: {  	s28 =	simm.s32 $_size_execute0_lowered;
	s2 =	sadd.s32 s2, s4;
	[dreg:$0x0] =	wrdreg $0x0  }
0xa8: {  	s4 =	sshll.u32 s28, $0x1;
	[dreg:$0x2] =	wrdreg s2  }
0xa9: {  	[dreg:$0x3] =	wrdreg s4  }
0xaa: {  	[dreg:$0x4] =	wrdreg $0xC0  }
0xab: {  	_ =	task [dreg:s6], $0x5FFFF  }
0xac: {  	[dreg:$0x1] =	wrdreg $0xFFFFFFFF  }
0xad: {  	[dreg:$0x0] =	wrdreg $0x60  }
0xae: {  	[dreg:$0x2] =	wrdreg s24  }
0xaf: {  	[dreg:$0x3] =	wrdreg $0x1D8800  }
0xb0: {  	[dreg:$0x4] =	wrdreg $0x9  }
0xb1: {  	_ =	task.clear_ibuf [dreg:s6], $0x5FFFF;
	_ =	strace $0x9000004C  }
0xb2: {  	s29 =	simm.s32 $0x9;
	_ =	strace $0x8000004E  }
0xb3: {  	_ =	swait.ge [sflag:s29], $0x1  }
0xb4: {  	[sflag:s29] =	ssyncadd.s32 $0xFFFFFFFF  }
0xb5: {  	_ =	strace $0x9000004E  }
0xb6: {  	_ =	sfence  }
0xb7: {  	s30 =	sld [smem:$0x0];
	_ =	sdelay $0x2  }
0xb8: {  	s31 =	sshll.u32 s1, $0xD;
	s1 =	sshrl.u32 s1, $0x2  }
0xb9: {  	s3 =	sand.u32 $0x4000, s31;
	s1 =	sadd.s32 s1, s30  }
0xba: {  	s0 =	sor.u32 s3, s0;
	s1 =	sshll.u32 s1, $0x11  }
0xbb: {  	s0 =	sor.u32 s1, s0  }
0xbc: {  	s0 =	sadd.s32 $0x8F2B, s0  }
0xbd: {  	[sflag:s0] =	ssyncadd.remote.s32 $0x1  }
0xbe: {  	_ =	sfence.sel $0xFFFF  }
0xbf: {  	[dreg:$0x0] =	wrdreg $0xFFFFFFFF;
	(pc) =	sbr.abs _section_cstart, $3  }
0xc0: {  	[dreg:$0x1] =	wrdreg $0xFFFFFFFF  }
0xc1: {  	_ =	task.clear_ibuf [dreg:s6], $0x2FFFF;
	_ =	strace $0x9FFFFFFF  }
0xc2: {  	(tm) =	ssettm $0x7FFFFFFF  }
0xc3: {  	_ =	shalt  }
tec
execute0_lowered:
.L_overlay_start_1:
0x0: {  	(tag) =	ssettag $0x1  }
0x1: {  	s7 =	rddreg [dreg:$0x0]  }
0x2: {  	s2 =	rddreg [dreg:$0x1]  }
0x3: {  	s0 =	rddreg [dreg:$0x2];
	s3 =	simm.s32 $0x0;
	s4 =	srdreg.scid  }
0x4: {  	s1 =	stileid.u32;
	s13 =	simm.s32 $0x1;
	s16 =	simm.s32 $0x1CC00  }
0x5: {  	s17 =	simm.s32 $0x5;
	s18 =	simm.s32 $0x19000;
	s19 =	simm.s32 $0x1A400  }
0x6: {  	s20 =	simm.s32 $0xA00;
	s21 =	simm.s32 $0x0;
	[smem:$0x7FF] =	sst s3  }
0x7: {  	s8 =	sand.u32 $0x1, s4;
	s9 =	smul.u32 $0x1900, s1;
	s4 =	sadd.s32 $0xC5800, s7  }
0x8: {  	s5 =	sadd.s32 $0x2200, s7;
	s6 =	sadd.s32 $0x188E00, s7;
	s10 =	smul.u32 $0x19000, s8  }
0x9: {  	_ =	strace $0x8000004D;
	s11 =	sshll.u32 s8, $0x4;
	s8 =	ssub.s32 $0x2, s8  }
0xa: {  	s11 =	sor.u32 s1, s11;
	s30 =	sshrl.u32 s8, $0x1;
	s10 =	sadd.s32 s9, s10  }
0xb: {  	s12 =	smul.u32 $0x4E, s11;
	s31 =	smin.u32 s11, $0x4;
	s15 =	ssub.s32 s8, s30  }
0xc: {  	p0 =	sgt.u32 s11, $0x3;
	s8 =	simm.s32 $0x4E;
	s10 =	sshrl.u32 s10, $0x3  }
0xd: {  	s9 =	sadd.s32 s9, s2;
	s14 =	sadd.s32 s10, s7;
	s7 =	sadd.s32 s31, s12  }
0xe: {  	s8 =	simm.s32 @!p0 $0x4F;
	s13 =	simm.s32 @!p0 $0x0;
	s12 =	smul.u32 $0x140, s7  }
0xf: {  	s15 =	smax.u32 s15, $0x1;
	s10 =	sadd.s32 $0xC80, s9;
	s13 =	sadd.s32 $0x3, s13  }
0x10: {  	v0 =	vimm.f32 $0.0e+00;
	s14 =	sadd.s32 $0x18C000, s14;
	s11 =	sadd.s32 s4, s12;
	s12 =	sadd.s32 s5, s12  }
.LBB2_1:
0x11: {  	s22 =	simm.s32 $0x1CC40  }
0x12: {  	[tilespmem:s22+$0xFFFFFFC0] =	vst v0  }
0x13: {  	[tilespmem:s22+$0x30] =	vst v0  }
0x14: {  	[tilespmem:s22+$0x20] =	vst v0  }
0x15: {  	[tilespmem:s22+$0x10] =	vst v0  }
0x16: {  	[tilespmem:s22+$0x0] =	vst v0  }
0x17: {  	[tilespmem:s22+$0xFFFFFFF0] =	vst v0  }
0x18: {  	s23 =	simm.s32 $0x0;
	[tilespmem:s22+$0xFFFFFFE0] =	vst v0  }
.LBB2_2:
0x19: {  	s23 =	sadd.s32 $0x8, s23;
	[tilespmem:s22+$0xFFFFFFD0] =	vst v0;
	s22 =	sadd.s32 $0x80, s22  }
0x1a: {  	[tilespmem:s22+$0xFFFFFFC0] =	vst v0;
	p0 =	slt.u32 s23, $0xC0  }
0x1b: {  	[tilespmem:s22+$0x30] =	vst v0  }
.Ltmp0:
0x1c: {  	[tilespmem:s22+$0x20] =	vst v0;
	(pc) =	sbr.rel @p0 .LBB2_2-.Ltmp0, $4  }
0x1d: {  	[tilespmem:s22+$0x10] =	vst v0  }
0x1e: {  	[tilespmem:s22+$0x0] =	vst v0  }
0x1f: {  	[tilespmem:s22+$0xFFFFFFF0] =	vst v0  }
0x20: {  	[tilespmem:s22+$0xFFFFFFE0] =	vst v0  }
0x21: {  	[tilespmem:s22+$0xFFFFFFD0] =	vst v0  }
0x22: {  	[spmem:s9] =	stream.linear.scatter [tilespmem:s16], [sflag:$0x5], $0xC80, $0x38;
	[tilespmem:$0x1F180] =	vst v63  }
0x23: {  	_ =	swait.ge [sflag:s17], $0xC80  }
0x24: {  	[sflag:s17] =	ssyncset.done $0x0  }
0x25: {  	[sflag:s17] =	ssyncadd.s32 $0xFFFFF380  }
0x26: {  	[spmem:s10] =	stream.linear.scatter [tilespmem:s16], [sflag:$0x5], $0xC80, $0x38;
	[tilespmem:$0x1F180] =	vst v63  }
0x27: {  	_ =	swait.ge [sflag:s17], $0xC80  }
0x28: {  	[sflag:s17] =	ssyncset.done $0x0  }
0x29: {  	s22 =	simm.s32 $0x0;
	[sflag:s17] =	ssyncadd.s32 $0xFFFFF380  }
0x2a: {  	[tilespmem:s18], [sflag:$0x1] =	stream.linear.gather [hbm4b:s11+s22], $0xA00, $0x38;
	[tilespmem:$0x1F180] =	vst v63  }
0x2b: {  	_ = 	snop  }
0x2c: {  	[tilespmem:s19], [sflag:$0x1] =	stream.linear.gather [hbm4b:s12+s22], $0xA00, $0x38;
	[tilespmem:$0x1F180] =	vst v63  }
0x2d: {  	_ = 	snop  }
0x2e: {  	[tilespmem:s22], [sflag:$0x5] =	stream.linear.gather [hbm4b:s6+s22], $0x19000, $0x38;
	[tilespmem:$0x1F180] =	vst v63  }
0x2f: {  	_ =	swait.ge [sflag:s17], $0x19000  }
0x30: {  	[sflag:s17] =	ssyncset.done $0x0  }
0x31: {  	[sflag:s17] =	ssyncadd.s32 $0xFFFE7000  }
0x32: {  	p0 =	por $0x0, $0x0;
	[bflag:$0x0] =	sbarrier.arrive $0xFFFF  }
.LBB2_4:
0x33: {  	s23 =	sand.u32 $0x1, s22;
	p1 =	seq.s32 s22, $0x0;
	s22 =	sadd.s32 $0x1, s22  }
0x34: {  	s24 =	sxor.u32 $0x1, s23;
	p2 =	sge.u32 s22, s8  }
0x35: {  	s25 =	sadd.s32 @!p1 $0x3, s24;
	s26 =	sadd.s32 @!p2 s7, s22;
	s28 =	smul.u32 @!p2 $0xA00, s24  }
0x36: {  	_ =	swait.ge @!p1 [sflag:s25], $0xA00;
	s26 =	smul.u32 @!p2 $0x140, s26  }
0x37: {  	s24 =	sadd.s32 @!p2 $0x1, s24;
	s30 =	simm.s32 @!p2 $0x0;
	[sflag:s25] =	ssyncset.done @!p1 $0x0  }
0x38: {  	[sflag:s25] =	ssyncadd.s32 @!p1 $0xFFFFF600;
	s25 =	sor.u32 @!p2 $0x19000, s28;
	s29 =	sadd.s32 @!p2 s4, s26  }
0x39: {  	[tilespmem:s25], [sflag:s24] =	stream.linear.gather @!p2 [hbm4b:s29+s30], $0xA00, $0x38;
	[tilespmem:$0x1F180] =	vst v63  }
0x3a: {  	s31 =	sadd.s32 $0x1, s23;
	s26 =	sadd.s32 @!p2 s5, s26;
	s25 =	sadd.s32 @!p2 $0x1A400, s28  }
0x3b: {  	[tilespmem:s25], [sflag:s24] =	stream.linear.gather @!p2 [hbm4b:s26+s30], $0xA00, $0x38;
	[tilespmem:$0x1F180] =	vst v63  }
0x3c: {  	s25 =	simm.s32 $0x1;
	_ =	swait.ge [sflag:s31], $0xA00  }
0x3d: {  	s25 =	simm.s32 @!p0 $0x0;
	[sflag:s31] =	ssyncset.done $0x0  }
0x3e: {  	s25 =	smul.u32 $0x2800, s25;
	[sflag:s31] =	ssyncadd.s32 $0xFFFFF600  }
0x3f: {  	_ =	swait.ge [sflag:s31], $0xA00  }
0x40: {  	s25 =	sshrl.u32 s25, $0x2;
	[sflag:s31] =	ssyncset.done $0x0  }
0x41: {  	s28 =	sor.u32 $0x19040, s25;
	[sflag:s31] =	ssyncadd.s32 $0xFFFFF600  }
0x42: {  	v1 =	vld [tilespmem:s28+$0x30]  }
0x43: {  	v2 =	vld [tilespmem:s28+$0xFFFFFFD0]  }
0x44: {  	v3 =	vld [tilespmem:s28+$0xFFFFFFE0]  }
0x45: {  	v4 =	vld [tilespmem:s28+$0xFFFFFFF0]  }
0x46: {  	v6 =	vld [tilespmem:s28+$0x0]  }
0x47: {  	v7 =	vld [tilespmem:s28+$0x10]  }
0x48: {  	v8 =	vld [tilespmem:s28+$0x20]  }
0x49: {  	v9 =	vld [tilespmem:s28+$0xFFFFFFC0]  }
0x4a: {  	v10 =	vld.idx.msk [tilespmem:v1+s3+$0x0], $0xffff  }
0x4b: {  	v11 =	vld.idx.msk [tilespmem:v2+s3+$0x0], $0xffff  }
0x4c: {  	v5 =	vld.idx.msk [tilespmem:v3+s3+$0x0], $0xffff  }
0x4d: {  	v4 =	vld.idx.msk [tilespmem:v4+s3+$0x0], $0xffff  }
0x4e: {  	v1 =	vld.idx.msk [tilespmem:v6+s3+$0x0], $0xffff  }
0x4f: {  	s24 =	sadd.s32 $0x1B840, s25;
	v2 =	vld.idx.msk [tilespmem:v7+s3+$0x0], $0xffff  }
0x50: {  	v3 =	vld.idx.msk [tilespmem:v8+s3+$0x0], $0xffff;
	[tilespmem:s24+$0x30] =	vst v10  }
0x51: {  	s26 =	simm.s32 $0x0;
	s25 =	smul.u32 $0xA00, s23;
	s28 =	sadd.s32 $0x80, s28;
	v6 =	vld.idx.msk [tilespmem:v9+s3+$0x0], $0xffff;
	[tilespmem:s24+$0xFFFFFFD0] =	vst v11  }
.LBB2_5:
0x52: {  	v7 =	vld [tilespmem:s28+$0x30];
	s26 =	sadd.s32 $0x8, s26;
	[tilespmem:s24+$0xFFFFFFE0] =	vst v5  }
0x53: {  	v5 =	vld [tilespmem:s28+$0xFFFFFFD0];
	p1 =	slt.u32 s26, $0x98;
	[tilespmem:s24+$0xFFFFFFF0] =	vst v4  }
0x54: {  	v4 =	vld [tilespmem:s28+$0xFFFFFFE0];
	[tilespmem:s24+$0x0] =	vst v1  }
0x55: {  	v1 =	vld [tilespmem:s28+$0xFFFFFFF0];
	[tilespmem:s24+$0x10] =	vst v2  }
0x56: {  	v2 =	vld [tilespmem:s28+$0x0];
	[tilespmem:s24+$0x20] =	vst v3  }
0x57: {  	v3 =	vld [tilespmem:s28+$0x10];
	[tilespmem:s24+$0xFFFFFFC0] =	vst v6  }
0x58: {  	v6 =	vld [tilespmem:s28+$0x20]  }
0x59: {  	v8 =	vld [tilespmem:s28+$0xFFFFFFC0]  }
0x5a: {  	v7 =	vld.idx.msk [tilespmem:v7+s3+$0x0], $0xffff  }
0x5b: {  	v9 =	vld.idx.msk [tilespmem:v5+s3+$0x0], $0xffff  }
0x5c: {  	v5 =	vld.idx.msk [tilespmem:v4+s3+$0x0], $0xffff  }
.Ltmp1:
0x5d: {  	v4 =	vld.idx.msk [tilespmem:v1+s3+$0x0], $0xffff;
	(pc) =	sbr.rel @p1 .LBB2_5-.Ltmp1, $4  }
0x5e: {  	v1 =	vld.idx.msk [tilespmem:v2+s3+$0x0], $0xffff  }
0x5f: {  	s24 =	sadd.s32 $0x80, s24;
	v2 =	vld.idx.msk [tilespmem:v3+s3+$0x0], $0xffff  }
0x60: {  	v3 =	vld.idx.msk [tilespmem:v6+s3+$0x0], $0xffff;
	[tilespmem:s24+$0x30] =	vst v7  }
0x61: {  	s28 =	sadd.s32 $0x80, s28;
	v6 =	vld.idx.msk [tilespmem:v8+s3+$0x0], $0xffff;
	[tilespmem:s24+$0xFFFFFFD0] =	vst v9  }
0x62: {  	[tilespmem:s24+$0xFFFFFFE0] =	vst v5  }
0x63: {  	[tilespmem:s24+$0xFFFFFFF0] =	vst v4;
	p1 =	sne.s32 s22, s8  }
.Ltmp2:
0x64: {  	[tilespmem:s24+$0x0] =	vst v1;
	(pc) =	sbr.rel @p1 .LBB2_4-.Ltmp2, $4  }
0x65: {  	[tilespmem:s24+$0x10] =	vst v2  }
0x66: {  	s30 =	sadd.s32 $0x1A400, s25;
	[tilespmem:s24+$0x20] =	vst v3  }
0x67: {  	s31 =	sadd.s32 $0x1B800, s25;
	s23 =	sadd.s32 $0x3, s23;
	p0 =	por !p0, !p0;
	[tilespmem:s24+$0xFFFFFFC0] =	vst v6  }
0x68: {  	[spmem:s2] =	stream.indirect.scatter.add.f32 [tilespmem:s31], [sflag:s23], $0x1, s30, s20, $0xb8;
	[tilespmem:$0x1F180] =	vst v63  }
0x69: {  	_ =	swait.ge [sflag:s13], $0xA00  }
0x6a: {  	s22 =	sshll.u32 s1, $0x6;
	s21 =	sadd.s32 $0x1, s21;
	[sflag:s13] =	ssyncset.done $0x0  }
0x6b: {  	s23 =	sshrl.u32 s9, $0x3;
	p0 =	sne.s32 s21, s15;
	[sflag:s13] =	ssyncadd.s32 $0xFFFFF600  }
.Ltmp3:
0x6c: {  	s22 =	sor.u32 $0x1C05, s22;
	[bflag:$0x0] =	sbarrier.arrive $0xFFFF;
	(pc) =	sbr.rel @p0 .LBB2_1-.Ltmp3, $4  }
0x6d: {  	[hbm:s14], [sflag:s22] =	dma.local [spmem:s23], $0x320  }
0x6e: {  	_ =	swait.ge [sflag:s17], $0x320  }
0x6f: {  	[sflag:s17] =	ssyncset.done $0x0  }
0x70: {  	[sflag:s17] =	ssyncadd.s32 $0xFFFFFCE0  }
0x71: {  	_ =	sfence.sel $0x180000  }
0x72: {  	[bflag:$0x0] =	sbarrier.arrive $0xFFFF  }
0x73: {  	p0 =	sne.s32 s1, $0x0;
	_ =	strace $0x9000004D  }
0x74: {  	s0 =	sadd.s32 @!p0 $0x100000, s0;
	[bflag:$0x2] =	sbarrier.arrive $0xFFFF  }
0x75: {  	[sflag:s0] =	ssyncadd.tile.s32 @!p0 $0x1;
	_ =	shalt  }
.Lfunc_end2:
_tile_overlayer_lowered:
.L_overlay_start_2:
0x76: {  	(tag) =	ssettag $0x2  }
0x77: {  	s0 =	rddreg [dreg:$0x0];
	s2 =	stileid.u32  }
0x78: {  	s1 =	rddreg [dreg:$0x1];
	p0 =	sne.s32 s2, $0x0  }
0x79: {  	s3 =	rddreg [dreg:$0x2];
	[bflag:$0x3] =	sbarrier.arrive $0xFFFF;
	s2 =	simm.s32 @!p0 $0x1C05  }
0x7a: {  	[timem:s3], [sflag:s2] =	dma.local @!p0 [hbm:s0], s1  }
0x7b: {  	s0 =	simm.s32 @!p0 $0x5  }
0x7c: {  	_ =	swait.ge @!p0 [sflag:s0], s1  }
0x7d: {  	s1 =	ssub.s32 @!p0 $0x0, s1;
	[sflag:s0] =	ssyncset.done @!p0 $0x0  }
0x7e: {  	[sflag:s0] =	ssyncadd.s32 @!p0 s1  }
0x7f: {  	[bflag:$0x3] =	sbarrier.arrive $0xFFFF  }
0x80: {  	_ =	shalt  }

// kernel: sc_degree_pass.3.cloned.1.call-start
scs
__scs_entry_jumppad:
0x0: {  	(pc) =	sbr.rel $0x88, $3  }
0x1: {  	(tag) =	ssettag $0x0;
	lr =	simm.s32 $0x1  }
0x2: {  	[smem:$0x3F9B] =	sst lr;
	_ =	strace $0xD0000000  }
0x3: {  	_ = 	snop  }
0x4: {  	_ = 	snop  }
0x5: {  	_ = 	snop  }
0x6: {  	_ = 	snop  }
0x7: {  	_ = 	snop  }
__scs_overlays_trampoline_lowered:
0x8: {  	[smem:$0x3FAA] =	sst s0  }
0x9: {  	[smem:$0x3FAB] =	sst s1  }
0xa: {  	[smem:$0x3FAC] =	sst s2  }
0xb: {  	[smem:$0x3FAD] =	sst s3  }
0xc: {  	[smem:$0x3FAE] =	sst s4  }
0xd: {  	[smem:$0x3FAF] =	sst s5  }
0xe: {  	[smem:$0x3FB0] =	sst s6  }
0xf: {  	[smem:$0x3FB1] =	sst s7  }
0x10: {  	[smem:$0x3FB2] =	sst s8  }
0x11: {  	[smem:$0x3FB3] =	sst s9;
	s0 =	simm.s32 @!p0 $0x0  }
0x12: {  	s1 =	sld [smem:$0x3F99];
	s0 =	simm.s32 @p0 $0x1  }
0x13: {  	[smem:$0x3FB4] =	sst s0;
	s0 =	simm.s32 @!p1 $0x0  }
0x14: {  	s2 =	sld [smem:$0x3F98];
	s0 =	simm.s32 @p1 $0x1  }
0x15: {  	[smem:$0x3FB5] =	sst s0;
	s0 =	simm.s32 @!p2 $0x0  }
0x16: {  	s3 =	sld [smem:$0x3FDB];
	s0 =	simm.s32 @p2 $0x1  }
0x17: {  	s4 =	simm.s32 $0x1BF5;
	[smem:$0x3FB7] =	sst s0  }
0x18: {  	s0 =	sld [smem:$0x3F9A];
	_ =	swait.ge [sflag:s4], $0x0  }
0x19: {  	s7 =	sld [smem:$0x3F9B]  }
0x1a: {  	s8 =	sadd.s32 $0xFFFFE003, lr  }
0x1b: {  	s9 =	sadd.s32 $0xFFFFFEF7, lr;
	s5 =	simm.s32 $0xFFFFFFFF;
	p2 =	slt.u32 s8, $0xFFFFF086  }
0x1c: {  	p1 =	slt.u32 s9, $0xF7A;
	s5 =	simm.s32 @!p2 $0x0  }
0x1d: {  	s5 =	simm.s32 @p1 $0x1;
	p0 =	seq.s32 s7, s2  }
0x1e: {  	s7 =	smul.u32 @!p0 $0xF7A, s2;
	p2 =	seq.s32 @!p0 s5, $0x0  }
0x1f: {  	s9 =	smul.u32 $0xF7A, s1;
	s8 =	simm.s32 @!p0 $0x1BF5;
	p2 =	por !p2, p0  }
0x20: {  	[sflag:s8] =	ssyncset.s32 @!p0 $0xFFFFF086;
	s6 =	sadd.s32 @!p0 s3, s7;
	s7 =	simm.s32 @!p0 $0x108  }
0x21: {  	s3 =	sadd.s32 s3, s9;
	s6 =	sadd.s32 @!p0 $0x88, s6;
	s7 =	simm.s32 @p2 $0x1082  }
0x22: {  	[simem:s7], [sflag:s8] =	dma.local @!p0 [hbm:s6], $0xF7A  }
0x23: {  	s9 =	sor.u32 $0xD0000000, s2;
	s6 =	simm.s32 $0x108;
	_ =	swait.ge @!p0 [sflag:s8], $0x0  }
0x24: {  	s3 =	sadd.s32 $0x88, s3;
	s6 =	simm.s32 @!p1 $0x1082;
	[sflag:s4] =	ssyncset.s32 $0xFFFFF086  }
0x25: {  	[simem:s6], [sflag:s4] =	dma.local [hbm:s3], $0xF7A  }
0x26: {  	[smem:$0x3F9B] =	sst s1;
	(tag) =	ssettag s2;
	_ =	strace s9  }
0x27: {  	s1 =	sld [smem:$0x3FAB]  }
0x28: {  	s2 =	sld [smem:$0x3FAC]  }
0x29: {  	s4 =	sld [smem:$0x3FAE]  }
0x2a: {  	p0 =	seq.s32 s5, $0x0;
	s5 =	sld [smem:$0x3FAF]  }
0x2b: {  	s6 =	sld [smem:$0x3FB0]  }
0x2c: {  	s7 =	sld [smem:$0x3FB1]  }
0x2d: {  	s3 =	simm.s32 $0x108;
	s8 =	sld [smem:$0x3FB2]  }
0x2e: {  	s3 =	simm.s32 @!p0 $0x1082;
	s9 =	sld [smem:$0x3FB3]  }
0x2f: {  	lr =	sadd.s32 s0, s3;
	s0 =	sld [smem:$0x3FAA]  }
0x30: {  	s3 =	sld [smem:$0x3FAD]  }
0x31: {  	[smem:$0x3FB6] =	sst s10  }
0x32: {  	s10 =	sld [smem:$0x3FB4];
	_ =	sdelay $0x3  }
0x33: {  	p0 =	seq.s32 s10, $0x1;
	s10 =	sld [smem:$0x3FB6];
	_ =	sdelay $0x3  }
0x34: {  	[smem:$0x3FB6] =	sst s10  }
0x35: {  	s10 =	sld [smem:$0x3FB5];
	_ =	sdelay $0x3  }
0x36: {  	p1 =	seq.s32 s10, $0x1;
	s10 =	sld [smem:$0x3FB6];
	_ =	sdelay $0x3  }
0x37: {  	[smem:$0x3FB6] =	sst s10  }
0x38: {  	s10 =	sld [smem:$0x3FB7]  }
0x39: {  	_ = 	snop;
	(pc) =	sbr.ind lr, $3  }
0x3a: {  	_ = 	snop  }
0x3b: {  	_ = 	snop  }
0x3c: {  	p2 =	seq.s32 s10, $0x1;
	s10 =	sld [smem:$0x3FB6]  }
0x3d: {  	_ =	shalt  }
0x3e: {  	_ =	shalt  }
0x3f: {  	_ =	shalt  }
0x40: {  	_ =	shalt  }
0x41: {  	_ =	shalt  }
0x42: {  	_ =	shalt  }
0x43: {  	_ =	shalt  }
0x44: {  	_ =	shalt  }
0x45: {  	_ =	shalt  }
0x46: {  	_ =	shalt  }
0x47: {  	_ =	shalt  }
0x48: {  	_ =	shalt  }
0x49: {  	_ =	shalt  }
0x4a: {  	_ =	shalt  }
0x4b: {  	_ =	shalt  }
0x4c: {  	_ =	shalt  }
0x4d: {  	_ =	shalt  }
0x4e: {  	_ =	shalt  }
0x4f: {  	_ =	shalt  }
0x50: {  	_ =	shalt  }
0x51: {  	_ =	shalt  }
0x52: {  	_ =	shalt  }
0x53: {  	_ =	shalt  }
0x54: {  	_ =	shalt  }
0x55: {  	_ =	shalt  }
0x56: {  	_ =	shalt  }
0x57: {  	_ =	shalt  }
0x58: {  	_ =	shalt  }
0x59: {  	_ =	shalt  }
0x5a: {  	_ =	shalt  }
0x5b: {  	_ =	shalt  }
0x5c: {  	_ =	shalt  }
0x5d: {  	_ =	shalt  }
0x5e: {  	_ =	shalt  }
0x5f: {  	_ =	shalt  }
0x60: {  	_ =	shalt  }
0x61: {  	_ =	shalt  }
0x62: {  	_ =	shalt  }
0x63: {  	_ =	shalt  }
0x64: {  	_ =	shalt  }
0x65: {  	_ =	shalt  }
0x66: {  	_ =	shalt  }
0x67: {  	_ =	shalt  }
0x68: {  	_ =	shalt  }
0x69: {  	_ =	shalt  }
0x6a: {  	_ =	shalt  }
0x6b: {  	_ =	shalt  }
0x6c: {  	_ =	shalt  }
0x6d: {  	_ =	shalt  }
0x6e: {  	_ =	shalt  }
0x6f: {  	_ =	shalt  }
0x70: {  	_ =	shalt  }
0x71: {  	_ =	shalt  }
0x72: {  	_ =	shalt  }
0x73: {  	_ =	shalt  }
0x74: {  	_ =	shalt  }
0x75: {  	_ =	shalt  }
0x76: {  	_ =	shalt  }
0x77: {  	_ =	shalt  }
0x78: {  	_ =	shalt  }
0x79: {  	_ =	shalt  }
0x7a: {  	_ =	shalt  }
0x7b: {  	_ =	shalt  }
0x7c: {  	_ =	shalt  }
0x7d: {  	_ =	shalt  }
0x7e: {  	_ =	shalt  }
0x7f: {  	_ =	shalt  }
0x80: {  	_ =	shalt  }
0x81: {  	_ =	shalt  }
0x82: {  	_ =	shalt  }
0x83: {  	_ =	shalt  }
0x84: {  	_ =	shalt  }
0x85: {  	_ =	shalt  }
0x86: {  	_ =	shalt  }
0x87: {  	_ =	shalt  }
.Lfunc_end0:
.L_simem_size_0:
called_computation_lowered:
.L_overlay_start_0:
0x88: {  	s2 =	sld [smem:$0x3FD9]  }
0x89: {  	s3 =	sld [smem:$0x3FFE];
	_ =	sdelay $0x1  }
0x8a: {  	s1 =	srdreg.scid  }
0x8b: {  	s0 =	sand.u32 $0x1, s1  }
0x8c: {  	s16 =	sshll.u32 s0, $0xA;
	s2 =	sadd.s32 s3, s2  }
0x8d: {  	s2 =	sadd.s32 s2, s16  }
0x8e: {  	[smem:$0x3FC2] =	sst s2  }
0x8f: {  	_ = 	snop  }
0x90: {  	(tm) =	ssettm $0x1  }
0x91: {  	s17 =	sld [smem:$0x3FFB];
	_ =	sdelay $0x3  }
0x92: {  	_ =	strace s17  }
0x93: {  	s2 =	sld [smem:$0x3FFC];
	_ =	sdelay $0x3  }
0x94: {  	_ =	strace s2  }
0x95: {  	s2 =	sld [smem:$0x3FFD];
	_ =	sdelay $0x3  }
0x96: {  	_ =	strace s2  }
0x97: {  	_ =	strace $0x8FFFFFFF  }
0x98: {  	s18 =	sld [smem:$0x3FDB];
	_ =	sdelay $0x1  }
0x99: {  	s19 =	simm.s32 $_scs_section_size  }
0x9a: {  	s4 =	simm.s32 $_size__tile_overlayer_lowered;
	s5 =	simm.s32 $_tile_overlayer_lowered  }
0x9b: {  	s22 =	simm.s32 $0x1BFF;
	s21 =	sshll.u32 s5, $0x1;
	s2 =	sadd.s32 s19, s18  }
0x9c: {  	s6 =	simm.s32 $0x0;
	s20 =	sshll.u32 s4, $0x1;
	s4 =	sadd.s32 s21, s2  }
0x9d: {  	[timem:s6], [sflag:s22] =	dma.local [hbm:s4], s20  }
0x9e: {  	_ =	swait.ge [sflag:s22], s20  }
0x9f: {  	s3 =	ssub.s32 $0x0, s20;
	[sflag:s22] =	ssyncset.done $0x0  }
0xa0: {  	[sflag:s22] =	ssyncadd.s32 s3;
	_ =	sdelay $0x1  }
0xa1: {  	s23 =	simm.s32 $0x1B8B  }
0xa2: {  	_ =	swait.ge [sflag:s23], $0x1  }
0xa3: {  	[sflag:s23] =	ssyncset.done $0x0  }
0xa4: {  	s25 =	simm.s32 $0x1B8E;
	s24 =	sld [smem:$0x3FFE];
	[sflag:s23] =	ssyncadd.s32 $0xFFFFFFFF  }
0xa5: {  	s26 =	simm.s32 $execute0_lowered;
	[smem:$0x3FD2] =	sst s25  }
0xa6: {  	s4 =	sshll.u32 s26, $0x1;
	_ =	strace $0x80000046;
	[dreg:$0x1] =	wrdreg $0xFFFFFFFF  }
0xa7: {  	s28 =	simm.s32 $_size_execute0_lowered;
	s2 =	sadd.s32 s2, s4;
	[dreg:$0x0] =	wrdreg $0x0  }
0xa8: {  	s4 =	sshll.u32 s28, $0x1;
	[dreg:$0x2] =	wrdreg s2  }
0xa9: {  	[dreg:$0x3] =	wrdreg s4  }
0xaa: {  	[dreg:$0x4] =	wrdreg $0xC0  }
0xab: {  	_ =	task [dreg:s6], $0x5FFFF  }
0xac: {  	[dreg:$0x1] =	wrdreg $0xFFFFFFFF  }
0xad: {  	[dreg:$0x0] =	wrdreg $0x60  }
0xae: {  	[dreg:$0x2] =	wrdreg s24  }
0xaf: {  	[dreg:$0x3] =	wrdreg $0x34800  }
0xb0: {  	[dreg:$0x4] =	wrdreg $0x9  }
0xb1: {  	_ =	task.clear_ibuf [dreg:s6], $0x5FFFF;
	_ =	strace $0x90000046  }
0xb2: {  	s29 =	simm.s32 $0x9;
	_ =	strace $0x80000048  }
0xb3: {  	_ =	swait.ge [sflag:s29], $0x1  }
0xb4: {  	[sflag:s29] =	ssyncadd.s32 $0xFFFFFFFF  }
0xb5: {  	_ =	strace $0x90000048  }
0xb6: {  	_ =	sfence  }
0xb7: {  	s30 =	sld [smem:$0x0];
	_ =	sdelay $0x2  }
0xb8: {  	s31 =	sshll.u32 s1, $0xD;
	s1 =	sshrl.u32 s1, $0x2  }
0xb9: {  	s3 =	sand.u32 $0x4000, s31;
	s1 =	sadd.s32 s1, s30  }
0xba: {  	s0 =	sor.u32 s3, s0;
	s1 =	sshll.u32 s1, $0x11  }
0xbb: {  	s0 =	sor.u32 s1, s0  }
0xbc: {  	s0 =	sadd.s32 $0x8F2B, s0  }
0xbd: {  	[sflag:s0] =	ssyncadd.remote.s32 $0x1  }
0xbe: {  	_ =	sfence.sel $0xFFFF  }
0xbf: {  	[dreg:$0x0] =	wrdreg $0xFFFFFFFF;
	(pc) =	sbr.abs _section_cstart, $3  }
0xc0: {  	[dreg:$0x1] =	wrdreg $0xFFFFFFFF  }
0xc1: {  	_ =	task.clear_ibuf [dreg:s6], $0x2FFFF;
	_ =	strace $0x9FFFFFFF  }
0xc2: {  	(tm) =	ssettm $0x7FFFFFFF  }
0xc3: {  	_ =	shalt  }
tec
execute0_lowered:
.L_overlay_start_1:
0x0: {  	(tag) =	ssettag $0x1  }
0x1: {  	s4 =	rddreg [dreg:$0x0]  }
0x2: {  	s2 =	rddreg [dreg:$0x1]  }
0x3: {  	s0 =	rddreg [dreg:$0x2];
	s1 =	stileid.u32  }
0x4: {  	s5 =	srdreg.scid;
	s3 =	simm.s32 $0x0;
	s23 =	smul.u32 $0x1900, s1  }
0x5: {  	s18 =	simm.s32 $0x0;
	s8 =	sand.u32 $0x1, s5;
	s28 =	smul.u32 $0x6180, s1  }
0x6: {  	[smem:$0x7FF] =	sst s3;
	s11 =	sadd.s32 $0x2200, s4;
	s6 =	smul.u32 $0x19000, s8  }
0x7: {  	_ =	strace $0x80000047;
	s7 =	sshll.u32 s8, $0x4;
	s9 =	ssub.s32 $0x2, s8  }
0x8: {  	s16 =	smul.u32 $0x61800, s8;
	s8 =	simm.s32 $0x1;
	s7 =	sor.u32 s1, s7  }
0x9: {  	s10 =	sshrl.u32 s9, $0x1;
	s5 =	sadd.s32 s23, s2;
	s6 =	sadd.s32 s23, s6  }
0xa: {  	s12 =	smul.u32 $0x4E, s7;
	s14 =	ssub.s32 s9, s10;
	s24 =	smin.u32 s7, $0x4  }
0xb: {  	p0 =	sgt.u32 s7, $0x3;
	s16 =	sadd.s32 s16, s11;
	s6 =	sshrl.u32 s6, $0x3  }
0xc: {  	s17 =	smul.u32 $0x140, s24;
	s30 =	sadd.s32 s28, s16;
	s16 =	simm.s32 $0xA00  }
0xd: {  	s13 =	sadd.s32 s6, s4;
	s4 =	simm.s32 $0x4E;
	s25 =	sadd.s32 s24, s12  }
0xe: {  	s6 =	sadd.s32 $0xC80, s5;
	s12 =	simm.s32 $0x1;
	s26 =	smul.u32 $0x140, s25  }
0xf: {  	s4 =	simm.s32 @!p0 $0x4F;
	s15 =	smul.u32 $0xA00, s25;
	s12 =	simm.s32 @!p0 $0x0  }
0x10: {  	s10 =	sadd.s32 $0x188E00, s13;
	s31 =	sadd.s32 s17, s30;
	s17 =	simm.s32 $0x1400  }
0x11: {  	s9 =	sadd.s32 $0x3, s12;
	s13 =	sadd.s32 $0x280, s31;
	s15 =	sshrl.u32 s15, $0x3  }
0x12: {  	s7 =	sadd.s32 s11, s26;
	s29 =	sadd.s32 s11, s15;
	s11 =	smax.u32 s14, $0x1  }
0x13: {  	v0 =	vimm.f32 $0.0e+00;
	v1 =	vimm.f32 $1.000000000e+00;
	s14 =	simm.s32 $0x2800;
	s15 =	simm.s32 $0x5;
	s12 =	sadd.s32 $0x140, s29  }
.LBB2_1:
0x14: {  	s19 =	simm.s32 $0x2840  }
0x15: {  	[tilespmem:s19+$0xFFFFFFC0] =	vst v0  }
0x16: {  	[tilespmem:s19+$0x30] =	vst v0  }
0x17: {  	[tilespmem:s19+$0x20] =	vst v0  }
0x18: {  	[tilespmem:s19+$0x10] =	vst v0  }
0x19: {  	[tilespmem:s19+$0x0] =	vst v0  }
0x1a: {  	[tilespmem:s19+$0xFFFFFFF0] =	vst v0  }
0x1b: {  	s20 =	simm.s32 $0x0;
	[tilespmem:s19+$0xFFFFFFE0] =	vst v0  }
.LBB2_2:
0x1c: {  	s20 =	sadd.s32 $0x8, s20;
	[tilespmem:s19+$0xFFFFFFD0] =	vst v0;
	s19 =	sadd.s32 $0x80, s19  }
0x1d: {  	[tilespmem:s19+$0xFFFFFFC0] =	vst v0;
	p0 =	slt.u32 s20, $0xC0  }
0x1e: {  	[tilespmem:s19+$0x30] =	vst v0  }
.Ltmp0:
0x1f: {  	[tilespmem:s19+$0x20] =	vst v0;
	(pc) =	sbr.rel @p0 .LBB2_2-.Ltmp0, $4  }
0x20: {  	[tilespmem:s19+$0x10] =	vst v0  }
0x21: {  	[tilespmem:s19+$0x0] =	vst v0  }
0x22: {  	[tilespmem:s19+$0xFFFFFFF0] =	vst v0  }
0x23: {  	[tilespmem:s19+$0xFFFFFFE0] =	vst v0  }
0x24: {  	[tilespmem:s19+$0xFFFFFFD0] =	vst v0  }
0x25: {  	[spmem:s5] =	stream.linear.scatter [tilespmem:s14], [sflag:$0x5], $0xC80, $0x38;
	[tilespmem:$0x4D80] =	vst v63  }
0x26: {  	_ =	swait.ge [sflag:s15], $0xC80  }
0x27: {  	[sflag:s15] =	ssyncset.done $0x0  }
0x28: {  	[sflag:s15] =	ssyncadd.s32 $0xFFFFF380  }
0x29: {  	[spmem:s6] =	stream.linear.scatter [tilespmem:s14], [sflag:$0x5], $0xC80, $0x38;
	[tilespmem:$0x4D80] =	vst v63  }
0x2a: {  	_ =	swait.ge [sflag:s15], $0xC80  }
0x2b: {  	[sflag:s15] =	ssyncset.done $0x0  }
0x2c: {  	s19 =	simm.s32 $0x1440;
	[sflag:s15] =	ssyncadd.s32 $0xFFFFF380  }
0x2d: {  	[tilespmem:s3], [sflag:$0x1] =	stream.linear.gather [hbm4b:s7+s3], $0xA00, $0x38;
	[tilespmem:$0x4D80] =	vst v63  }
0x2e: {  	[tilespmem:s19+$0xFFFFFFC0] =	vst v1  }
0x2f: {  	[tilespmem:s19+$0x30] =	vst v1  }
0x30: {  	[tilespmem:s19+$0x20] =	vst v1  }
0x31: {  	[tilespmem:s19+$0x10] =	vst v1  }
0x32: {  	[tilespmem:s19+$0x0] =	vst v1  }
0x33: {  	[tilespmem:s19+$0xFFFFFFF0] =	vst v1  }
0x34: {  	s20 =	simm.s32 $0x0;
	[tilespmem:s19+$0xFFFFFFE0] =	vst v1  }
.LBB2_4:
0x35: {  	s20 =	sadd.s32 $0x8, s20;
	[tilespmem:s19+$0xFFFFFFD0] =	vst v1;
	s19 =	sadd.s32 $0x80, s19  }
0x36: {  	[tilespmem:s19+$0xFFFFFFC0] =	vst v1;
	p0 =	slt.u32 s20, $0x98  }
0x37: {  	[tilespmem:s19+$0x30] =	vst v1  }
.Ltmp1:
0x38: {  	[tilespmem:s19+$0x20] =	vst v1;
	(pc) =	sbr.rel @p0 .LBB2_4-.Ltmp1, $4  }
0x39: {  	[tilespmem:s19+$0x10] =	vst v1  }
0x3a: {  	[tilespmem:s19+$0x0] =	vst v1  }
0x3b: {  	[tilespmem:s19+$0xFFFFFFF0] =	vst v1  }
0x3c: {  	[tilespmem:s19+$0xFFFFFFE0] =	vst v1  }
0x3d: {  	[tilespmem:s19+$0xFFFFFFD0] =	vst v1  }
0x3e: {  	p1 =	sne.s32 s4, $0x3;
	[bflag:$0x0] =	sbarrier.arrive $0xFFFF  }
0x3f: {  	[tilespmem:s16], [sflag:$0x2] =	stream.linear.gather [hbm4b:s12+s3], $0xA00, $0x38;
	[tilespmem:$0x4D80] =	vst v63  }
.Ltmp2:
0x40: {  	_ = 	snop;
	(pc) =	sbr.rel @!p1 .LBB2_6-.Ltmp2, $4  }
0x41: {  	_ =	swait.ge [sflag:s8], $0xA00  }
0x42: {  	s31 =	simm.s32 $0x1;
	s20 =	simm.s32 $0x2;
	[sflag:s8] =	ssyncset.done $0x0  }
0x43: {  	p0 =	por $0x0, $0x0;
	s19 =	sand.u32 $0x1, s31;
	[sflag:s8] =	ssyncadd.s32 $0xFFFFF600  }
0x44: {  	[spmem:s2] =	stream.indirect.scatter.add.f32 [tilespmem:s17], [sflag:$0x3], $0x1, s3, s16, $0xb8;
	[tilespmem:$0x4D80] =	vst v63  }
0x45: {  	s20 =	sxor.u32 $0x1, s19  }
0x46: {  	s22 =	sadd.s32 $0x3, s20  }
0x47: {  	s21 =	sadd.s32 $0x3, s19;
	s24 =	smul.u32 $0x2800, s20;
	_ =	swait.ge [sflag:s22], $0xA00  }
0x48: {  	p1 =	sne.s32 s4, $0x4;
	s20 =	sadd.s32 $0x1, s20;
	[sflag:s22] =	ssyncset.done $0x0  }
.Ltmp3:
0x49: {  	s24 =	sshrl.u32 s24, $0x2;
	[sflag:s22] =	ssyncadd.s32 $0xFFFFF600;
	(pc) =	sbr.rel @!p1 .LBB2_8-.Ltmp3, $4  }
0x4a: {  	[tilespmem:s24], [sflag:s20] =	stream.linear.gather [hbm4b:s13+s3], $0xA00, $0x38;
	[tilespmem:$0x4D80] =	vst v63  }
0x4b: {  	s23 =	simm.s32 $0x4;
	s31 =	simm.s32 $0x2;
	s24 =	sadd.s32 $0x1, s19  }
0x4c: {  	s25 =	smul.u32 $0x2800, s19;
	p0 =	por $0x1, $0x1;
	_ =	swait.ge [sflag:s24], $0xA00  }
0x4d: {  	s22 =	sadd.s32 $0x140, s13;
	s19 =	sand.u32 $0x1, s31;
	[sflag:s24] =	ssyncset.done $0x0  }
.LBB2_9:
0x4e: {  	s20 =	smov.u32 s23  }
0x4f: {  	s26 =	sxor.u32 $0x1, s19;
	s25 =	sshrl.u32 s25, $0x2;
	s28 =	smov.u32 s21  }
0x50: {  	s21 =	sadd.s32 $0x3, s19;
	s29 =	smov.u32 s23;
	s23 =	sadd.s32 $0x1, s23  }
0x51: {  	s30 =	sadd.s32 $0x3, s26;
	s31 =	smul.u32 $0x2800, s26;
	[sflag:s24] =	ssyncadd.s32 $0xFFFFF600  }
0x52: {  	[spmem:s2] =	stream.indirect.scatter.add.f32 [tilespmem:s17], [sflag:s28], $0x1, s25, s16, $0xb8;
	[tilespmem:$0x4D80] =	vst v63  }
0x53: {  	p1 =	sne.s32 s4, s23;
	s25 =	sshrl.u32 s31, $0x2;
	_ =	swait.ge [sflag:s30], $0xA00  }
.Ltmp4:
0x54: {  	[sflag:s30] =	ssyncset.done $0x0;
	(pc) =	sbr.rel @p1 .LBB2_9-.Ltmp4, $4  }
0x55: {  	s26 =	sadd.s32 $0x1, s26;
	s24 =	sadd.s32 $0x1, s19;
	[sflag:s30] =	ssyncadd.s32 $0xFFFFF600  }
0x56: {  	[tilespmem:s25], [sflag:s26] =	stream.linear.gather [hbm4b:s22+s3], $0xA00, $0x38;
	[tilespmem:$0x4D80] =	vst v63  }
0x57: {  	s26 =	sadd.s32 $0xFFFFFFFF, s29;
	s25 =	smul.u32 $0x2800, s19;
	_ =	swait.ge [sflag:s24], $0xA00  }
0x58: {  	s22 =	sadd.s32 $0x140, s22;
	s19 =	sand.u32 $0x1, s26;
	[sflag:s24] =	ssyncset.done $0x0  }
.LBB2_10:
0x59: {  	s23 =	sxor.u32 $0x1, s19  }
0x5a: {  	s25 =	sshrl.u32 @p0 s25, $0x2;
	[sflag:s24] =	ssyncadd.s32 @p0 $0xFFFFF600;
	s26 =	sadd.s32 $0x3, s23  }
0x5b: {  	[spmem:s2] =	stream.indirect.scatter.add.f32 @p0 [tilespmem:s17], [sflag:s21], $0x1, s25, s16, $0xb8;
	[tilespmem:$0x4D80] =	vst v63  }
0x5c: {  	s28 =	smul.u32 $0x2800, s23;
	_ =	swait.ge [sflag:s26], $0xA00  }
0x5d: {  	s31 =	sadd.s32 $0x1, s19;
	[sflag:s26] =	ssyncset.done $0x0  }
0x5e: {  	s23 =	sadd.s32 $0x1, s23;
	s30 =	sshrl.u32 s28, $0x2;
	[sflag:s26] =	ssyncadd.s32 $0xFFFFF600  }
0x5f: {  	[tilespmem:s30], [sflag:s23] =	stream.linear.gather [hbm4b:s22+s3], $0xA00, $0x38;
	[tilespmem:$0x4D80] =	vst v63  }
0x60: {  	s26 =	sand.u32 $0x1, s20;
	s23 =	smul.u32 $0x2800, s19;
	_ =	swait.ge [sflag:s31], $0xA00  }
0x61: {  	s25 =	sadd.s32 $0x3, s19;
	s20 =	sxor.u32 $0x1, s26;
	[sflag:s31] =	ssyncset.done $0x0  }
0x62: {  	s20 =	sadd.s32 $0x3, s20;
	s21 =	sshrl.u32 s23, $0x2;
	[sflag:s31] =	ssyncadd.s32 $0xFFFFF600  }
0x63: {  	[spmem:s2] =	stream.indirect.scatter.add.f32 [tilespmem:s17], [sflag:s25], $0x1, s21, s16, $0xb8;
	[tilespmem:$0x4D80] =	vst v63  }
0x64: {  	_ =	swait.ge [sflag:s20], $0xA00  }
0x65: {  	[sflag:s20] =	ssyncset.done $0x0  }
0x66: {  	s28 =	sadd.s32 $0x1, s26;
	[sflag:s20] =	ssyncadd.s32 $0xFFFFF600  }
0x67: {  	s29 =	smul.u32 $0x2800, s26;
	_ =	swait.ge [sflag:s28], $0xA00  }
0x68: {  	[sflag:s28] =	ssyncset.done $0x0  }
0x69: {  	s19 =	sadd.s32 $0x3, s26;
	s21 =	sshrl.u32 s29, $0x2;
	[sflag:s28] =	ssyncadd.s32 $0xFFFFF600  }
0x6a: {  	[spmem:s2] =	stream.indirect.scatter.add.f32 [tilespmem:s17], [sflag:s19], $0x1, s21, s16, $0xb8;
	[tilespmem:$0x4D80] =	vst v63  }
0x6b: {  	_ =	swait.ge [sflag:s9], $0xA00  }
0x6c: {  	s18 =	sadd.s32 $0x1, s18;
	[sflag:s9] =	ssyncset.done $0x0  }
0x6d: {  	p0 =	sne.s32 s18, s11;
	s30 =	sshll.u32 s1, $0x6;
	[sflag:s9] =	ssyncadd.s32 $0xFFFFF600  }
0x6e: {  	s31 =	sshrl.u32 s5, $0x3;
	s19 =	sor.u32 $0x1C05, s30;
	[bflag:$0x0] =	sbarrier.arrive $0xFFFF  }
0x6f: {  	[hbm:s10], [sflag:s19] =	dma.local [spmem:s31], $0x320  }
.Ltmp5:
0x70: {  	_ = 	snop;
	(pc) =	sbr.rel @p0 .LBB2_1-.Ltmp5, $4  }
.Ltmp6:
0x71: {  	_ = 	snop;
	(pc) =	sbr.rel @!p0 .LBB2_11-.Ltmp6, $4  }
0x72: {  	_ =	swait.ge [sflag:s15], $0x320  }
0x73: {  	[sflag:s15] =	ssyncset.done $0x0  }
0x74: {  	[sflag:s15] =	ssyncadd.s32 $0xFFFFFCE0  }
0x75: {  	_ = 	snop  }
.LBB2_6:
.Ltmp7:
0x76: {  	(pc) =	sbr.rel .LBB2_10-.Ltmp7, $2  }
0x77: {  	_ =	sdelay $0x2  }
0x78: {  	s22 =	smov.u32 s13  }
.LBB2_8:
.Ltmp8:
0x79: {  	(pc) =	sbr.rel .LBB2_10-.Ltmp8, $2  }
0x7a: {  	_ =	sdelay $0x2  }
0x7b: {  	s20 =	simm.s32 $0x3  }
.LBB2_11:
0x7c: {  	_ =	sfence.sel $0x180000  }
0x7d: {  	[bflag:$0x0] =	sbarrier.arrive $0xFFFF  }
0x7e: {  	p0 =	sne.s32 s1, $0x0;
	_ =	strace $0x90000047  }
0x7f: {  	s0 =	sadd.s32 @!p0 $0x100000, s0;
	[bflag:$0x2] =	sbarrier.arrive $0xFFFF  }
0x80: {  	[sflag:s0] =	ssyncadd.tile.s32 @!p0 $0x1;
	_ =	shalt  }
.Lfunc_end2:
_tile_overlayer_lowered:
.L_overlay_start_2:
0x81: {  	(tag) =	ssettag $0x2  }
0x82: {  	s0 =	rddreg [dreg:$0x0];
	s2 =	stileid.u32  }
0x83: {  	s1 =	rddreg [dreg:$0x1];
	p0 =	sne.s32 s2, $0x0  }
0x84: {  	s3 =	rddreg [dreg:$0x2];
	[bflag:$0x3] =	sbarrier.arrive $0xFFFF;
	s2 =	simm.s32 @!p0 $0x1C05  }
0x85: {  	[timem:s3], [sflag:s2] =	dma.local @!p0 [hbm:s0], s1  }
0x86: {  	s0 =	simm.s32 @!p0 $0x5  }
0x87: {  	_ =	swait.ge @!p0 [sflag:s0], s1  }
0x88: {  	s1 =	ssub.s32 @!p0 $0x0, s1;
	[sflag:s0] =	ssyncset.done @!p0 $0x0  }
0x89: {  	[sflag:s0] =	ssyncadd.s32 @!p0 s1  }
0x8a: {  	[bflag:$0x3] =	sbarrier.arrive $0xFFFF  }
0x8b: {  	_ =	shalt  }

</sc_bundles>
